<compile_context>
chip_gen: v7x
topology: tpu7x:2x2x1
jax: 0.10.2.dev20260603
libtpu: 0.0.44.dev20260713+nightly
codegen_flags: <defaults>
</compile_context>

<pallas_src>
import functools

import jax
import jax.numpy as jnp
from jax import lax
from jax.experimental import pallas as pl
from jax.experimental.pallas import tpu as pltpu
from jax.experimental.pallas import tpu_sc as plsc

_NUM_CORES = 2
_NUM_SUBCORES = 16
_NUM_WORKERS = _NUM_CORES * _NUM_SUBCORES
_LANES = 16
_BLK = 128


def _pick_chunk(n_edges: int) -> int:
    for c in range(2560, _BLK - 1, -_BLK):
        if n_edges % c == 0:
            return c
    return _BLK


def _sc_body(pos4_hbm, ei_hbm, ox_hbm, oy_hbm, oz_hbm,
             idx_v, rows_v, ox_v, oy_v, oz_v,
             sem_idx, sem_row, sem_out,
             *, chunk: int, n_chunks: int):
    wid = lax.axis_index("s") * _NUM_CORES + lax.axis_index("c")
    n_mine = (n_chunks - wid + _NUM_WORKERS - 1) // _NUM_WORKERS
    grp_per_blk = _BLK // _LANES

    lane_iota = lax.iota(jnp.int32, _LANES)
    comp = [jnp.full((_LANES,), j, jnp.int32) for j in range(3)]
    half = jnp.float32(0.5)
    threehalf = jnp.float32(1.5)
    magic = jnp.int32(0x5F3759DF)

    def idx_half(j):
        return idx_v.at[pl.ds((j % 2) * chunk * 2, chunk * 2)]

    def rows_half(j):
        return rows_v.at[pl.ds((j % 2) * chunk * 2, chunk * 2), :]

    def ei_src(j):
        off = (wid + j * _NUM_WORKERS) * chunk
        return ei_hbm.at[pl.ds(off * 2, chunk * 2)]

    def out_parts(j):
        o = pl.ds((j % 2) * chunk, chunk)
        off = (wid + j * _NUM_WORKERS) * chunk
        h = pl.ds(off, chunk)
        return ((ox_v.at[o], ox_hbm.at[h]), (oy_v.at[o], oy_hbm.at[h]),
                (oz_v.at[o], oz_hbm.at[h]))

    def idx_copy(j):
        return pltpu.make_async_copy(ei_src(j), idx_half(j),
                                     sem_idx.at[j % 2])

    def row_copy(j):
        return pltpu.make_async_copy(pos4_hbm.at[idx_half(j)], rows_half(j),
                                     sem_row.at[j % 2])

    idx_copy(0).start()
    idx_copy(1).start()
    idx_copy(0).wait()
    row_copy(0).start()

    def chunk_body(j, _):
        sel = (j % 2) * chunk * 2

        @pl.when(j + 1 < n_mine)
        def _fire_next_gather():
            idx_copy(j + 1).wait()
            row_copy(j + 1).start()

        row_copy(j).wait()

        @pl.when(j + 2 < n_mine)
        def _fire_next_idx():
            idx_copy(j + 2).start()

        @pl.when(j >= 2)
        def _drain_out():
            for src, dst in out_parts(j - 2):
                pltpu.make_async_copy(src, dst, sem_out.at[j % 2]).wait()

        osel = (j % 2) * chunk

        def blk_body(b, _):
            r0 = sel + b * (2 * _BLK)
            e0b = osel + b * _BLK
            for t in range(grp_per_blk):
                eid_r = lane_iota + (r0 + t * _LANES)
                eid_c = eid_r + _BLK
                rx = plsc.load_gather(rows_v, [eid_r, comp[0]])
                ry = plsc.load_gather(rows_v, [eid_r, comp[1]])
                rz = plsc.load_gather(rows_v, [eid_r, comp[2]])
                cx = plsc.load_gather(rows_v, [eid_c, comp[0]])
                cy = plsc.load_gather(rows_v, [eid_c, comp[1]])
                cz = plsc.load_gather(rows_v, [eid_c, comp[2]])
                osl = pl.ds(e0b + t * _LANES, _LANES)
                dx = cx - rx
                dy = cy - ry
                dz = cz - rz
                s = dx * dx + dy * dy + dz * dz
                s_bits = lax.bitcast_convert_type(s, jnp.int32)
                y = lax.bitcast_convert_type(magic - (s_bits >> 1),
                                             jnp.float32)
                xh = s * half
                y = y * (threehalf - xh * y * y)
                y = y * (threehalf - xh * y * y)
                h = y * half
                ox_v[osl] = dx * h + half
                oy_v[osl] = dy * h + half
                oz_v[osl] = dz * h + half
            return _

        lax.fori_loop(0, chunk // _BLK, blk_body, None)
        for src, dst in out_parts(j):
            pltpu.make_async_copy(src, dst, sem_out.at[j % 2]).start()
        return _

    lax.fori_loop(0, n_mine, chunk_body, None)

    def drain_body(j, _):
        @pl.when(j >= lax.max(n_mine - 2, 0))
        def _():
            for src, dst in out_parts(j):
                pltpu.make_async_copy(src, dst, sem_out.at[j % 2]).wait()
        return _

    lax.fori_loop(lax.max(n_mine - 2, 0), n_mine, drain_body, None)


@functools.cache
def _build(n_edges: int):
    chunk = _pick_chunk(n_edges)
    n_chunks = n_edges // chunk
    mesh = plsc.VectorSubcoreMesh(core_axis_name="c", subcore_axis_name="s",
                                  num_cores=_NUM_CORES,
                                  num_subcores=_NUM_SUBCORES)
    comp = jax.ShapeDtypeStruct((n_edges,), jnp.float32)
    return pl.kernel(
        functools.partial(_sc_body, chunk=chunk, n_chunks=n_chunks),
        out_type=(comp, comp, comp),
        mesh=mesh,
        scratch_types=[
            pltpu.VMEM((chunk * 4,), jnp.int32),
            pltpu.VMEM((chunk * 4, 8), jnp.float32),
            pltpu.VMEM((chunk * 2,), jnp.float32),
            pltpu.VMEM((chunk * 2,), jnp.float32),
            pltpu.VMEM((chunk * 2,), jnp.float32),
            pltpu.SemaphoreType.DMA((2,)),
            pltpu.SemaphoreType.DMA((2,)),
            pltpu.SemaphoreType.DMA((2,)),
        ],
        compiler_params=pltpu.CompilerParams(needs_layout_passes=False,
                                             use_tc_tiling_on_sc=False),
    )


def kernel(pos, edge_index, edge_weight):
    n_edges = edge_weight.shape[0]
    pos4 = jnp.concatenate(
        [pos.astype(jnp.float32),
         jnp.zeros((pos.shape[0], 5), jnp.float32)], axis=1)
    ei_blk = (edge_index.astype(jnp.int32)
              .reshape(2, n_edges // _BLK, _BLK)
              .transpose(1, 0, 2)
              .reshape(2 * n_edges))
    ox, oy, oz = _build(n_edges)(pos4, ei_blk)
    return jnp.stack([ox, oy, oz, edge_weight.astype(jnp.float32)], axis=1)

# --- scband reference (transcript-rebuilt; emitter-appended) ---
"""Pipeline reference for scband-cartesian-sphere-adj-44023414784331 (READ-ONLY COPY).

The authoritative reference and input builder live on the scoring server;
editing this copy changes nothing except your own understanding.
"""

import jax, jax.numpy as jnp
import numpy as np

N_NODES = 100000
N_EDGES = 6400000

def setup_inputs(seed: int = 0) -> dict:
    key = jax.random.key(seed)
    k1, k2, k3 = jax.random.split(key, 3)
    pos = jax.random.normal(k1, (N_NODES, 3), dtype=jnp.float32)
    edge_index = jax.random.randint(k2, (2, N_EDGES), 0, N_NODES, dtype=jnp.int64)
    # avoid self-loops (row == col) which would give zero-length relative
    # position vectors and NaNs in the normalization
    row, col = edge_index[0], edge_index[1]
    col = jnp.where(col == row, (col + 1) % N_NODES, col)
    edge_index = jnp.stack([row, col], axis=0)
    edge_weight = jax.random.uniform(k3, (N_EDGES,), dtype=jnp.float32)
    return {"pos": pos, "edge_index": edge_index, "edge_weight": edge_weight}

def reference(pos, edge_index, edge_weight):
    # CartesianSphereAdj forward:
    # relative Cartesian position, normalized to [0, 1] per edge by its own
    # Euclidean length, then concatenated with the existing scalar edge weight.
    row = edge_index[0]
    col = edge_index[1]
    weight = pos[col] - pos[row]                               # gather [E, 3]
    lengths = jnp.sqrt((weight ** 2).sum(axis=1, keepdims=True))
    weight = weight * (1.0 / (2.0 * lengths))
    weight = weight + 0.5
    out = jnp.concatenate([weight, edge_weight[:, None]], axis=1)  # [E, 4]
    return out

if __name__ == "__main__":
    import jax
    _d = setup_inputs()
    print(jax.jit(kernel)(*tuple(_d.values())))

</pallas_src>

<mosaic_0001>
#map = affine_map<(d0, d1) -> (0, 0)>
#map1 = affine_map<(d0, d1) -> (0)>
module attributes {stable_mosaic.version = 14 : i64} {
  func.func @_sc_body(%arg0: i32, %arg1: i32, %arg2: memref<100000x8xf32, #tpu.memory_space<hbm>>, %arg3: memref<12800000xi32, #tpu.memory_space<hbm>>, %arg4: memref<6400000xf32, #tpu.memory_space<hbm>>, %arg5: memref<6400000xf32, #tpu.memory_space<hbm>>, %arg6: memref<6400000xf32, #tpu.memory_space<hbm>>, %arg7: memref<10240xi32, #tpu.memory_space<vmem>>, %arg8: memref<10240x8xf32, #tpu.memory_space<vmem>>, %arg9: memref<5120xf32, #tpu.memory_space<vmem>>, %arg10: memref<5120xf32, #tpu.memory_space<vmem>>, %arg11: memref<5120xf32, #tpu.memory_space<vmem>>, %arg12: memref<2x!tpu.dma_semaphore, #tpu.memory_space<semaphore_mem>>, %arg13: memref<2x!tpu.dma_semaphore, #tpu.memory_space<semaphore_mem>>, %arg14: memref<2x!tpu.dma_semaphore, #tpu.memory_space<semaphore_mem>>) attributes {dimension_semantics = [#tpu.dimension_semantics<core_parallel>, #tpu.dimension_semantics<subcore_parallel>], iteration_bounds = array<i64: 2, 16>, scalar_prefetch = 0 : i64, scratch_operands = 8 : i64, tpu.core_type = #tpu.core_type<sc_vector_subcore>, window_params = [{transform_indices = #map}, {transform_indices = #map1}, {transform_indices = #map1}, {transform_indices = #map1}, {transform_indices = #map1}]} {
    %mul3A = arith.constant 2 : i32
    %mul3A_0 = arith.muli %arg1, %mul3A : i32
    %add3A = arith.addi %mul3A_0, %arg0 : i32
    %sub3A = arith.constant 2500 : i32
    %sub3A_1 = arith.subi %sub3A, %add3A : i32
    %add3A_2 = arith.constant 32 : i32
    %add3A_3 = arith.addi %sub3A_1, %add3A_2 : i32
    %sub3A_4 = arith.constant 1 : i32
    %sub3A_5 = arith.subi %add3A_3, %sub3A_4 : i32
    %jit3A = arith.constant 32 : i32
    %div3A = arith.divsi %sub3A_5, %jit3A : i32
    %sign3A = arith.constant 0 : i32
    %sign3A_6 = arith.cmpi sgt, %sub3A_5, %sign3A : i32
    %sign3A_7 = arith.extui %sign3A_6 : i1 to i32
    %sign3A_8 = arith.constant 0 : i32
    %sign3A_9 = arith.cmpi slt, %sub3A_5, %sign3A_8 : i32
    %sign3A_10 = arith.extui %sign3A_9 : i1 to i32
    %sign3A_11 = arith.subi %sign3A_7, %sign3A_10 : i32
    %sign3A_12 = arith.constant 0 : i32
    %sign3A_13 = arith.cmpi sgt, %jit3A, %sign3A_12 : i32
    %sign3A_14 = arith.extui %sign3A_13 : i1 to i32
    %sign3A_15 = arith.constant 0 : i32
    %sign3A_16 = arith.cmpi slt, %jit3A, %sign3A_15 : i32
    %sign3A_17 = arith.extui %sign3A_16 : i1 to i32
    %sign3A_18 = arith.subi %sign3A_14, %sign3A_17 : i32
    %ne3A = arith.cmpi ne, %sign3A_11, %sign3A_18 : i32
    %rem3A = arith.remsi %sub3A_5, %jit3A : i32
    %ne3A_19 = arith.constant 0 : i32
    %ne3A_20 = arith.cmpi ne, %rem3A, %ne3A_19 : i32
    %and3A = arith.andi %ne3A, %ne3A_20 : i1
    %sub3A_21 = arith.constant 1 : i32
    %sub3A_22 = arith.subi %div3A, %sub3A_21 : i32
    %select_n3A = arith.select %and3A, %sub3A_22, %div3A : i32
    %iota3A = tpu.iota {dimensions = array<i32: 0>} : vector<16xi32>
    %broadcast_in_dim3A = arith.constant 0 : i32
    %broadcast_in_dim3A_23 = vector.broadcast %broadcast_in_dim3A : i32 to vector<16xi32>
    %broadcast_in_dim3A_24 = arith.constant 1 : i32
    %broadcast_in_dim3A_25 = vector.broadcast %broadcast_in_dim3A_24 : i32 to vector<16xi32>
    %broadcast_in_dim3A_26 = arith.constant 2 : i32
    %broadcast_in_dim3A_27 = vector.broadcast %broadcast_in_dim3A_26 : i32 to vector<16xi32>
    %add3A_28 = arith.constant 0 : i32
    %add3A_29 = arith.addi %add3A, %add3A_28 : i32
    %mul3A_30 = arith.constant 2560 : i32
    %mul3A_31 = arith.muli %add3A_29, %mul3A_30 : i32
    %mul3A_32 = arith.constant 2 : i32
    %mul3A_33 = arith.muli %mul3A_31, %mul3A_32 : i32
    %dma_start3A = arith.constant 0 : i32
    %dma_start3A_34 = arith.constant 0 : i32
    %dma_start3A_35 = tpu.memref_slice %arg7[%dma_start3A_34] : memref<10240xi32, #tpu.memory_space<vmem>> -> memref<5120xi32, #tpu.memory_space<vmem>>
    %dma_start3A_36 = tpu.memref_slice %arg3[%mul3A_33] : memref<12800000xi32, #tpu.memory_space<hbm>> -> memref<5120xi32, #tpu.memory_space<hbm>>
    %dma_start3A_37 = tpu.memref_slice %arg12[%dma_start3A] : memref<2x!tpu.dma_semaphore, #tpu.memory_space<semaphore_mem>> -> memref<1x!tpu.dma_semaphore, #tpu.memory_space<semaphore_mem>>
    %dma_start3A_38 = tpu.memref_squeeze %dma_start3A_37 : memref<1x!tpu.dma_semaphore, #tpu.memory_space<semaphore_mem>> -> memref<!tpu.dma_semaphore, #tpu.memory_space<semaphore_mem>>
    %dma_start3A_39 = arith.constant 0 : i32
    %dma_start3A_40 = tpu.memref_slice %arg7[%dma_start3A_39] : memref<10240xi32, #tpu.memory_space<vmem>> -> memref<5120xi32, #tpu.memory_space<vmem>>
    %dma_start3A_41 = tpu.memref_slice %arg3[%mul3A_33] : memref<12800000xi32, #tpu.memory_space<hbm>> -> memref<5120xi32, #tpu.memory_space<hbm>>
    tpu.enqueue_dma source(%dma_start3A_41 : memref<5120xi32, #tpu.memory_space<hbm>>) target(%dma_start3A_40 : memref<5120xi32, #tpu.memory_space<vmem>>) target_semaphore(%dma_start3A_38 : memref<!tpu.dma_semaphore, #tpu.memory_space<semaphore_mem>>)
    %add3A_42 = arith.constant 32 : i32
    %add3A_43 = arith.addi %add3A, %add3A_42 : i32
    %mul3A_44 = arith.constant 2560 : i32
    %mul3A_45 = arith.muli %add3A_43, %mul3A_44 : i32
    %mul3A_46 = arith.constant 2 : i32
    %mul3A_47 = arith.muli %mul3A_45, %mul3A_46 : i32
    %dma_start3A_48 = arith.constant 1 : i32
    %dma_start3A_49 = arith.constant 5120 : i32
    %dma_start3A_50 = tpu.memref_slice %arg7[%dma_start3A_49] : memref<10240xi32, #tpu.memory_space<vmem>> -> memref<5120xi32, #tpu.memory_space<vmem>>
    %dma_start3A_51 = tpu.memref_slice %arg3[%mul3A_47] : memref<12800000xi32, #tpu.memory_space<hbm>> -> memref<5120xi32, #tpu.memory_space<hbm>>
    %dma_start3A_52 = tpu.memref_slice %arg12[%dma_start3A_48] : memref<2x!tpu.dma_semaphore, #tpu.memory_space<semaphore_mem>> -> memref<1x!tpu.dma_semaphore, #tpu.memory_space<semaphore_mem>>
    %dma_start3A_53 = tpu.memref_squeeze %dma_start3A_52 : memref<1x!tpu.dma_semaphore, #tpu.memory_space<semaphore_mem>> -> memref<!tpu.dma_semaphore, #tpu.memory_space<semaphore_mem>>
    %dma_start3A_54 = arith.constant 5120 : i32
    %dma_start3A_55 = tpu.memref_slice %arg7[%dma_start3A_54] : memref<10240xi32, #tpu.memory_space<vmem>> -> memref<5120xi32, #tpu.memory_space<vmem>>
    %dma_start3A_56 = tpu.memref_slice %arg3[%mul3A_47] : memref<12800000xi32, #tpu.memory_space<hbm>> -> memref<5120xi32, #tpu.memory_space<hbm>>
    tpu.enqueue_dma source(%dma_start3A_56 : memref<5120xi32, #tpu.memory_space<hbm>>) target(%dma_start3A_55 : memref<5120xi32, #tpu.memory_space<vmem>>) target_semaphore(%dma_start3A_53 : memref<!tpu.dma_semaphore, #tpu.memory_space<semaphore_mem>>)
    %add3A_57 = arith.constant 0 : i32
    %add3A_58 = arith.addi %add3A, %add3A_57 : i32
    %mul3A_59 = arith.constant 2560 : i32
    %mul3A_60 = arith.muli %add3A_58, %mul3A_59 : i32
    %mul3A_61 = arith.constant 2 : i32
    %mul3A_62 = arith.muli %mul3A_60, %mul3A_61 : i32
    %dma_wait3A = arith.constant 0 : i32
    %dma_wait3A_63 = arith.constant 0 : i32
    %dma_wait3A_64 = tpu.memref_slice %arg7[%dma_wait3A_63] : memref<10240xi32, #tpu.memory_space<vmem>> -> memref<5120xi32, #tpu.memory_space<vmem>>
    %dma_wait3A_65 = tpu.memref_slice %arg3[%mul3A_62] : memref<12800000xi32, #tpu.memory_space<hbm>> -> memref<5120xi32, #tpu.memory_space<hbm>>
    %dma_wait3A_66 = tpu.memref_slice %arg12[%dma_wait3A] : memref<2x!tpu.dma_semaphore, #tpu.memory_space<semaphore_mem>> -> memref<1x!tpu.dma_semaphore, #tpu.memory_space<semaphore_mem>>
    %dma_wait3A_67 = tpu.memref_squeeze %dma_wait3A_66 : memref<1x!tpu.dma_semaphore, #tpu.memory_space<semaphore_mem>> -> memref<!tpu.dma_semaphore, #tpu.memory_space<semaphore_mem>>
    %dma_wait3A_68 = arith.constant 0 : i32
    %dma_wait3A_69 = tpu.memref_slice %arg7[%dma_wait3A_68] : memref<10240xi32, #tpu.memory_space<vmem>> -> memref<5120xi32, #tpu.memory_space<vmem>>
    %dma_wait3A_70 = tpu.memref_slice %arg3[%mul3A_62] : memref<12800000xi32, #tpu.memory_space<hbm>> -> memref<5120xi32, #tpu.memory_space<hbm>>
    tpu.wait_dma2 semaphore(%dma_wait3A_67 : memref<!tpu.dma_semaphore, #tpu.memory_space<semaphore_mem>>) src(%dma_wait3A_70 : memref<5120xi32, #tpu.memory_space<hbm>>) dst(%dma_wait3A_69 : memref<5120xi32, #tpu.memory_space<vmem>>)
    %dma_start3A_71 = arith.constant 0 : i32
    %dma_start3A_72 = arith.constant 0 : i32
    %dma_start3A_73 = arith.constant 0 : i32
    %dma_start3A_74 = tpu.memref_slice %arg8[%dma_start3A_72, %dma_start3A_73] : memref<10240x8xf32, #tpu.memory_space<vmem>> -> memref<5120x8xf32, #tpu.memory_space<vmem>>
    %dma_start3A_75 = arith.constant 0 : i32
    %dma_start3A_76 = tpu.memref_slice %arg7[%dma_start3A_75] : memref<10240xi32, #tpu.memory_space<vmem>> -> memref<5120xi32, #tpu.memory_space<vmem>>
    %dma_start3A_77 = arith.constant 0 : i32
    %dma_start3A_78 = arith.constant 0 : i32
    %dma_start3A_79 = tpu.memref_slice %arg2[%dma_start3A_77, %dma_start3A_78] : memref<100000x8xf32, #tpu.memory_space<hbm>> -> memref<100000x8xf32, #tpu.memory_space<hbm>>
    %dma_start3A_80 = tpu.memref_slice %arg13[%dma_start3A_71] : memref<2x!tpu.dma_semaphore, #tpu.memory_space<semaphore_mem>> -> memref<1x!tpu.dma_semaphore, #tpu.memory_space<semaphore_mem>>
    %dma_start3A_81 = tpu.memref_squeeze %dma_start3A_80 : memref<1x!tpu.dma_semaphore, #tpu.memory_space<semaphore_mem>> -> memref<!tpu.dma_semaphore, #tpu.memory_space<semaphore_mem>>
    tpu.enqueue_indirect_dma source(%dma_start3A_79 : memref<100000x8xf32, #tpu.memory_space<hbm>>) target(%dma_start3A_74 : memref<5120x8xf32, #tpu.memory_space<vmem>>) offsets(%dma_start3A_76 : memref<5120xi32, #tpu.memory_space<vmem>>) semaphore(%dma_start3A_81 : memref<!tpu.dma_semaphore, #tpu.memory_space<semaphore_mem>>)
    %while3A = arith.constant 1597463007 : i32
    %while3A_82 = arith.constant 5.000000e-01 : f32
    %while3A_83 = arith.constant 1.500000e+00 : f32
    %while3A_84 = arith.constant 0 : i32
    %while3A_85 = arith.subi %select_n3A, %while3A_84 : i32
    %while3A_86 = arith.addi %while3A_84, %while3A_85 : i32
    %while3A_87 = arith.constant 1 : i32
    %while3A_88 = arith.divsi %while3A_85, %while3A_87 : i32
    %while3A_89 = arith.muli %while3A_88, %while3A_87 : i32
    %while3A_90 = arith.addi %while3A_84, %while3A_89 : i32
    %while3A_91 = arith.constant 1 : i32
    scf.for %while3A_104 = %while3A_84 to %while3A_90 step %while3A_91  : i32 {
      %jit3A_105 = arith.constant 2 : i32
      %eq3A = arith.constant 0 : i32
      %eq3A_106 = arith.cmpi eq, %jit3A_105, %eq3A : i32
      %jit3A_107 = arith.constant 1 : i32
      %select_n3A_108 = arith.select %eq3A_106, %jit3A_107, %jit3A_105 : i32
      %rem3A_109 = arith.remsi %while3A_104, %select_n3A_108 : i32
      %ne3A_110 = arith.constant 0 : i32
      %ne3A_111 = arith.cmpi ne, %rem3A_109, %ne3A_110 : i32
      %lt3A = arith.constant 0 : i32
      %lt3A_112 = arith.cmpi slt, %rem3A_109, %lt3A : i32
      %lt3A_113 = arith.constant 0 : i32
      %lt3A_114 = arith.cmpi slt, %select_n3A_108, %lt3A_113 : i32
      %ne3A_115 = arith.xori %lt3A_112, %lt3A_114 : i1
      %and3A_116 = arith.andi %ne3A_115, %ne3A_111 : i1
      %add3A_117 = arith.addi %rem3A_109, %select_n3A_108 : i32
      %select_n3A_118 = arith.select %and3A_116, %add3A_117, %rem3A_109 : i32
      %mul3A_119 = arith.constant 2560 : i32
      %mul3A_120 = arith.muli %select_n3A_118, %mul3A_119 : i32
      %mul3A_121 = arith.constant 2 : i32
      %mul3A_122 = arith.muli %mul3A_120, %mul3A_121 : i32
      %add3A_123 = arith.constant 1 : i32
      %add3A_124 = arith.addi %while3A_104, %add3A_123 : i32
      %lt3A_125 = arith.cmpi slt, %add3A_124, %select_n3A : i32
      %convert_element_type3A = arith.extui %lt3A_125 : i1 to i32
      %cond3A = arith.constant 0 : i32
      %cond3A_126 = arith.cmpi ne, %convert_element_type3A, %cond3A : i32
      scf.if %cond3A_126 {
        %add3A_312 = arith.constant 1 : i32
        %add3A_313 = arith.addi %while3A_104, %add3A_312 : i32
        %mul3A_314 = arith.constant 32 : i32
        %mul3A_315 = arith.muli %add3A_313, %mul3A_314 : i32
        %add3A_316 = arith.addi %add3A, %mul3A_315 : i32
        %mul3A_317 = arith.constant 2560 : i32
        %mul3A_318 = arith.muli %add3A_316, %mul3A_317 : i32
        %mul3A_319 = arith.constant 2 : i32
        %mul3A_320 = arith.muli %mul3A_318, %mul3A_319 : i32
        %jit3A_321 = arith.constant 2 : i32
        %eq3A_322 = arith.constant 0 : i32
        %eq3A_323 = arith.cmpi eq, %jit3A_321, %eq3A_322 : i32
        %jit3A_324 = arith.constant 1 : i32
        %select_n3A_325 = arith.select %eq3A_323, %jit3A_324, %jit3A_321 : i32
        %rem3A_326 = arith.remsi %add3A_313, %select_n3A_325 : i32
        %ne3A_327 = arith.constant 0 : i32
        %ne3A_328 = arith.cmpi ne, %rem3A_326, %ne3A_327 : i32
        %lt3A_329 = arith.constant 0 : i32
        %lt3A_330 = arith.cmpi slt, %rem3A_326, %lt3A_329 : i32
        %lt3A_331 = arith.constant 0 : i32
        %lt3A_332 = arith.cmpi slt, %select_n3A_325, %lt3A_331 : i32
        %ne3A_333 = arith.xori %lt3A_330, %lt3A_332 : i1
        %and3A_334 = arith.andi %ne3A_333, %ne3A_328 : i1
        %add3A_335 = arith.addi %rem3A_326, %select_n3A_325 : i32
        %select_n3A_336 = arith.select %and3A_334, %add3A_335, %rem3A_326 : i32
        %mul3A_337 = arith.constant 2560 : i32
        %mul3A_338 = arith.muli %select_n3A_336, %mul3A_337 : i32
        %mul3A_339 = arith.constant 2 : i32
        %mul3A_340 = arith.muli %mul3A_338, %mul3A_339 : i32
        %jit3A_341 = arith.constant 2 : i32
        %eq3A_342 = arith.constant 0 : i32
        %eq3A_343 = arith.cmpi eq, %jit3A_341, %eq3A_342 : i32
        %jit3A_344 = arith.constant 1 : i32
        %select_n3A_345 = arith.select %eq3A_343, %jit3A_344, %jit3A_341 : i32
        %rem3A_346 = arith.remsi %add3A_313, %select_n3A_345 : i32
        %ne3A_347 = arith.constant 0 : i32
        %ne3A_348 = arith.cmpi ne, %rem3A_346, %ne3A_347 : i32
        %lt3A_349 = arith.constant 0 : i32
        %lt3A_350 = arith.cmpi slt, %rem3A_346, %lt3A_349 : i32
        %lt3A_351 = arith.constant 0 : i32
        %lt3A_352 = arith.cmpi slt, %select_n3A_345, %lt3A_351 : i32
        %ne3A_353 = arith.xori %lt3A_350, %lt3A_352 : i1
        %and3A_354 = arith.andi %ne3A_353, %ne3A_348 : i1
        %add3A_355 = arith.addi %rem3A_346, %select_n3A_345 : i32
        %select_n3A_356 = arith.select %and3A_354, %add3A_355, %rem3A_346 : i32
        %dma_wait3A_357 = tpu.memref_slice %arg7[%mul3A_340] : memref<10240xi32, #tpu.memory_space<vmem>> -> memref<5120xi32, #tpu.memory_space<vmem>>
        %dma_wait3A_358 = tpu.memref_slice %arg3[%mul3A_320] : memref<12800000xi32, #tpu.memory_space<hbm>> -> memref<5120xi32, #tpu.memory_space<hbm>>
        %dma_wait3A_359 = tpu.memref_slice %arg12[%select_n3A_356] : memref<2x!tpu.dma_semaphore, #tpu.memory_space<semaphore_mem>> -> memref<1x!tpu.dma_semaphore, #tpu.memory_space<semaphore_mem>>
        %dma_wait3A_360 = tpu.memref_squeeze %dma_wait3A_359 : memref<1x!tpu.dma_semaphore, #tpu.memory_space<semaphore_mem>> -> memref<!tpu.dma_semaphore, #tpu.memory_space<semaphore_mem>>
        %dma_wait3A_361 = tpu.memref_slice %arg7[%mul3A_340] : memref<10240xi32, #tpu.memory_space<vmem>> -> memref<5120xi32, #tpu.memory_space<vmem>>
        %dma_wait3A_362 = tpu.memref_slice %arg3[%mul3A_320] : memref<12800000xi32, #tpu.memory_space<hbm>> -> memref<5120xi32, #tpu.memory_space<hbm>>
        tpu.wait_dma2 semaphore(%dma_wait3A_360 : memref<!tpu.dma_semaphore, #tpu.memory_space<semaphore_mem>>) src(%dma_wait3A_362 : memref<5120xi32, #tpu.memory_space<hbm>>) dst(%dma_wait3A_361 : memref<5120xi32, #tpu.memory_space<vmem>>)
        %add3A_363 = arith.constant 1 : i32
        %add3A_364 = arith.addi %while3A_104, %add3A_363 : i32
        %jit3A_365 = arith.constant 2 : i32
        %eq3A_366 = arith.constant 0 : i32
        %eq3A_367 = arith.cmpi eq, %jit3A_365, %eq3A_366 : i32
        %jit3A_368 = arith.constant 1 : i32
        %select_n3A_369 = arith.select %eq3A_367, %jit3A_368, %jit3A_365 : i32
        %rem3A_370 = arith.remsi %add3A_364, %select_n3A_369 : i32
        %ne3A_371 = arith.constant 0 : i32
        %ne3A_372 = arith.cmpi ne, %rem3A_370, %ne3A_371 : i32
        %lt3A_373 = arith.constant 0 : i32
        %lt3A_374 = arith.cmpi slt, %rem3A_370, %lt3A_373 : i32
        %lt3A_375 = arith.constant 0 : i32
        %lt3A_376 = arith.cmpi slt, %select_n3A_369, %lt3A_375 : i32
        %ne3A_377 = arith.xori %lt3A_374, %lt3A_376 : i1
        %and3A_378 = arith.andi %ne3A_377, %ne3A_372 : i1
        %add3A_379 = arith.addi %rem3A_370, %select_n3A_369 : i32
        %select_n3A_380 = arith.select %and3A_378, %add3A_379, %rem3A_370 : i32
        %mul3A_381 = arith.constant 2560 : i32
        %mul3A_382 = arith.muli %select_n3A_380, %mul3A_381 : i32
        %mul3A_383 = arith.constant 2 : i32
        %mul3A_384 = arith.muli %mul3A_382, %mul3A_383 : i32
        %jit3A_385 = arith.constant 2 : i32
        %eq3A_386 = arith.constant 0 : i32
        %eq3A_387 = arith.cmpi eq, %jit3A_385, %eq3A_386 : i32
        %jit3A_388 = arith.constant 1 : i32
        %select_n3A_389 = arith.select %eq3A_387, %jit3A_388, %jit3A_385 : i32
        %rem3A_390 = arith.remsi %add3A_364, %select_n3A_389 : i32
        %ne3A_391 = arith.constant 0 : i32
        %ne3A_392 = arith.cmpi ne, %rem3A_390, %ne3A_391 : i32
        %lt3A_393 = arith.constant 0 : i32
        %lt3A_394 = arith.cmpi slt, %rem3A_390, %lt3A_393 : i32
        %lt3A_395 = arith.constant 0 : i32
        %lt3A_396 = arith.cmpi slt, %select_n3A_389, %lt3A_395 : i32
        %ne3A_397 = arith.xori %lt3A_394, %lt3A_396 : i1
        %and3A_398 = arith.andi %ne3A_397, %ne3A_392 : i1
        %add3A_399 = arith.addi %rem3A_390, %select_n3A_389 : i32
        %select_n3A_400 = arith.select %and3A_398, %add3A_399, %rem3A_390 : i32
        %mul3A_401 = arith.constant 2560 : i32
        %mul3A_402 = arith.muli %select_n3A_400, %mul3A_401 : i32
        %mul3A_403 = arith.constant 2 : i32
        %mul3A_404 = arith.muli %mul3A_402, %mul3A_403 : i32
        %jit3A_405 = arith.constant 2 : i32
        %eq3A_406 = arith.constant 0 : i32
        %eq3A_407 = arith.cmpi eq, %jit3A_405, %eq3A_406 : i32
        %jit3A_408 = arith.constant 1 : i32
        %select_n3A_409 = arith.select %eq3A_407, %jit3A_408, %jit3A_405 : i32
        %rem3A_410 = arith.remsi %add3A_364, %select_n3A_409 : i32
        %ne3A_411 = arith.constant 0 : i32
        %ne3A_412 = arith.cmpi ne, %rem3A_410, %ne3A_411 : i32
        %lt3A_413 = arith.constant 0 : i32
        %lt3A_414 = arith.cmpi slt, %rem3A_410, %lt3A_413 : i32
        %lt3A_415 = arith.constant 0 : i32
        %lt3A_416 = arith.cmpi slt, %select_n3A_409, %lt3A_415 : i32
        %ne3A_417 = arith.xori %lt3A_414, %lt3A_416 : i1
        %and3A_418 = arith.andi %ne3A_417, %ne3A_412 : i1
        %add3A_419 = arith.addi %rem3A_410, %select_n3A_409 : i32
        %select_n3A_420 = arith.select %and3A_418, %add3A_419, %rem3A_410 : i32
        %dma_start3A_421 = arith.constant 0 : i32
        %dma_start3A_422 = tpu.memref_slice %arg8[%mul3A_404, %dma_start3A_421] : memref<10240x8xf32, #tpu.memory_space<vmem>> -> memref<5120x8xf32, #tpu.memory_space<vmem>>
        %dma_start3A_423 = tpu.memref_slice %arg7[%mul3A_384] : memref<10240xi32, #tpu.memory_space<vmem>> -> memref<5120xi32, #tpu.memory_space<vmem>>
        %dma_start3A_424 = arith.constant 0 : i32
        %dma_start3A_425 = arith.constant 0 : i32
        %dma_start3A_426 = tpu.memref_slice %arg2[%dma_start3A_424, %dma_start3A_425] : memref<100000x8xf32, #tpu.memory_space<hbm>> -> memref<100000x8xf32, #tpu.memory_space<hbm>>
        %dma_start3A_427 = tpu.memref_slice %arg13[%select_n3A_420] : memref<2x!tpu.dma_semaphore, #tpu.memory_space<semaphore_mem>> -> memref<1x!tpu.dma_semaphore, #tpu.memory_space<semaphore_mem>>
        %dma_start3A_428 = tpu.memref_squeeze %dma_start3A_427 : memref<1x!tpu.dma_semaphore, #tpu.memory_space<semaphore_mem>> -> memref<!tpu.dma_semaphore, #tpu.memory_space<semaphore_mem>>
        tpu.enqueue_indirect_dma source(%dma_start3A_426 : memref<100000x8xf32, #tpu.memory_space<hbm>>) target(%dma_start3A_422 : memref<5120x8xf32, #tpu.memory_space<vmem>>) offsets(%dma_start3A_423 : memref<5120xi32, #tpu.memory_space<vmem>>) semaphore(%dma_start3A_428 : memref<!tpu.dma_semaphore, #tpu.memory_space<semaphore_mem>>)
      } else {
      }
      %jit3A_127 = arith.constant 2 : i32
      %eq3A_128 = arith.constant 0 : i32
      %eq3A_129 = arith.cmpi eq, %jit3A_127, %eq3A_128 : i32
      %jit3A_130 = arith.constant 1 : i32
      %select_n3A_131 = arith.select %eq3A_129, %jit3A_130, %jit3A_127 : i32
      %rem3A_132 = arith.remsi %while3A_104, %select_n3A_131 : i32
      %ne3A_133 = arith.constant 0 : i32
      %ne3A_134 = arith.cmpi ne, %rem3A_132, %ne3A_133 : i32
      %lt3A_135 = arith.constant 0 : i32
      %lt3A_136 = arith.cmpi slt, %rem3A_132, %lt3A_135 : i32
      %lt3A_137 = arith.constant 0 : i32
      %lt3A_138 = arith.cmpi slt, %select_n3A_131, %lt3A_137 : i32
      %ne3A_139 = arith.xori %lt3A_136, %lt3A_138 : i1
      %and3A_140 = arith.andi %ne3A_139, %ne3A_134 : i1
      %add3A_141 = arith.addi %rem3A_132, %select_n3A_131 : i32
      %select_n3A_142 = arith.select %and3A_140, %add3A_141, %rem3A_132 : i32
      %mul3A_143 = arith.constant 2560 : i32
      %mul3A_144 = arith.muli %select_n3A_142, %mul3A_143 : i32
      %mul3A_145 = arith.constant 2 : i32
      %mul3A_146 = arith.muli %mul3A_144, %mul3A_145 : i32
      %jit3A_147 = arith.constant 2 : i32
      %eq3A_148 = arith.constant 0 : i32
      %eq3A_149 = arith.cmpi eq, %jit3A_147, %eq3A_148 : i32
      %jit3A_150 = arith.constant 1 : i32
      %select_n3A_151 = arith.select %eq3A_149, %jit3A_150, %jit3A_147 : i32
      %rem3A_152 = arith.remsi %while3A_104, %select_n3A_151 : i32
      %ne3A_153 = arith.constant 0 : i32
      %ne3A_154 = arith.cmpi ne, %rem3A_152, %ne3A_153 : i32
      %lt3A_155 = arith.constant 0 : i32
      %lt3A_156 = arith.cmpi slt, %rem3A_152, %lt3A_155 : i32
      %lt3A_157 = arith.constant 0 : i32
      %lt3A_158 = arith.cmpi slt, %select_n3A_151, %lt3A_157 : i32
      %ne3A_159 = arith.xori %lt3A_156, %lt3A_158 : i1
      %and3A_160 = arith.andi %ne3A_159, %ne3A_154 : i1
      %add3A_161 = arith.addi %rem3A_152, %select_n3A_151 : i32
      %select_n3A_162 = arith.select %and3A_160, %add3A_161, %rem3A_152 : i32
      %mul3A_163 = arith.constant 2560 : i32
      %mul3A_164 = arith.muli %select_n3A_162, %mul3A_163 : i32
      %mul3A_165 = arith.constant 2 : i32
      %mul3A_166 = arith.muli %mul3A_164, %mul3A_165 : i32
      %jit3A_167 = arith.constant 2 : i32
      %eq3A_168 = arith.constant 0 : i32
      %eq3A_169 = arith.cmpi eq, %jit3A_167, %eq3A_168 : i32
      %jit3A_170 = arith.constant 1 : i32
      %select_n3A_171 = arith.select %eq3A_169, %jit3A_170, %jit3A_167 : i32
      %rem3A_172 = arith.remsi %while3A_104, %select_n3A_171 : i32
      %ne3A_173 = arith.constant 0 : i32
      %ne3A_174 = arith.cmpi ne, %rem3A_172, %ne3A_173 : i32
      %lt3A_175 = arith.constant 0 : i32
      %lt3A_176 = arith.cmpi slt, %rem3A_172, %lt3A_175 : i32
      %lt3A_177 = arith.constant 0 : i32
      %lt3A_178 = arith.cmpi slt, %select_n3A_171, %lt3A_177 : i32
      %ne3A_179 = arith.xori %lt3A_176, %lt3A_178 : i1
      %and3A_180 = arith.andi %ne3A_179, %ne3A_174 : i1
      %add3A_181 = arith.addi %rem3A_172, %select_n3A_171 : i32
      %select_n3A_182 = arith.select %and3A_180, %add3A_181, %rem3A_172 : i32
      %dma_wait3A_183 = arith.constant 0 : i32
      %dma_wait3A_184 = tpu.memref_slice %arg8[%mul3A_166, %dma_wait3A_183] : memref<10240x8xf32, #tpu.memory_space<vmem>> -> memref<5120x8xf32, #tpu.memory_space<vmem>>
      %dma_wait3A_185 = tpu.memref_slice %arg7[%mul3A_146] : memref<10240xi32, #tpu.memory_space<vmem>> -> memref<5120xi32, #tpu.memory_space<vmem>>
      %dma_wait3A_186 = arith.constant 0 : i32
      %dma_wait3A_187 = arith.constant 0 : i32
      %dma_wait3A_188 = tpu.memref_slice %arg2[%dma_wait3A_186, %dma_wait3A_187] : memref<100000x8xf32, #tpu.memory_space<hbm>> -> memref<100000x8xf32, #tpu.memory_space<hbm>>
      %dma_wait3A_189 = tpu.memref_slice %arg13[%select_n3A_182] : memref<2x!tpu.dma_semaphore, #tpu.memory_space<semaphore_mem>> -> memref<1x!tpu.dma_semaphore, #tpu.memory_space<semaphore_mem>>
      %dma_wait3A_190 = tpu.memref_squeeze %dma_wait3A_189 : memref<1x!tpu.dma_semaphore, #tpu.memory_space<semaphore_mem>> -> memref<!tpu.dma_semaphore, #tpu.memory_space<semaphore_mem>>
      tpu.wait_indirect_dma semaphore(%dma_wait3A_190 : memref<!tpu.dma_semaphore, #tpu.memory_space<semaphore_mem>>) src(%dma_wait3A_188 : memref<100000x8xf32, #tpu.memory_space<hbm>>) dst(%dma_wait3A_184 : memref<5120x8xf32, #tpu.memory_space<vmem>>)
      %add3A_191 = arith.constant 2 : i32
      %add3A_192 = arith.addi %while3A_104, %add3A_191 : i32
      %lt3A_193 = arith.cmpi slt, %add3A_192, %select_n3A : i32
      %convert_element_type3A_194 = arith.extui %lt3A_193 : i1 to i32
      %cond3A_195 = arith.constant 0 : i32
      %cond3A_196 = arith.cmpi ne, %convert_element_type3A_194, %cond3A_195 : i32
      scf.if %cond3A_196 {
        %add3A_312 = arith.constant 2 : i32
        %add3A_313 = arith.addi %while3A_104, %add3A_312 : i32
        %mul3A_314 = arith.constant 32 : i32
        %mul3A_315 = arith.muli %add3A_313, %mul3A_314 : i32
        %add3A_316 = arith.addi %add3A, %mul3A_315 : i32
        %mul3A_317 = arith.constant 2560 : i32
        %mul3A_318 = arith.muli %add3A_316, %mul3A_317 : i32
        %mul3A_319 = arith.constant 2 : i32
        %mul3A_320 = arith.muli %mul3A_318, %mul3A_319 : i32
        %jit3A_321 = arith.constant 2 : i32
        %eq3A_322 = arith.constant 0 : i32
        %eq3A_323 = arith.cmpi eq, %jit3A_321, %eq3A_322 : i32
        %jit3A_324 = arith.constant 1 : i32
        %select_n3A_325 = arith.select %eq3A_323, %jit3A_324, %jit3A_321 : i32
        %rem3A_326 = arith.remsi %add3A_313, %select_n3A_325 : i32
        %ne3A_327 = arith.constant 0 : i32
        %ne3A_328 = arith.cmpi ne, %rem3A_326, %ne3A_327 : i32
        %lt3A_329 = arith.constant 0 : i32
        %lt3A_330 = arith.cmpi slt, %rem3A_326, %lt3A_329 : i32
        %lt3A_331 = arith.constant 0 : i32
        %lt3A_332 = arith.cmpi slt, %select_n3A_325, %lt3A_331 : i32
        %ne3A_333 = arith.xori %lt3A_330, %lt3A_332 : i1
        %and3A_334 = arith.andi %ne3A_333, %ne3A_328 : i1
        %add3A_335 = arith.addi %rem3A_326, %select_n3A_325 : i32
        %select_n3A_336 = arith.select %and3A_334, %add3A_335, %rem3A_326 : i32
        %mul3A_337 = arith.constant 2560 : i32
        %mul3A_338 = arith.muli %select_n3A_336, %mul3A_337 : i32
        %mul3A_339 = arith.constant 2 : i32
        %mul3A_340 = arith.muli %mul3A_338, %mul3A_339 : i32
        %jit3A_341 = arith.constant 2 : i32
        %eq3A_342 = arith.constant 0 : i32
        %eq3A_343 = arith.cmpi eq, %jit3A_341, %eq3A_342 : i32
        %jit3A_344 = arith.constant 1 : i32
        %select_n3A_345 = arith.select %eq3A_343, %jit3A_344, %jit3A_341 : i32
        %rem3A_346 = arith.remsi %add3A_313, %select_n3A_345 : i32
        %ne3A_347 = arith.constant 0 : i32
        %ne3A_348 = arith.cmpi ne, %rem3A_346, %ne3A_347 : i32
        %lt3A_349 = arith.constant 0 : i32
        %lt3A_350 = arith.cmpi slt, %rem3A_346, %lt3A_349 : i32
        %lt3A_351 = arith.constant 0 : i32
        %lt3A_352 = arith.cmpi slt, %select_n3A_345, %lt3A_351 : i32
        %ne3A_353 = arith.xori %lt3A_350, %lt3A_352 : i1
        %and3A_354 = arith.andi %ne3A_353, %ne3A_348 : i1
        %add3A_355 = arith.addi %rem3A_346, %select_n3A_345 : i32
        %select_n3A_356 = arith.select %and3A_354, %add3A_355, %rem3A_346 : i32
        %dma_start3A_357 = tpu.memref_slice %arg7[%mul3A_340] : memref<10240xi32, #tpu.memory_space<vmem>> -> memref<5120xi32, #tpu.memory_space<vmem>>
        %dma_start3A_358 = tpu.memref_slice %arg3[%mul3A_320] : memref<12800000xi32, #tpu.memory_space<hbm>> -> memref<5120xi32, #tpu.memory_space<hbm>>
        %dma_start3A_359 = tpu.memref_slice %arg12[%select_n3A_356] : memref<2x!tpu.dma_semaphore, #tpu.memory_space<semaphore_mem>> -> memref<1x!tpu.dma_semaphore, #tpu.memory_space<semaphore_mem>>
        %dma_start3A_360 = tpu.memref_squeeze %dma_start3A_359 : memref<1x!tpu.dma_semaphore, #tpu.memory_space<semaphore_mem>> -> memref<!tpu.dma_semaphore, #tpu.memory_space<semaphore_mem>>
        %dma_start3A_361 = tpu.memref_slice %arg7[%mul3A_340] : memref<10240xi32, #tpu.memory_space<vmem>> -> memref<5120xi32, #tpu.memory_space<vmem>>
        %dma_start3A_362 = tpu.memref_slice %arg3[%mul3A_320] : memref<12800000xi32, #tpu.memory_space<hbm>> -> memref<5120xi32, #tpu.memory_space<hbm>>
        tpu.enqueue_dma source(%dma_start3A_362 : memref<5120xi32, #tpu.memory_space<hbm>>) target(%dma_start3A_361 : memref<5120xi32, #tpu.memory_space<vmem>>) target_semaphore(%dma_start3A_360 : memref<!tpu.dma_semaphore, #tpu.memory_space<semaphore_mem>>)
      } else {
      }
      %ge3A = arith.constant 2 : i32
      %ge3A_197 = arith.cmpi sge, %while3A_104, %ge3A : i32
      %convert_element_type3A_198 = arith.extui %ge3A_197 : i1 to i32
      %cond3A_199 = arith.constant 0 : i32
      %cond3A_200 = arith.cmpi ne, %convert_element_type3A_198, %cond3A_199 : i32
      scf.if %cond3A_200 {
        %sub3A_312 = arith.constant 2 : i32
        %sub3A_313 = arith.subi %while3A_104, %sub3A_312 : i32
        %jit3A_314 = arith.constant 2 : i32
        %eq3A_315 = arith.constant 0 : i32
        %eq3A_316 = arith.cmpi eq, %jit3A_314, %eq3A_315 : i32
        %jit3A_317 = arith.constant 1 : i32
        %select_n3A_318 = arith.select %eq3A_316, %jit3A_317, %jit3A_314 : i32
        %rem3A_319 = arith.remsi %sub3A_313, %select_n3A_318 : i32
        %ne3A_320 = arith.constant 0 : i32
        %ne3A_321 = arith.cmpi ne, %rem3A_319, %ne3A_320 : i32
        %lt3A_322 = arith.constant 0 : i32
        %lt3A_323 = arith.cmpi slt, %rem3A_319, %lt3A_322 : i32
        %lt3A_324 = arith.constant 0 : i32
        %lt3A_325 = arith.cmpi slt, %select_n3A_318, %lt3A_324 : i32
        %ne3A_326 = arith.xori %lt3A_323, %lt3A_325 : i1
        %and3A_327 = arith.andi %ne3A_326, %ne3A_321 : i1
        %add3A_328 = arith.addi %rem3A_319, %select_n3A_318 : i32
        %select_n3A_329 = arith.select %and3A_327, %add3A_328, %rem3A_319 : i32
        %mul3A_330 = arith.constant 2560 : i32
        %mul3A_331 = arith.muli %select_n3A_329, %mul3A_330 : i32
        %mul3A_332 = arith.constant 32 : i32
        %mul3A_333 = arith.muli %sub3A_313, %mul3A_332 : i32
        %add3A_334 = arith.addi %add3A, %mul3A_333 : i32
        %mul3A_335 = arith.constant 2560 : i32
        %mul3A_336 = arith.muli %add3A_334, %mul3A_335 : i32
        %jit3A_337 = arith.constant 2 : i32
        %eq3A_338 = arith.constant 0 : i32
        %eq3A_339 = arith.cmpi eq, %jit3A_337, %eq3A_338 : i32
        %jit3A_340 = arith.constant 1 : i32
        %select_n3A_341 = arith.select %eq3A_339, %jit3A_340, %jit3A_337 : i32
        %rem3A_342 = arith.remsi %while3A_104, %select_n3A_341 : i32
        %ne3A_343 = arith.constant 0 : i32
        %ne3A_344 = arith.cmpi ne, %rem3A_342, %ne3A_343 : i32
        %lt3A_345 = arith.constant 0 : i32
        %lt3A_346 = arith.cmpi slt, %rem3A_342, %lt3A_345 : i32
        %lt3A_347 = arith.constant 0 : i32
        %lt3A_348 = arith.cmpi slt, %select_n3A_341, %lt3A_347 : i32
        %ne3A_349 = arith.xori %lt3A_346, %lt3A_348 : i1
        %and3A_350 = arith.andi %ne3A_349, %ne3A_344 : i1
        %add3A_351 = arith.addi %rem3A_342, %select_n3A_341 : i32
        %select_n3A_352 = arith.select %and3A_350, %add3A_351, %rem3A_342 : i32
        %dma_wait3A_353 = tpu.memref_slice %arg9[%mul3A_331] : memref<5120xf32, #tpu.memory_space<vmem>> -> memref<2560xf32, #tpu.memory_space<vmem>>
        %dma_wait3A_354 = tpu.memref_slice %arg4[%mul3A_336] : memref<6400000xf32, #tpu.memory_space<hbm>> -> memref<2560xf32, #tpu.memory_space<hbm>>
        %dma_wait3A_355 = tpu.memref_slice %arg14[%select_n3A_352] : memref<2x!tpu.dma_semaphore, #tpu.memory_space<semaphore_mem>> -> memref<1x!tpu.dma_semaphore, #tpu.memory_space<semaphore_mem>>
        %dma_wait3A_356 = tpu.memref_squeeze %dma_wait3A_355 : memref<1x!tpu.dma_semaphore, #tpu.memory_space<semaphore_mem>> -> memref<!tpu.dma_semaphore, #tpu.memory_space<semaphore_mem>>
        %dma_wait3A_357 = tpu.memref_slice %arg4[%mul3A_336] : memref<6400000xf32, #tpu.memory_space<hbm>> -> memref<2560xf32, #tpu.memory_space<hbm>>
        %dma_wait3A_358 = tpu.memref_slice %arg9[%mul3A_331] : memref<5120xf32, #tpu.memory_space<vmem>> -> memref<2560xf32, #tpu.memory_space<vmem>>
        tpu.wait_dma2 semaphore(%dma_wait3A_356 : memref<!tpu.dma_semaphore, #tpu.memory_space<semaphore_mem>>) src(%dma_wait3A_358 : memref<2560xf32, #tpu.memory_space<vmem>>) dst(%dma_wait3A_357 : memref<2560xf32, #tpu.memory_space<hbm>>)
        %jit3A_359 = arith.constant 2 : i32
        %eq3A_360 = arith.constant 0 : i32
        %eq3A_361 = arith.cmpi eq, %jit3A_359, %eq3A_360 : i32
        %jit3A_362 = arith.constant 1 : i32
        %select_n3A_363 = arith.select %eq3A_361, %jit3A_362, %jit3A_359 : i32
        %rem3A_364 = arith.remsi %while3A_104, %select_n3A_363 : i32
        %ne3A_365 = arith.constant 0 : i32
        %ne3A_366 = arith.cmpi ne, %rem3A_364, %ne3A_365 : i32
        %lt3A_367 = arith.constant 0 : i32
        %lt3A_368 = arith.cmpi slt, %rem3A_364, %lt3A_367 : i32
        %lt3A_369 = arith.constant 0 : i32
        %lt3A_370 = arith.cmpi slt, %select_n3A_363, %lt3A_369 : i32
        %ne3A_371 = arith.xori %lt3A_368, %lt3A_370 : i1
        %and3A_372 = arith.andi %ne3A_371, %ne3A_366 : i1
        %add3A_373 = arith.addi %rem3A_364, %select_n3A_363 : i32
        %select_n3A_374 = arith.select %and3A_372, %add3A_373, %rem3A_364 : i32
        %dma_wait3A_375 = tpu.memref_slice %arg10[%mul3A_331] : memref<5120xf32, #tpu.memory_space<vmem>> -> memref<2560xf32, #tpu.memory_space<vmem>>
        %dma_wait3A_376 = tpu.memref_slice %arg5[%mul3A_336] : memref<6400000xf32, #tpu.memory_space<hbm>> -> memref<2560xf32, #tpu.memory_space<hbm>>
        %dma_wait3A_377 = tpu.memref_slice %arg14[%select_n3A_374] : memref<2x!tpu.dma_semaphore, #tpu.memory_space<semaphore_mem>> -> memref<1x!tpu.dma_semaphore, #tpu.memory_space<semaphore_mem>>
        %dma_wait3A_378 = tpu.memref_squeeze %dma_wait3A_377 : memref<1x!tpu.dma_semaphore, #tpu.memory_space<semaphore_mem>> -> memref<!tpu.dma_semaphore, #tpu.memory_space<semaphore_mem>>
        %dma_wait3A_379 = tpu.memref_slice %arg5[%mul3A_336] : memref<6400000xf32, #tpu.memory_space<hbm>> -> memref<2560xf32, #tpu.memory_space<hbm>>
        %dma_wait3A_380 = tpu.memref_slice %arg10[%mul3A_331] : memref<5120xf32, #tpu.memory_space<vmem>> -> memref<2560xf32, #tpu.memory_space<vmem>>
        tpu.wait_dma2 semaphore(%dma_wait3A_378 : memref<!tpu.dma_semaphore, #tpu.memory_space<semaphore_mem>>) src(%dma_wait3A_380 : memref<2560xf32, #tpu.memory_space<vmem>>) dst(%dma_wait3A_379 : memref<2560xf32, #tpu.memory_space<hbm>>)
        %jit3A_381 = arith.constant 2 : i32
        %eq3A_382 = arith.constant 0 : i32
        %eq3A_383 = arith.cmpi eq, %jit3A_381, %eq3A_382 : i32
        %jit3A_384 = arith.constant 1 : i32
        %select_n3A_385 = arith.select %eq3A_383, %jit3A_384, %jit3A_381 : i32
        %rem3A_386 = arith.remsi %while3A_104, %select_n3A_385 : i32
        %ne3A_387 = arith.constant 0 : i32
        %ne3A_388 = arith.cmpi ne, %rem3A_386, %ne3A_387 : i32
        %lt3A_389 = arith.constant 0 : i32
        %lt3A_390 = arith.cmpi slt, %rem3A_386, %lt3A_389 : i32
        %lt3A_391 = arith.constant 0 : i32
        %lt3A_392 = arith.cmpi slt, %select_n3A_385, %lt3A_391 : i32
        %ne3A_393 = arith.xori %lt3A_390, %lt3A_392 : i1
        %and3A_394 = arith.andi %ne3A_393, %ne3A_388 : i1
        %add3A_395 = arith.addi %rem3A_386, %select_n3A_385 : i32
        %select_n3A_396 = arith.select %and3A_394, %add3A_395, %rem3A_386 : i32
        %dma_wait3A_397 = tpu.memref_slice %arg11[%mul3A_331] : memref<5120xf32, #tpu.memory_space<vmem>> -> memref<2560xf32, #tpu.memory_space<vmem>>
        %dma_wait3A_398 = tpu.memref_slice %arg6[%mul3A_336] : memref<6400000xf32, #tpu.memory_space<hbm>> -> memref<2560xf32, #tpu.memory_space<hbm>>
        %dma_wait3A_399 = tpu.memref_slice %arg14[%select_n3A_396] : memref<2x!tpu.dma_semaphore, #tpu.memory_space<semaphore_mem>> -> memref<1x!tpu.dma_semaphore, #tpu.memory_space<semaphore_mem>>
        %dma_wait3A_400 = tpu.memref_squeeze %dma_wait3A_399 : memref<1x!tpu.dma_semaphore, #tpu.memory_space<semaphore_mem>> -> memref<!tpu.dma_semaphore, #tpu.memory_space<semaphore_mem>>
        %dma_wait3A_401 = tpu.memref_slice %arg6[%mul3A_336] : memref<6400000xf32, #tpu.memory_space<hbm>> -> memref<2560xf32, #tpu.memory_space<hbm>>
        %dma_wait3A_402 = tpu.memref_slice %arg11[%mul3A_331] : memref<5120xf32, #tpu.memory_space<vmem>> -> memref<2560xf32, #tpu.memory_space<vmem>>
        tpu.wait_dma2 semaphore(%dma_wait3A_400 : memref<!tpu.dma_semaphore, #tpu.memory_space<semaphore_mem>>) src(%dma_wait3A_402 : memref<2560xf32, #tpu.memory_space<vmem>>) dst(%dma_wait3A_401 : memref<2560xf32, #tpu.memory_space<hbm>>)
      } else {
      }
      %jit3A_201 = arith.constant 2 : i32
      %eq3A_202 = arith.constant 0 : i32
      %eq3A_203 = arith.cmpi eq, %jit3A_201, %eq3A_202 : i32
      %jit3A_204 = arith.constant 1 : i32
      %select_n3A_205 = arith.select %eq3A_203, %jit3A_204, %jit3A_201 : i32
      %rem3A_206 = arith.remsi %while3A_104, %select_n3A_205 : i32
      %ne3A_207 = arith.constant 0 : i32
      %ne3A_208 = arith.cmpi ne, %rem3A_206, %ne3A_207 : i32
      %lt3A_209 = arith.constant 0 : i32
      %lt3A_210 = arith.cmpi slt, %rem3A_206, %lt3A_209 : i32
      %lt3A_211 = arith.constant 0 : i32
      %lt3A_212 = arith.cmpi slt, %select_n3A_205, %lt3A_211 : i32
      %ne3A_213 = arith.xori %lt3A_210, %lt3A_212 : i1
      %and3A_214 = arith.andi %ne3A_213, %ne3A_208 : i1
      %add3A_215 = arith.addi %rem3A_206, %select_n3A_205 : i32
      %select_n3A_216 = arith.select %and3A_214, %add3A_215, %rem3A_206 : i32
      %mul3A_217 = arith.constant 2560 : i32
      %mul3A_218 = arith.muli %select_n3A_216, %mul3A_217 : i32
      %scan3A = arith.constant 0 : i32
      %scan3A_219 = arith.constant 20 : i32
      %scan3A_220 = arith.addi %scan3A, %scan3A_219 : i32
      %scan3A_221 = arith.constant 1 : i32
      scf.for %scan3A_312 = %scan3A to %scan3A_220 step %scan3A_221  : i32 {
        %mul3A_313 = arith.constant 256 : i32
        %mul3A_314 = arith.muli %scan3A_312, %mul3A_313 : i32
        %add3A_315 = arith.addi %mul3A_122, %mul3A_314 : i32
        %mul3A_316 = arith.constant 128 : i32
        %mul3A_317 = arith.muli %scan3A_312, %mul3A_316 : i32
        %add3A_318 = arith.addi %mul3A_218, %mul3A_317 : i32
        %add3A_319 = arith.constant 0 : i32
        %add3A_320 = arith.addi %add3A_315, %add3A_319 : i32
        %add3A_321 = vector.broadcast %add3A_320 : i32 to vector<16xi32>
        %add3A_322 = arith.addi %iota3A, %add3A_321 : vector<16xi32>
        %add3A_323 = arith.constant 128 : i32
        %add3A_324 = vector.broadcast %add3A_323 : i32 to vector<16xi32>
        %add3A_325 = arith.addi %add3A_322, %add3A_324 : vector<16xi32>
        %gather3A = tpu.vector_load_idx %arg8[%add3A_322, %broadcast_in_dim3A_23] : memref<10240x8xf32, #tpu.memory_space<vmem>>[vector<16xi32>, vector<16xi32>], vector<16xf32>,
        %gather3A_326 = tpu.vector_load_idx %arg8[%add3A_322, %broadcast_in_dim3A_25] : memref<10240x8xf32, #tpu.memory_space<vmem>>[vector<16xi32>, vector<16xi32>], vector<16xf32>,
        %gather3A_327 = tpu.vector_load_idx %arg8[%add3A_322, %broadcast_in_dim3A_27] : memref<10240x8xf32, #tpu.memory_space<vmem>>[vector<16xi32>, vector<16xi32>], vector<16xf32>,
        %gather3A_328 = tpu.vector_load_idx %arg8[%add3A_325, %broadcast_in_dim3A_23] : memref<10240x8xf32, #tpu.memory_space<vmem>>[vector<16xi32>, vector<16xi32>], vector<16xf32>,
        %gather3A_329 = tpu.vector_load_idx %arg8[%add3A_325, %broadcast_in_dim3A_25] : memref<10240x8xf32, #tpu.memory_space<vmem>>[vector<16xi32>, vector<16xi32>], vector<16xf32>,
        %gather3A_330 = tpu.vector_load_idx %arg8[%add3A_325, %broadcast_in_dim3A_27] : memref<10240x8xf32, #tpu.memory_space<vmem>>[vector<16xi32>, vector<16xi32>], vector<16xf32>,
        %add3A_331 = arith.constant 0 : i32
        %add3A_332 = arith.addi %add3A_318, %add3A_331 : i32
        %sub3A_333 = arith.subf %gather3A_328, %gather3A : vector<16xf32>
        %sub3A_334 = arith.subf %gather3A_329, %gather3A_326 : vector<16xf32>
        %sub3A_335 = arith.subf %gather3A_330, %gather3A_327 : vector<16xf32>
        %mul3A_336 = arith.mulf %sub3A_333, %sub3A_333 : vector<16xf32>
        %mul3A_337 = arith.mulf %sub3A_334, %sub3A_334 : vector<16xf32>
        %add3A_338 = arith.addf %mul3A_336, %mul3A_337 : vector<16xf32>
        %mul3A_339 = arith.mulf %sub3A_335, %sub3A_335 : vector<16xf32>
        %add3A_340 = arith.addf %add3A_338, %mul3A_339 : vector<16xf32>
        %bitcast_convert_type3A = tpu.bitcast %add3A_340 : vector<16xf32> -> vector<16xi32>
        %shift_right_arithmetic3A = arith.constant 1 : i32
        %shift_right_arithmetic3A_341 = vector.broadcast %shift_right_arithmetic3A : i32 to vector<16xi32>
        %shift_right_arithmetic3A_342 = arith.shrsi %bitcast_convert_type3A, %shift_right_arithmetic3A_341 : vector<16xi32>
        %sub3A_343 = vector.broadcast %while3A : i32 to vector<16xi32>
        %sub3A_344 = arith.subi %sub3A_343, %shift_right_arithmetic3A_342 : vector<16xi32>
        %bitcast_convert_type3A_345 = tpu.bitcast %sub3A_344 : vector<16xi32> -> vector<16xf32>
        %mul3A_346 = vector.broadcast %while3A_82 : f32 to vector<16xf32>
        %mul3A_347 = arith.mulf %add3A_340, %mul3A_346 : vector<16xf32>
        %mul3A_348 = arith.mulf %mul3A_347, %bitcast_convert_type3A_345 : vector<16xf32>
        %mul3A_349 = arith.mulf %mul3A_348, %bitcast_convert_type3A_345 : vector<16xf32>
        %sub3A_350 = vector.broadcast %while3A_83 : f32 to vector<16xf32>
        %sub3A_351 = arith.subf %sub3A_350, %mul3A_349 : vector<16xf32>
        %mul3A_352 = arith.mulf %bitcast_convert_type3A_345, %sub3A_351 : vector<16xf32>
        %mul3A_353 = arith.mulf %mul3A_347, %mul3A_352 : vector<16xf32>
        %mul3A_354 = arith.mulf %mul3A_353, %mul3A_352 : vector<16xf32>
        %sub3A_355 = vector.broadcast %while3A_83 : f32 to vector<16xf32>
        %sub3A_356 = arith.subf %sub3A_355, %mul3A_354 : vector<16xf32>
        %mul3A_357 = arith.mulf %mul3A_352, %sub3A_356 : vector<16xf32>
        %mul3A_358 = vector.broadcast %while3A_82 : f32 to vector<16xf32>
        %mul3A_359 = arith.mulf %mul3A_357, %mul3A_358 : vector<16xf32>
        %mul3A_360 = arith.mulf %sub3A_333, %mul3A_359 : vector<16xf32>
        %add3A_361 = vector.broadcast %while3A_82 : f32 to vector<16xf32>
        %add3A_362 = arith.addf %mul3A_360, %add3A_361 : vector<16xf32>
        %swap3A = arith.index_cast %add3A_332 : i32 to index
        %swap3A_363 = tpu.vector_load %arg9[%swap3A] {strides = array<i32>} : memref<5120xf32, #tpu.memory_space<vmem>>, vector<16xf32>,
        tpu.vector_store %arg9[%swap3A], %add3A_362 {strides = array<i32>} : memref<5120xf32, #tpu.memory_space<vmem>>, vector<16xf32>,
        %mul3A_364 = arith.mulf %sub3A_334, %mul3A_359 : vector<16xf32>
        %add3A_365 = vector.broadcast %while3A_82 : f32 to vector<16xf32>
        %add3A_366 = arith.addf %mul3A_364, %add3A_365 : vector<16xf32>
        %swap3A_367 = arith.index_cast %add3A_332 : i32 to index
        %swap3A_368 = tpu.vector_load %arg10[%swap3A_367] {strides = array<i32>} : memref<5120xf32, #tpu.memory_space<vmem>>, vector<16xf32>,
        tpu.vector_store %arg10[%swap3A_367], %add3A_366 {strides = array<i32>} : memref<5120xf32, #tpu.memory_space<vmem>>, vector<16xf32>,
        %mul3A_369 = arith.mulf %sub3A_335, %mul3A_359 : vector<16xf32>
        %add3A_370 = vector.broadcast %while3A_82 : f32 to vector<16xf32>
        %add3A_371 = arith.addf %mul3A_369, %add3A_370 : vector<16xf32>
        %swap3A_372 = arith.index_cast %add3A_332 : i32 to index
        %swap3A_373 = tpu.vector_load %arg11[%swap3A_372] {strides = array<i32>} : memref<5120xf32, #tpu.memory_space<vmem>>, vector<16xf32>,
        tpu.vector_store %arg11[%swap3A_372], %add3A_371 {strides = array<i32>} : memref<5120xf32, #tpu.memory_space<vmem>>, vector<16xf32>,
        %add3A_374 = arith.constant 16 : i32
        %add3A_375 = arith.addi %add3A_315, %add3A_374 : i32
        %add3A_376 = vector.broadcast %add3A_375 : i32 to vector<16xi32>
        %add3A_377 = arith.addi %iota3A, %add3A_376 : vector<16xi32>
        %add3A_378 = arith.constant 128 : i32
        %add3A_379 = vector.broadcast %add3A_378 : i32 to vector<16xi32>
        %add3A_380 = arith.addi %add3A_377, %add3A_379 : vector<16xi32>
        %gather3A_381 = tpu.vector_load_idx %arg8[%add3A_377, %broadcast_in_dim3A_23] : memref<10240x8xf32, #tpu.memory_space<vmem>>[vector<16xi32>, vector<16xi32>], vector<16xf32>,
        %gather3A_382 = tpu.vector_load_idx %arg8[%add3A_377, %broadcast_in_dim3A_25] : memref<10240x8xf32, #tpu.memory_space<vmem>>[vector<16xi32>, vector<16xi32>], vector<16xf32>,
        %gather3A_383 = tpu.vector_load_idx %arg8[%add3A_377, %broadcast_in_dim3A_27] : memref<10240x8xf32, #tpu.memory_space<vmem>>[vector<16xi32>, vector<16xi32>], vector<16xf32>,
        %gather3A_384 = tpu.vector_load_idx %arg8[%add3A_380, %broadcast_in_dim3A_23] : memref<10240x8xf32, #tpu.memory_space<vmem>>[vector<16xi32>, vector<16xi32>], vector<16xf32>,
        %gather3A_385 = tpu.vector_load_idx %arg8[%add3A_380, %broadcast_in_dim3A_25] : memref<10240x8xf32, #tpu.memory_space<vmem>>[vector<16xi32>, vector<16xi32>], vector<16xf32>,
        %gather3A_386 = tpu.vector_load_idx %arg8[%add3A_380, %broadcast_in_dim3A_27] : memref<10240x8xf32, #tpu.memory_space<vmem>>[vector<16xi32>, vector<16xi32>], vector<16xf32>,
        %add3A_387 = arith.constant 16 : i32
        %add3A_388 = arith.addi %add3A_318, %add3A_387 : i32
        %sub3A_389 = arith.subf %gather3A_384, %gather3A_381 : vector<16xf32>
        %sub3A_390 = arith.subf %gather3A_385, %gather3A_382 : vector<16xf32>
        %sub3A_391 = arith.subf %gather3A_386, %gather3A_383 : vector<16xf32>
        %mul3A_392 = arith.mulf %sub3A_389, %sub3A_389 : vector<16xf32>
        %mul3A_393 = arith.mulf %sub3A_390, %sub3A_390 : vector<16xf32>
        %add3A_394 = arith.addf %mul3A_392, %mul3A_393 : vector<16xf32>
        %mul3A_395 = arith.mulf %sub3A_391, %sub3A_391 : vector<16xf32>
        %add3A_396 = arith.addf %add3A_394, %mul3A_395 : vector<16xf32>
        %bitcast_convert_type3A_397 = tpu.bitcast %add3A_396 : vector<16xf32> -> vector<16xi32>
        %shift_right_arithmetic3A_398 = arith.constant 1 : i32
        %shift_right_arithmetic3A_399 = vector.broadcast %shift_right_arithmetic3A_398 : i32 to vector<16xi32>
        %shift_right_arithmetic3A_400 = arith.shrsi %bitcast_convert_type3A_397, %shift_right_arithmetic3A_399 : vector<16xi32>
        %sub3A_401 = vector.broadcast %while3A : i32 to vector<16xi32>
        %sub3A_402 = arith.subi %sub3A_401, %shift_right_arithmetic3A_400 : vector<16xi32>
        %bitcast_convert_type3A_403 = tpu.bitcast %sub3A_402 : vector<16xi32> -> vector<16xf32>
        %mul3A_404 = vector.broadcast %while3A_82 : f32 to vector<16xf32>
        %mul3A_405 = arith.mulf %add3A_396, %mul3A_404 : vector<16xf32>
        %mul3A_406 = arith.mulf %mul3A_405, %bitcast_convert_type3A_403 : vector<16xf32>
        %mul3A_407 = arith.mulf %mul3A_406, %bitcast_convert_type3A_403 : vector<16xf32>
        %sub3A_408 = vector.broadcast %while3A_83 : f32 to vector<16xf32>
        %sub3A_409 = arith.subf %sub3A_408, %mul3A_407 : vector<16xf32>
        %mul3A_410 = arith.mulf %bitcast_convert_type3A_403, %sub3A_409 : vector<16xf32>
        %mul3A_411 = arith.mulf %mul3A_405, %mul3A_410 : vector<16xf32>
        %mul3A_412 = arith.mulf %mul3A_411, %mul3A_410 : vector<16xf32>
        %sub3A_413 = vector.broadcast %while3A_83 : f32 to vector<16xf32>
        %sub3A_414 = arith.subf %sub3A_413, %mul3A_412 : vector<16xf32>
        %mul3A_415 = arith.mulf %mul3A_410, %sub3A_414 : vector<16xf32>
        %mul3A_416 = vector.broadcast %while3A_82 : f32 to vector<16xf32>
        %mul3A_417 = arith.mulf %mul3A_415, %mul3A_416 : vector<16xf32>
        %mul3A_418 = arith.mulf %sub3A_389, %mul3A_417 : vector<16xf32>
        %add3A_419 = vector.broadcast %while3A_82 : f32 to vector<16xf32>
        %add3A_420 = arith.addf %mul3A_418, %add3A_419 : vector<16xf32>
        %swap3A_421 = arith.index_cast %add3A_388 : i32 to index
        %swap3A_422 = tpu.vector_load %arg9[%swap3A_421] {strides = array<i32>} : memref<5120xf32, #tpu.memory_space<vmem>>, vector<16xf32>,
        tpu.vector_store %arg9[%swap3A_421], %add3A_420 {strides = array<i32>} : memref<5120xf32, #tpu.memory_space<vmem>>, vector<16xf32>,
        %mul3A_423 = arith.mulf %sub3A_390, %mul3A_417 : vector<16xf32>
        %add3A_424 = vector.broadcast %while3A_82 : f32 to vector<16xf32>
        %add3A_425 = arith.addf %mul3A_423, %add3A_424 : vector<16xf32>
        %swap3A_426 = arith.index_cast %add3A_388 : i32 to index
        %swap3A_427 = tpu.vector_load %arg10[%swap3A_426] {strides = array<i32>} : memref<5120xf32, #tpu.memory_space<vmem>>, vector<16xf32>,
        tpu.vector_store %arg10[%swap3A_426], %add3A_425 {strides = array<i32>} : memref<5120xf32, #tpu.memory_space<vmem>>, vector<16xf32>,
        %mul3A_428 = arith.mulf %sub3A_391, %mul3A_417 : vector<16xf32>
        %add3A_429 = vector.broadcast %while3A_82 : f32 to vector<16xf32>
        %add3A_430 = arith.addf %mul3A_428, %add3A_429 : vector<16xf32>
        %swap3A_431 = arith.index_cast %add3A_388 : i32 to index
        %swap3A_432 = tpu.vector_load %arg11[%swap3A_431] {strides = array<i32>} : memref<5120xf32, #tpu.memory_space<vmem>>, vector<16xf32>,
        tpu.vector_store %arg11[%swap3A_431], %add3A_430 {strides = array<i32>} : memref<5120xf32, #tpu.memory_space<vmem>>, vector<16xf32>,
        %add3A_433 = arith.constant 32 : i32
        %add3A_434 = arith.addi %add3A_315, %add3A_433 : i32
        %add3A_435 = vector.broadcast %add3A_434 : i32 to vector<16xi32>
        %add3A_436 = arith.addi %iota3A, %add3A_435 : vector<16xi32>
        %add3A_437 = arith.constant 128 : i32
        %add3A_438 = vector.broadcast %add3A_437 : i32 to vector<16xi32>
        %add3A_439 = arith.addi %add3A_436, %add3A_438 : vector<16xi32>
        %gather3A_440 = tpu.vector_load_idx %arg8[%add3A_436, %broadcast_in_dim3A_23] : memref<10240x8xf32, #tpu.memory_space<vmem>>[vector<16xi32>, vector<16xi32>], vector<16xf32>,
        %gather3A_441 = tpu.vector_load_idx %arg8[%add3A_436, %broadcast_in_dim3A_25] : memref<10240x8xf32, #tpu.memory_space<vmem>>[vector<16xi32>, vector<16xi32>], vector<16xf32>,
        %gather3A_442 = tpu.vector_load_idx %arg8[%add3A_436, %broadcast_in_dim3A_27] : memref<10240x8xf32, #tpu.memory_space<vmem>>[vector<16xi32>, vector<16xi32>], vector<16xf32>,
        %gather3A_443 = tpu.vector_load_idx %arg8[%add3A_439, %broadcast_in_dim3A_23] : memref<10240x8xf32, #tpu.memory_space<vmem>>[vector<16xi32>, vector<16xi32>], vector<16xf32>,
        %gather3A_444 = tpu.vector_load_idx %arg8[%add3A_439, %broadcast_in_dim3A_25] : memref<10240x8xf32, #tpu.memory_space<vmem>>[vector<16xi32>, vector<16xi32>], vector<16xf32>,
        %gather3A_445 = tpu.vector_load_idx %arg8[%add3A_439, %broadcast_in_dim3A_27] : memref<10240x8xf32, #tpu.memory_space<vmem>>[vector<16xi32>, vector<16xi32>], vector<16xf32>,
        %add3A_446 = arith.constant 32 : i32
        %add3A_447 = arith.addi %add3A_318, %add3A_446 : i32
        %sub3A_448 = arith.subf %gather3A_443, %gather3A_440 : vector<16xf32>
        %sub3A_449 = arith.subf %gather3A_444, %gather3A_441 : vector<16xf32>
        %sub3A_450 = arith.subf %gather3A_445, %gather3A_442 : vector<16xf32>
        %mul3A_451 = arith.mulf %sub3A_448, %sub3A_448 : vector<16xf32>
        %mul3A_452 = arith.mulf %sub3A_449, %sub3A_449 : vector<16xf32>
        %add3A_453 = arith.addf %mul3A_451, %mul3A_452 : vector<16xf32>
        %mul3A_454 = arith.mulf %sub3A_450, %sub3A_450 : vector<16xf32>
        %add3A_455 = arith.addf %add3A_453, %mul3A_454 : vector<16xf32>
        %bitcast_convert_type3A_456 = tpu.bitcast %add3A_455 : vector<16xf32> -> vector<16xi32>
        %shift_right_arithmetic3A_457 = arith.constant 1 : i32
        %shift_right_arithmetic3A_458 = vector.broadcast %shift_right_arithmetic3A_457 : i32 to vector<16xi32>
        %shift_right_arithmetic3A_459 = arith.shrsi %bitcast_convert_type3A_456, %shift_right_arithmetic3A_458 : vector<16xi32>
        %sub3A_460 = vector.broadcast %while3A : i32 to vector<16xi32>
        %sub3A_461 = arith.subi %sub3A_460, %shift_right_arithmetic3A_459 : vector<16xi32>
        %bitcast_convert_type3A_462 = tpu.bitcast %sub3A_461 : vector<16xi32> -> vector<16xf32>
        %mul3A_463 = vector.broadcast %while3A_82 : f32 to vector<16xf32>
        %mul3A_464 = arith.mulf %add3A_455, %mul3A_463 : vector<16xf32>
        %mul3A_465 = arith.mulf %mul3A_464, %bitcast_convert_type3A_462 : vector<16xf32>
        %mul3A_466 = arith.mulf %mul3A_465, %bitcast_convert_type3A_462 : vector<16xf32>
        %sub3A_467 = vector.broadcast %while3A_83 : f32 to vector<16xf32>
        %sub3A_468 = arith.subf %sub3A_467, %mul3A_466 : vector<16xf32>
        %mul3A_469 = arith.mulf %bitcast_convert_type3A_462, %sub3A_468 : vector<16xf32>
        %mul3A_470 = arith.mulf %mul3A_464, %mul3A_469 : vector<16xf32>
        %mul3A_471 = arith.mulf %mul3A_470, %mul3A_469 : vector<16xf32>
        %sub3A_472 = vector.broadcast %while3A_83 : f32 to vector<16xf32>
        %sub3A_473 = arith.subf %sub3A_472, %mul3A_471 : vector<16xf32>
        %mul3A_474 = arith.mulf %mul3A_469, %sub3A_473 : vector<16xf32>
        %mul3A_475 = vector.broadcast %while3A_82 : f32 to vector<16xf32>
        %mul3A_476 = arith.mulf %mul3A_474, %mul3A_475 : vector<16xf32>
        %mul3A_477 = arith.mulf %sub3A_448, %mul3A_476 : vector<16xf32>
        %add3A_478 = vector.broadcast %while3A_82 : f32 to vector<16xf32>
        %add3A_479 = arith.addf %mul3A_477, %add3A_478 : vector<16xf32>
        %swap3A_480 = arith.index_cast %add3A_447 : i32 to index
        %swap3A_481 = tpu.vector_load %arg9[%swap3A_480] {strides = array<i32>} : memref<5120xf32, #tpu.memory_space<vmem>>, vector<16xf32>,
        tpu.vector_store %arg9[%swap3A_480], %add3A_479 {strides = array<i32>} : memref<5120xf32, #tpu.memory_space<vmem>>, vector<16xf32>,
        %mul3A_482 = arith.mulf %sub3A_449, %mul3A_476 : vector<16xf32>
        %add3A_483 = vector.broadcast %while3A_82 : f32 to vector<16xf32>
        %add3A_484 = arith.addf %mul3A_482, %add3A_483 : vector<16xf32>
        %swap3A_485 = arith.index_cast %add3A_447 : i32 to index
        %swap3A_486 = tpu.vector_load %arg10[%swap3A_485] {strides = array<i32>} : memref<5120xf32, #tpu.memory_space<vmem>>, vector<16xf32>,
        tpu.vector_store %arg10[%swap3A_485], %add3A_484 {strides = array<i32>} : memref<5120xf32, #tpu.memory_space<vmem>>, vector<16xf32>,
        %mul3A_487 = arith.mulf %sub3A_450, %mul3A_476 : vector<16xf32>
        %add3A_488 = vector.broadcast %while3A_82 : f32 to vector<16xf32>
        %add3A_489 = arith.addf %mul3A_487, %add3A_488 : vector<16xf32>
        %swap3A_490 = arith.index_cast %add3A_447 : i32 to index
        %swap3A_491 = tpu.vector_load %arg11[%swap3A_490] {strides = array<i32>} : memref<5120xf32, #tpu.memory_space<vmem>>, vector<16xf32>,
        tpu.vector_store %arg11[%swap3A_490], %add3A_489 {strides = array<i32>} : memref<5120xf32, #tpu.memory_space<vmem>>, vector<16xf32>,
        %add3A_492 = arith.constant 48 : i32
        %add3A_493 = arith.addi %add3A_315, %add3A_492 : i32
        %add3A_494 = vector.broadcast %add3A_493 : i32 to vector<16xi32>
        %add3A_495 = arith.addi %iota3A, %add3A_494 : vector<16xi32>
        %add3A_496 = arith.constant 128 : i32
        %add3A_497 = vector.broadcast %add3A_496 : i32 to vector<16xi32>
        %add3A_498 = arith.addi %add3A_495, %add3A_497 : vector<16xi32>
        %gather3A_499 = tpu.vector_load_idx %arg8[%add3A_495, %broadcast_in_dim3A_23] : memref<10240x8xf32, #tpu.memory_space<vmem>>[vector<16xi32>, vector<16xi32>], vector<16xf32>,
        %gather3A_500 = tpu.vector_load_idx %arg8[%add3A_495, %broadcast_in_dim3A_25] : memref<10240x8xf32, #tpu.memory_space<vmem>>[vector<16xi32>, vector<16xi32>], vector<16xf32>,
        %gather3A_501 = tpu.vector_load_idx %arg8[%add3A_495, %broadcast_in_dim3A_27] : memref<10240x8xf32, #tpu.memory_space<vmem>>[vector<16xi32>, vector<16xi32>], vector<16xf32>,
        %gather3A_502 = tpu.vector_load_idx %arg8[%add3A_498, %broadcast_in_dim3A_23] : memref<10240x8xf32, #tpu.memory_space<vmem>>[vector<16xi32>, vector<16xi32>], vector<16xf32>,
        %gather3A_503 = tpu.vector_load_idx %arg8[%add3A_498, %broadcast_in_dim3A_25] : memref<10240x8xf32, #tpu.memory_space<vmem>>[vector<16xi32>, vector<16xi32>], vector<16xf32>,
        %gather3A_504 = tpu.vector_load_idx %arg8[%add3A_498, %broadcast_in_dim3A_27] : memref<10240x8xf32, #tpu.memory_space<vmem>>[vector<16xi32>, vector<16xi32>], vector<16xf32>,
        %add3A_505 = arith.constant 48 : i32
        %add3A_506 = arith.addi %add3A_318, %add3A_505 : i32
        %sub3A_507 = arith.subf %gather3A_502, %gather3A_499 : vector<16xf32>
        %sub3A_508 = arith.subf %gather3A_503, %gather3A_500 : vector<16xf32>
        %sub3A_509 = arith.subf %gather3A_504, %gather3A_501 : vector<16xf32>
        %mul3A_510 = arith.mulf %sub3A_507, %sub3A_507 : vector<16xf32>
        %mul3A_511 = arith.mulf %sub3A_508, %sub3A_508 : vector<16xf32>
        %add3A_512 = arith.addf %mul3A_510, %mul3A_511 : vector<16xf32>
        %mul3A_513 = arith.mulf %sub3A_509, %sub3A_509 : vector<16xf32>
        %add3A_514 = arith.addf %add3A_512, %mul3A_513 : vector<16xf32>
        %bitcast_convert_type3A_515 = tpu.bitcast %add3A_514 : vector<16xf32> -> vector<16xi32>
        %shift_right_arithmetic3A_516 = arith.constant 1 : i32
        %shift_right_arithmetic3A_517 = vector.broadcast %shift_right_arithmetic3A_516 : i32 to vector<16xi32>
        %shift_right_arithmetic3A_518 = arith.shrsi %bitcast_convert_type3A_515, %shift_right_arithmetic3A_517 : vector<16xi32>
        %sub3A_519 = vector.broadcast %while3A : i32 to vector<16xi32>
        %sub3A_520 = arith.subi %sub3A_519, %shift_right_arithmetic3A_518 : vector<16xi32>
        %bitcast_convert_type3A_521 = tpu.bitcast %sub3A_520 : vector<16xi32> -> vector<16xf32>
        %mul3A_522 = vector.broadcast %while3A_82 : f32 to vector<16xf32>
        %mul3A_523 = arith.mulf %add3A_514, %mul3A_522 : vector<16xf32>
        %mul3A_524 = arith.mulf %mul3A_523, %bitcast_convert_type3A_521 : vector<16xf32>
        %mul3A_525 = arith.mulf %mul3A_524, %bitcast_convert_type3A_521 : vector<16xf32>
        %sub3A_526 = vector.broadcast %while3A_83 : f32 to vector<16xf32>
        %sub3A_527 = arith.subf %sub3A_526, %mul3A_525 : vector<16xf32>
        %mul3A_528 = arith.mulf %bitcast_convert_type3A_521, %sub3A_527 : vector<16xf32>
        %mul3A_529 = arith.mulf %mul3A_523, %mul3A_528 : vector<16xf32>
        %mul3A_530 = arith.mulf %mul3A_529, %mul3A_528 : vector<16xf32>
        %sub3A_531 = vector.broadcast %while3A_83 : f32 to vector<16xf32>
        %sub3A_532 = arith.subf %sub3A_531, %mul3A_530 : vector<16xf32>
        %mul3A_533 = arith.mulf %mul3A_528, %sub3A_532 : vector<16xf32>
        %mul3A_534 = vector.broadcast %while3A_82 : f32 to vector<16xf32>
        %mul3A_535 = arith.mulf %mul3A_533, %mul3A_534 : vector<16xf32>
        %mul3A_536 = arith.mulf %sub3A_507, %mul3A_535 : vector<16xf32>
        %add3A_537 = vector.broadcast %while3A_82 : f32 to vector<16xf32>
        %add3A_538 = arith.addf %mul3A_536, %add3A_537 : vector<16xf32>
        %swap3A_539 = arith.index_cast %add3A_506 : i32 to index
        %swap3A_540 = tpu.vector_load %arg9[%swap3A_539] {strides = array<i32>} : memref<5120xf32, #tpu.memory_space<vmem>>, vector<16xf32>,
        tpu.vector_store %arg9[%swap3A_539], %add3A_538 {strides = array<i32>} : memref<5120xf32, #tpu.memory_space<vmem>>, vector<16xf32>,
        %mul3A_541 = arith.mulf %sub3A_508, %mul3A_535 : vector<16xf32>
        %add3A_542 = vector.broadcast %while3A_82 : f32 to vector<16xf32>
        %add3A_543 = arith.addf %mul3A_541, %add3A_542 : vector<16xf32>
        %swap3A_544 = arith.index_cast %add3A_506 : i32 to index
        %swap3A_545 = tpu.vector_load %arg10[%swap3A_544] {strides = array<i32>} : memref<5120xf32, #tpu.memory_space<vmem>>, vector<16xf32>,
        tpu.vector_store %arg10[%swap3A_544], %add3A_543 {strides = array<i32>} : memref<5120xf32, #tpu.memory_space<vmem>>, vector<16xf32>,
        %mul3A_546 = arith.mulf %sub3A_509, %mul3A_535 : vector<16xf32>
        %add3A_547 = vector.broadcast %while3A_82 : f32 to vector<16xf32>
        %add3A_548 = arith.addf %mul3A_546, %add3A_547 : vector<16xf32>
        %swap3A_549 = arith.index_cast %add3A_506 : i32 to index
        %swap3A_550 = tpu.vector_load %arg11[%swap3A_549] {strides = array<i32>} : memref<5120xf32, #tpu.memory_space<vmem>>, vector<16xf32>,
        tpu.vector_store %arg11[%swap3A_549], %add3A_548 {strides = array<i32>} : memref<5120xf32, #tpu.memory_space<vmem>>, vector<16xf32>,
        %add3A_551 = arith.constant 64 : i32
        %add3A_552 = arith.addi %add3A_315, %add3A_551 : i32
        %add3A_553 = vector.broadcast %add3A_552 : i32 to vector<16xi32>
        %add3A_554 = arith.addi %iota3A, %add3A_553 : vector<16xi32>
        %add3A_555 = arith.constant 128 : i32
        %add3A_556 = vector.broadcast %add3A_555 : i32 to vector<16xi32>
        %add3A_557 = arith.addi %add3A_554, %add3A_556 : vector<16xi32>
        %gather3A_558 = tpu.vector_load_idx %arg8[%add3A_554, %broadcast_in_dim3A_23] : memref<10240x8xf32, #tpu.memory_space<vmem>>[vector<16xi32>, vector<16xi32>], vector<16xf32>,
        %gather3A_559 = tpu.vector_load_idx %arg8[%add3A_554, %broadcast_in_dim3A_25] : memref<10240x8xf32, #tpu.memory_space<vmem>>[vector<16xi32>, vector<16xi32>], vector<16xf32>,
        %gather3A_560 = tpu.vector_load_idx %arg8[%add3A_554, %broadcast_in_dim3A_27] : memref<10240x8xf32, #tpu.memory_space<vmem>>[vector<16xi32>, vector<16xi32>], vector<16xf32>,
        %gather3A_561 = tpu.vector_load_idx %arg8[%add3A_557, %broadcast_in_dim3A_23] : memref<10240x8xf32, #tpu.memory_space<vmem>>[vector<16xi32>, vector<16xi32>], vector<16xf32>,
        %gather3A_562 = tpu.vector_load_idx %arg8[%add3A_557, %broadcast_in_dim3A_25] : memref<10240x8xf32, #tpu.memory_space<vmem>>[vector<16xi32>, vector<16xi32>], vector<16xf32>,
        %gather3A_563 = tpu.vector_load_idx %arg8[%add3A_557, %broadcast_in_dim3A_27] : memref<10240x8xf32, #tpu.memory_space<vmem>>[vector<16xi32>, vector<16xi32>], vector<16xf32>,
        %add3A_564 = arith.constant 64 : i32
        %add3A_565 = arith.addi %add3A_318, %add3A_564 : i32
        %sub3A_566 = arith.subf %gather3A_561, %gather3A_558 : vector<16xf32>
        %sub3A_567 = arith.subf %gather3A_562, %gather3A_559 : vector<16xf32>
        %sub3A_568 = arith.subf %gather3A_563, %gather3A_560 : vector<16xf32>
        %mul3A_569 = arith.mulf %sub3A_566, %sub3A_566 : vector<16xf32>
        %mul3A_570 = arith.mulf %sub3A_567, %sub3A_567 : vector<16xf32>
        %add3A_571 = arith.addf %mul3A_569, %mul3A_570 : vector<16xf32>
        %mul3A_572 = arith.mulf %sub3A_568, %sub3A_568 : vector<16xf32>
        %add3A_573 = arith.addf %add3A_571, %mul3A_572 : vector<16xf32>
        %bitcast_convert_type3A_574 = tpu.bitcast %add3A_573 : vector<16xf32> -> vector<16xi32>
        %shift_right_arithmetic3A_575 = arith.constant 1 : i32
        %shift_right_arithmetic3A_576 = vector.broadcast %shift_right_arithmetic3A_575 : i32 to vector<16xi32>
        %shift_right_arithmetic3A_577 = arith.shrsi %bitcast_convert_type3A_574, %shift_right_arithmetic3A_576 : vector<16xi32>
        %sub3A_578 = vector.broadcast %while3A : i32 to vector<16xi32>
        %sub3A_579 = arith.subi %sub3A_578, %shift_right_arithmetic3A_577 : vector<16xi32>
        %bitcast_convert_type3A_580 = tpu.bitcast %sub3A_579 : vector<16xi32> -> vector<16xf32>
        %mul3A_581 = vector.broadcast %while3A_82 : f32 to vector<16xf32>
        %mul3A_582 = arith.mulf %add3A_573, %mul3A_581 : vector<16xf32>
        %mul3A_583 = arith.mulf %mul3A_582, %bitcast_convert_type3A_580 : vector<16xf32>
        %mul3A_584 = arith.mulf %mul3A_583, %bitcast_convert_type3A_580 : vector<16xf32>
        %sub3A_585 = vector.broadcast %while3A_83 : f32 to vector<16xf32>
        %sub3A_586 = arith.subf %sub3A_585, %mul3A_584 : vector<16xf32>
        %mul3A_587 = arith.mulf %bitcast_convert_type3A_580, %sub3A_586 : vector<16xf32>
        %mul3A_588 = arith.mulf %mul3A_582, %mul3A_587 : vector<16xf32>
        %mul3A_589 = arith.mulf %mul3A_588, %mul3A_587 : vector<16xf32>
        %sub3A_590 = vector.broadcast %while3A_83 : f32 to vector<16xf32>
        %sub3A_591 = arith.subf %sub3A_590, %mul3A_589 : vector<16xf32>
        %mul3A_592 = arith.mulf %mul3A_587, %sub3A_591 : vector<16xf32>
        %mul3A_593 = vector.broadcast %while3A_82 : f32 to vector<16xf32>
        %mul3A_594 = arith.mulf %mul3A_592, %mul3A_593 : vector<16xf32>
        %mul3A_595 = arith.mulf %sub3A_566, %mul3A_594 : vector<16xf32>
        %add3A_596 = vector.broadcast %while3A_82 : f32 to vector<16xf32>
        %add3A_597 = arith.addf %mul3A_595, %add3A_596 : vector<16xf32>
        %swap3A_598 = arith.index_cast %add3A_565 : i32 to index
        %swap3A_599 = tpu.vector_load %arg9[%swap3A_598] {strides = array<i32>} : memref<5120xf32, #tpu.memory_space<vmem>>, vector<16xf32>,
        tpu.vector_store %arg9[%swap3A_598], %add3A_597 {strides = array<i32>} : memref<5120xf32, #tpu.memory_space<vmem>>, vector<16xf32>,
        %mul3A_600 = arith.mulf %sub3A_567, %mul3A_594 : vector<16xf32>
        %add3A_601 = vector.broadcast %while3A_82 : f32 to vector<16xf32>
        %add3A_602 = arith.addf %mul3A_600, %add3A_601 : vector<16xf32>
        %swap3A_603 = arith.index_cast %add3A_565 : i32 to index
        %swap3A_604 = tpu.vector_load %arg10[%swap3A_603] {strides = array<i32>} : memref<5120xf32, #tpu.memory_space<vmem>>, vector<16xf32>,
        tpu.vector_store %arg10[%swap3A_603], %add3A_602 {strides = array<i32>} : memref<5120xf32, #tpu.memory_space<vmem>>, vector<16xf32>,
        %mul3A_605 = arith.mulf %sub3A_568, %mul3A_594 : vector<16xf32>
        %add3A_606 = vector.broadcast %while3A_82 : f32 to vector<16xf32>
        %add3A_607 = arith.addf %mul3A_605, %add3A_606 : vector<16xf32>
        %swap3A_608 = arith.index_cast %add3A_565 : i32 to index
        %swap3A_609 = tpu.vector_load %arg11[%swap3A_608] {strides = array<i32>} : memref<5120xf32, #tpu.memory_space<vmem>>, vector<16xf32>,
        tpu.vector_store %arg11[%swap3A_608], %add3A_607 {strides = array<i32>} : memref<5120xf32, #tpu.memory_space<vmem>>, vector<16xf32>,
        %add3A_610 = arith.constant 80 : i32
        %add3A_611 = arith.addi %add3A_315, %add3A_610 : i32
        %add3A_612 = vector.broadcast %add3A_611 : i32 to vector<16xi32>
        %add3A_613 = arith.addi %iota3A, %add3A_612 : vector<16xi32>
        %add3A_614 = arith.constant 128 : i32
        %add3A_615 = vector.broadcast %add3A_614 : i32 to vector<16xi32>
        %add3A_616 = arith.addi %add3A_613, %add3A_615 : vector<16xi32>
        %gather3A_617 = tpu.vector_load_idx %arg8[%add3A_613, %broadcast_in_dim3A_23] : memref<10240x8xf32, #tpu.memory_space<vmem>>[vector<16xi32>, vector<16xi32>], vector<16xf32>,
        %gather3A_618 = tpu.vector_load_idx %arg8[%add3A_613, %broadcast_in_dim3A_25] : memref<10240x8xf32, #tpu.memory_space<vmem>>[vector<16xi32>, vector<16xi32>], vector<16xf32>,
        %gather3A_619 = tpu.vector_load_idx %arg8[%add3A_613, %broadcast_in_dim3A_27] : memref<10240x8xf32, #tpu.memory_space<vmem>>[vector<16xi32>, vector<16xi32>], vector<16xf32>,
        %gather3A_620 = tpu.vector_load_idx %arg8[%add3A_616, %broadcast_in_dim3A_23] : memref<10240x8xf32, #tpu.memory_space<vmem>>[vector<16xi32>, vector<16xi32>], vector<16xf32>,
        %gather3A_621 = tpu.vector_load_idx %arg8[%add3A_616, %broadcast_in_dim3A_25] : memref<10240x8xf32, #tpu.memory_space<vmem>>[vector<16xi32>, vector<16xi32>], vector<16xf32>,
        %gather3A_622 = tpu.vector_load_idx %arg8[%add3A_616, %broadcast_in_dim3A_27] : memref<10240x8xf32, #tpu.memory_space<vmem>>[vector<16xi32>, vector<16xi32>], vector<16xf32>,
        %add3A_623 = arith.constant 80 : i32
        %add3A_624 = arith.addi %add3A_318, %add3A_623 : i32
        %sub3A_625 = arith.subf %gather3A_620, %gather3A_617 : vector<16xf32>
        %sub3A_626 = arith.subf %gather3A_621, %gather3A_618 : vector<16xf32>
        %sub3A_627 = arith.subf %gather3A_622, %gather3A_619 : vector<16xf32>
        %mul3A_628 = arith.mulf %sub3A_625, %sub3A_625 : vector<16xf32>
        %mul3A_629 = arith.mulf %sub3A_626, %sub3A_626 : vector<16xf32>
        %add3A_630 = arith.addf %mul3A_628, %mul3A_629 : vector<16xf32>
        %mul3A_631 = arith.mulf %sub3A_627, %sub3A_627 : vector<16xf32>
        %add3A_632 = arith.addf %add3A_630, %mul3A_631 : vector<16xf32>
        %bitcast_convert_type3A_633 = tpu.bitcast %add3A_632 : vector<16xf32> -> vector<16xi32>
        %shift_right_arithmetic3A_634 = arith.constant 1 : i32
        %shift_right_arithmetic3A_635 = vector.broadcast %shift_right_arithmetic3A_634 : i32 to vector<16xi32>
        %shift_right_arithmetic3A_636 = arith.shrsi %bitcast_convert_type3A_633, %shift_right_arithmetic3A_635 : vector<16xi32>
        %sub3A_637 = vector.broadcast %while3A : i32 to vector<16xi32>
        %sub3A_638 = arith.subi %sub3A_637, %shift_right_arithmetic3A_636 : vector<16xi32>
        %bitcast_convert_type3A_639 = tpu.bitcast %sub3A_638 : vector<16xi32> -> vector<16xf32>
        %mul3A_640 = vector.broadcast %while3A_82 : f32 to vector<16xf32>
        %mul3A_641 = arith.mulf %add3A_632, %mul3A_640 : vector<16xf32>
        %mul3A_642 = arith.mulf %mul3A_641, %bitcast_convert_type3A_639 : vector<16xf32>
        %mul3A_643 = arith.mulf %mul3A_642, %bitcast_convert_type3A_639 : vector<16xf32>
        %sub3A_644 = vector.broadcast %while3A_83 : f32 to vector<16xf32>
        %sub3A_645 = arith.subf %sub3A_644, %mul3A_643 : vector<16xf32>
        %mul3A_646 = arith.mulf %bitcast_convert_type3A_639, %sub3A_645 : vector<16xf32>
        %mul3A_647 = arith.mulf %mul3A_641, %mul3A_646 : vector<16xf32>
        %mul3A_648 = arith.mulf %mul3A_647, %mul3A_646 : vector<16xf32>
        %sub3A_649 = vector.broadcast %while3A_83 : f32 to vector<16xf32>
        %sub3A_650 = arith.subf %sub3A_649, %mul3A_648 : vector<16xf32>
        %mul3A_651 = arith.mulf %mul3A_646, %sub3A_650 : vector<16xf32>
        %mul3A_652 = vector.broadcast %while3A_82 : f32 to vector<16xf32>
        %mul3A_653 = arith.mulf %mul3A_651, %mul3A_652 : vector<16xf32>
        %mul3A_654 = arith.mulf %sub3A_625, %mul3A_653 : vector<16xf32>
        %add3A_655 = vector.broadcast %while3A_82 : f32 to vector<16xf32>
        %add3A_656 = arith.addf %mul3A_654, %add3A_655 : vector<16xf32>
        %swap3A_657 = arith.index_cast %add3A_624 : i32 to index
        %swap3A_658 = tpu.vector_load %arg9[%swap3A_657] {strides = array<i32>} : memref<5120xf32, #tpu.memory_space<vmem>>, vector<16xf32>,
        tpu.vector_store %arg9[%swap3A_657], %add3A_656 {strides = array<i32>} : memref<5120xf32, #tpu.memory_space<vmem>>, vector<16xf32>,
        %mul3A_659 = arith.mulf %sub3A_626, %mul3A_653 : vector<16xf32>
        %add3A_660 = vector.broadcast %while3A_82 : f32 to vector<16xf32>
        %add3A_661 = arith.addf %mul3A_659, %add3A_660 : vector<16xf32>
        %swap3A_662 = arith.index_cast %add3A_624 : i32 to index
        %swap3A_663 = tpu.vector_load %arg10[%swap3A_662] {strides = array<i32>} : memref<5120xf32, #tpu.memory_space<vmem>>, vector<16xf32>,
        tpu.vector_store %arg10[%swap3A_662], %add3A_661 {strides = array<i32>} : memref<5120xf32, #tpu.memory_space<vmem>>, vector<16xf32>,
        %mul3A_664 = arith.mulf %sub3A_627, %mul3A_653 : vector<16xf32>
        %add3A_665 = vector.broadcast %while3A_82 : f32 to vector<16xf32>
        %add3A_666 = arith.addf %mul3A_664, %add3A_665 : vector<16xf32>
        %swap3A_667 = arith.index_cast %add3A_624 : i32 to index
        %swap3A_668 = tpu.vector_load %arg11[%swap3A_667] {strides = array<i32>} : memref<5120xf32, #tpu.memory_space<vmem>>, vector<16xf32>,
        tpu.vector_store %arg11[%swap3A_667], %add3A_666 {strides = array<i32>} : memref<5120xf32, #tpu.memory_space<vmem>>, vector<16xf32>,
        %add3A_669 = arith.constant 96 : i32
        %add3A_670 = arith.addi %add3A_315, %add3A_669 : i32
        %add3A_671 = vector.broadcast %add3A_670 : i32 to vector<16xi32>
        %add3A_672 = arith.addi %iota3A, %add3A_671 : vector<16xi32>
        %add3A_673 = arith.constant 128 : i32
        %add3A_674 = vector.broadcast %add3A_673 : i32 to vector<16xi32>
        %add3A_675 = arith.addi %add3A_672, %add3A_674 : vector<16xi32>
        %gather3A_676 = tpu.vector_load_idx %arg8[%add3A_672, %broadcast_in_dim3A_23] : memref<10240x8xf32, #tpu.memory_space<vmem>>[vector<16xi32>, vector<16xi32>], vector<16xf32>,
        %gather3A_677 = tpu.vector_load_idx %arg8[%add3A_672, %broadcast_in_dim3A_25] : memref<10240x8xf32, #tpu.memory_space<vmem>>[vector<16xi32>, vector<16xi32>], vector<16xf32>,
        %gather3A_678 = tpu.vector_load_idx %arg8[%add3A_672, %broadcast_in_dim3A_27] : memref<10240x8xf32, #tpu.memory_space<vmem>>[vector<16xi32>, vector<16xi32>], vector<16xf32>,
        %gather3A_679 = tpu.vector_load_idx %arg8[%add3A_675, %broadcast_in_dim3A_23] : memref<10240x8xf32, #tpu.memory_space<vmem>>[vector<16xi32>, vector<16xi32>], vector<16xf32>,
        %gather3A_680 = tpu.vector_load_idx %arg8[%add3A_675, %broadcast_in_dim3A_25] : memref<10240x8xf32, #tpu.memory_space<vmem>>[vector<16xi32>, vector<16xi32>], vector<16xf32>,
        %gather3A_681 = tpu.vector_load_idx %arg8[%add3A_675, %broadcast_in_dim3A_27] : memref<10240x8xf32, #tpu.memory_space<vmem>>[vector<16xi32>, vector<16xi32>], vector<16xf32>,
        %add3A_682 = arith.constant 96 : i32
        %add3A_683 = arith.addi %add3A_318, %add3A_682 : i32
        %sub3A_684 = arith.subf %gather3A_679, %gather3A_676 : vector<16xf32>
        %sub3A_685 = arith.subf %gather3A_680, %gather3A_677 : vector<16xf32>
        %sub3A_686 = arith.subf %gather3A_681, %gather3A_678 : vector<16xf32>
        %mul3A_687 = arith.mulf %sub3A_684, %sub3A_684 : vector<16xf32>
        %mul3A_688 = arith.mulf %sub3A_685, %sub3A_685 : vector<16xf32>
        %add3A_689 = arith.addf %mul3A_687, %mul3A_688 : vector<16xf32>
        %mul3A_690 = arith.mulf %sub3A_686, %sub3A_686 : vector<16xf32>
        %add3A_691 = arith.addf %add3A_689, %mul3A_690 : vector<16xf32>
        %bitcast_convert_type3A_692 = tpu.bitcast %add3A_691 : vector<16xf32> -> vector<16xi32>
        %shift_right_arithmetic3A_693 = arith.constant 1 : i32
        %shift_right_arithmetic3A_694 = vector.broadcast %shift_right_arithmetic3A_693 : i32 to vector<16xi32>
        %shift_right_arithmetic3A_695 = arith.shrsi %bitcast_convert_type3A_692, %shift_right_arithmetic3A_694 : vector<16xi32>
        %sub3A_696 = vector.broadcast %while3A : i32 to vector<16xi32>
        %sub3A_697 = arith.subi %sub3A_696, %shift_right_arithmetic3A_695 : vector<16xi32>
        %bitcast_convert_type3A_698 = tpu.bitcast %sub3A_697 : vector<16xi32> -> vector<16xf32>
        %mul3A_699 = vector.broadcast %while3A_82 : f32 to vector<16xf32>
        %mul3A_700 = arith.mulf %add3A_691, %mul3A_699 : vector<16xf32>
        %mul3A_701 = arith.mulf %mul3A_700, %bitcast_convert_type3A_698 : vector<16xf32>
        %mul3A_702 = arith.mulf %mul3A_701, %bitcast_convert_type3A_698 : vector<16xf32>
        %sub3A_703 = vector.broadcast %while3A_83 : f32 to vector<16xf32>
        %sub3A_704 = arith.subf %sub3A_703, %mul3A_702 : vector<16xf32>
        %mul3A_705 = arith.mulf %bitcast_convert_type3A_698, %sub3A_704 : vector<16xf32>
        %mul3A_706 = arith.mulf %mul3A_700, %mul3A_705 : vector<16xf32>
        %mul3A_707 = arith.mulf %mul3A_706, %mul3A_705 : vector<16xf32>
        %sub3A_708 = vector.broadcast %while3A_83 : f32 to vector<16xf32>
        %sub3A_709 = arith.subf %sub3A_708, %mul3A_707 : vector<16xf32>
        %mul3A_710 = arith.mulf %mul3A_705, %sub3A_709 : vector<16xf32>
        %mul3A_711 = vector.broadcast %while3A_82 : f32 to vector<16xf32>
        %mul3A_712 = arith.mulf %mul3A_710, %mul3A_711 : vector<16xf32>
        %mul3A_713 = arith.mulf %sub3A_684, %mul3A_712 : vector<16xf32>
        %add3A_714 = vector.broadcast %while3A_82 : f32 to vector<16xf32>
        %add3A_715 = arith.addf %mul3A_713, %add3A_714 : vector<16xf32>
        %swap3A_716 = arith.index_cast %add3A_683 : i32 to index
        %swap3A_717 = tpu.vector_load %arg9[%swap3A_716] {strides = array<i32>} : memref<5120xf32, #tpu.memory_space<vmem>>, vector<16xf32>,
        tpu.vector_store %arg9[%swap3A_716], %add3A_715 {strides = array<i32>} : memref<5120xf32, #tpu.memory_space<vmem>>, vector<16xf32>,
        %mul3A_718 = arith.mulf %sub3A_685, %mul3A_712 : vector<16xf32>
        %add3A_719 = vector.broadcast %while3A_82 : f32 to vector<16xf32>
        %add3A_720 = arith.addf %mul3A_718, %add3A_719 : vector<16xf32>
        %swap3A_721 = arith.index_cast %add3A_683 : i32 to index
        %swap3A_722 = tpu.vector_load %arg10[%swap3A_721] {strides = array<i32>} : memref<5120xf32, #tpu.memory_space<vmem>>, vector<16xf32>,
        tpu.vector_store %arg10[%swap3A_721], %add3A_720 {strides = array<i32>} : memref<5120xf32, #tpu.memory_space<vmem>>, vector<16xf32>,
        %mul3A_723 = arith.mulf %sub3A_686, %mul3A_712 : vector<16xf32>
        %add3A_724 = vector.broadcast %while3A_82 : f32 to vector<16xf32>
        %add3A_725 = arith.addf %mul3A_723, %add3A_724 : vector<16xf32>
        %swap3A_726 = arith.index_cast %add3A_683 : i32 to index
        %swap3A_727 = tpu.vector_load %arg11[%swap3A_726] {strides = array<i32>} : memref<5120xf32, #tpu.memory_space<vmem>>, vector<16xf32>,
        tpu.vector_store %arg11[%swap3A_726], %add3A_725 {strides = array<i32>} : memref<5120xf32, #tpu.memory_space<vmem>>, vector<16xf32>,
        %add3A_728 = arith.constant 112 : i32
        %add3A_729 = arith.addi %add3A_315, %add3A_728 : i32
        %add3A_730 = vector.broadcast %add3A_729 : i32 to vector<16xi32>
        %add3A_731 = arith.addi %iota3A, %add3A_730 : vector<16xi32>
        %add3A_732 = arith.constant 128 : i32
        %add3A_733 = vector.broadcast %add3A_732 : i32 to vector<16xi32>
        %add3A_734 = arith.addi %add3A_731, %add3A_733 : vector<16xi32>
        %gather3A_735 = tpu.vector_load_idx %arg8[%add3A_731, %broadcast_in_dim3A_23] : memref<10240x8xf32, #tpu.memory_space<vmem>>[vector<16xi32>, vector<16xi32>], vector<16xf32>,
        %gather3A_736 = tpu.vector_load_idx %arg8[%add3A_731, %broadcast_in_dim3A_25] : memref<10240x8xf32, #tpu.memory_space<vmem>>[vector<16xi32>, vector<16xi32>], vector<16xf32>,
        %gather3A_737 = tpu.vector_load_idx %arg8[%add3A_731, %broadcast_in_dim3A_27] : memref<10240x8xf32, #tpu.memory_space<vmem>>[vector<16xi32>, vector<16xi32>], vector<16xf32>,
        %gather3A_738 = tpu.vector_load_idx %arg8[%add3A_734, %broadcast_in_dim3A_23] : memref<10240x8xf32, #tpu.memory_space<vmem>>[vector<16xi32>, vector<16xi32>], vector<16xf32>,
        %gather3A_739 = tpu.vector_load_idx %arg8[%add3A_734, %broadcast_in_dim3A_25] : memref<10240x8xf32, #tpu.memory_space<vmem>>[vector<16xi32>, vector<16xi32>], vector<16xf32>,
        %gather3A_740 = tpu.vector_load_idx %arg8[%add3A_734, %broadcast_in_dim3A_27] : memref<10240x8xf32, #tpu.memory_space<vmem>>[vector<16xi32>, vector<16xi32>], vector<16xf32>,
        %add3A_741 = arith.constant 112 : i32
        %add3A_742 = arith.addi %add3A_318, %add3A_741 : i32
        %sub3A_743 = arith.subf %gather3A_738, %gather3A_735 : vector<16xf32>
        %sub3A_744 = arith.subf %gather3A_739, %gather3A_736 : vector<16xf32>
        %sub3A_745 = arith.subf %gather3A_740, %gather3A_737 : vector<16xf32>
        %mul3A_746 = arith.mulf %sub3A_743, %sub3A_743 : vector<16xf32>
        %mul3A_747 = arith.mulf %sub3A_744, %sub3A_744 : vector<16xf32>
        %add3A_748 = arith.addf %mul3A_746, %mul3A_747 : vector<16xf32>
        %mul3A_749 = arith.mulf %sub3A_745, %sub3A_745 : vector<16xf32>
        %add3A_750 = arith.addf %add3A_748, %mul3A_749 : vector<16xf32>
        %bitcast_convert_type3A_751 = tpu.bitcast %add3A_750 : vector<16xf32> -> vector<16xi32>
        %shift_right_arithmetic3A_752 = arith.constant 1 : i32
        %shift_right_arithmetic3A_753 = vector.broadcast %shift_right_arithmetic3A_752 : i32 to vector<16xi32>
        %shift_right_arithmetic3A_754 = arith.shrsi %bitcast_convert_type3A_751, %shift_right_arithmetic3A_753 : vector<16xi32>
        %sub3A_755 = vector.broadcast %while3A : i32 to vector<16xi32>
        %sub3A_756 = arith.subi %sub3A_755, %shift_right_arithmetic3A_754 : vector<16xi32>
        %bitcast_convert_type3A_757 = tpu.bitcast %sub3A_756 : vector<16xi32> -> vector<16xf32>
        %mul3A_758 = vector.broadcast %while3A_82 : f32 to vector<16xf32>
        %mul3A_759 = arith.mulf %add3A_750, %mul3A_758 : vector<16xf32>
        %mul3A_760 = arith.mulf %mul3A_759, %bitcast_convert_type3A_757 : vector<16xf32>
        %mul3A_761 = arith.mulf %mul3A_760, %bitcast_convert_type3A_757 : vector<16xf32>
        %sub3A_762 = vector.broadcast %while3A_83 : f32 to vector<16xf32>
        %sub3A_763 = arith.subf %sub3A_762, %mul3A_761 : vector<16xf32>
        %mul3A_764 = arith.mulf %bitcast_convert_type3A_757, %sub3A_763 : vector<16xf32>
        %mul3A_765 = arith.mulf %mul3A_759, %mul3A_764 : vector<16xf32>
        %mul3A_766 = arith.mulf %mul3A_765, %mul3A_764 : vector<16xf32>
        %sub3A_767 = vector.broadcast %while3A_83 : f32 to vector<16xf32>
        %sub3A_768 = arith.subf %sub3A_767, %mul3A_766 : vector<16xf32>
        %mul3A_769 = arith.mulf %mul3A_764, %sub3A_768 : vector<16xf32>
        %mul3A_770 = vector.broadcast %while3A_82 : f32 to vector<16xf32>
        %mul3A_771 = arith.mulf %mul3A_769, %mul3A_770 : vector<16xf32>
        %mul3A_772 = arith.mulf %sub3A_743, %mul3A_771 : vector<16xf32>
        %add3A_773 = vector.broadcast %while3A_82 : f32 to vector<16xf32>
        %add3A_774 = arith.addf %mul3A_772, %add3A_773 : vector<16xf32>
        %swap3A_775 = arith.index_cast %add3A_742 : i32 to index
        %swap3A_776 = tpu.vector_load %arg9[%swap3A_775] {strides = array<i32>} : memref<5120xf32, #tpu.memory_space<vmem>>, vector<16xf32>,
        tpu.vector_store %arg9[%swap3A_775], %add3A_774 {strides = array<i32>} : memref<5120xf32, #tpu.memory_space<vmem>>, vector<16xf32>,
        %mul3A_777 = arith.mulf %sub3A_744, %mul3A_771 : vector<16xf32>
        %add3A_778 = vector.broadcast %while3A_82 : f32 to vector<16xf32>
        %add3A_779 = arith.addf %mul3A_777, %add3A_778 : vector<16xf32>
        %swap3A_780 = arith.index_cast %add3A_742 : i32 to index
        %swap3A_781 = tpu.vector_load %arg10[%swap3A_780] {strides = array<i32>} : memref<5120xf32, #tpu.memory_space<vmem>>, vector<16xf32>,
        tpu.vector_store %arg10[%swap3A_780], %add3A_779 {strides = array<i32>} : memref<5120xf32, #tpu.memory_space<vmem>>, vector<16xf32>,
        %mul3A_782 = arith.mulf %sub3A_745, %mul3A_771 : vector<16xf32>
        %add3A_783 = vector.broadcast %while3A_82 : f32 to vector<16xf32>
        %add3A_784 = arith.addf %mul3A_782, %add3A_783 : vector<16xf32>
        %swap3A_785 = arith.index_cast %add3A_742 : i32 to index
        %swap3A_786 = tpu.vector_load %arg11[%swap3A_785] {strides = array<i32>} : memref<5120xf32, #tpu.memory_space<vmem>>, vector<16xf32>,
        tpu.vector_store %arg11[%swap3A_785], %add3A_784 {strides = array<i32>} : memref<5120xf32, #tpu.memory_space<vmem>>, vector<16xf32>,
      }
      %scan3A_222 = arith.constant 20 : i32
      %jit3A_223 = arith.constant 2 : i32
      %eq3A_224 = arith.constant 0 : i32
      %eq3A_225 = arith.cmpi eq, %jit3A_223, %eq3A_224 : i32
      %jit3A_226 = arith.constant 1 : i32
      %select_n3A_227 = arith.select %eq3A_225, %jit3A_226, %jit3A_223 : i32
      %rem3A_228 = arith.remsi %while3A_104, %select_n3A_227 : i32
      %ne3A_229 = arith.constant 0 : i32
      %ne3A_230 = arith.cmpi ne, %rem3A_228, %ne3A_229 : i32
      %lt3A_231 = arith.constant 0 : i32
      %lt3A_232 = arith.cmpi slt, %rem3A_228, %lt3A_231 : i32
      %lt3A_233 = arith.constant 0 : i32
      %lt3A_234 = arith.cmpi slt, %select_n3A_227, %lt3A_233 : i32
      %ne3A_235 = arith.xori %lt3A_232, %lt3A_234 : i1
      %and3A_236 = arith.andi %ne3A_235, %ne3A_230 : i1
      %add3A_237 = arith.addi %rem3A_228, %select_n3A_227 : i32
      %select_n3A_238 = arith.select %and3A_236, %add3A_237, %rem3A_228 : i32
      %mul3A_239 = arith.constant 2560 : i32
      %mul3A_240 = arith.muli %select_n3A_238, %mul3A_239 : i32
      %mul3A_241 = arith.constant 32 : i32
      %mul3A_242 = arith.muli %while3A_104, %mul3A_241 : i32
      %add3A_243 = arith.addi %add3A, %mul3A_242 : i32
      %mul3A_244 = arith.constant 2560 : i32
      %mul3A_245 = arith.muli %add3A_243, %mul3A_244 : i32
      %jit3A_246 = arith.constant 2 : i32
      %eq3A_247 = arith.constant 0 : i32
      %eq3A_248 = arith.cmpi eq, %jit3A_246, %eq3A_247 : i32
      %jit3A_249 = arith.constant 1 : i32
      %select_n3A_250 = arith.select %eq3A_248, %jit3A_249, %jit3A_246 : i32
      %rem3A_251 = arith.remsi %while3A_104, %select_n3A_250 : i32
      %ne3A_252 = arith.constant 0 : i32
      %ne3A_253 = arith.cmpi ne, %rem3A_251, %ne3A_252 : i32
      %lt3A_254 = arith.constant 0 : i32
      %lt3A_255 = arith.cmpi slt, %rem3A_251, %lt3A_254 : i32
      %lt3A_256 = arith.constant 0 : i32
      %lt3A_257 = arith.cmpi slt, %select_n3A_250, %lt3A_256 : i32
      %ne3A_258 = arith.xori %lt3A_255, %lt3A_257 : i1
      %and3A_259 = arith.andi %ne3A_258, %ne3A_253 : i1
      %add3A_260 = arith.addi %rem3A_251, %select_n3A_250 : i32
      %select_n3A_261 = arith.select %and3A_259, %add3A_260, %rem3A_251 : i32
      %dma_start3A_262 = tpu.memref_slice %arg9[%mul3A_240] : memref<5120xf32, #tpu.memory_space<vmem>> -> memref<2560xf32, #tpu.memory_space<vmem>>
      %dma_start3A_263 = tpu.memref_slice %arg4[%mul3A_245] : memref<6400000xf32, #tpu.memory_space<hbm>> -> memref<2560xf32, #tpu.memory_space<hbm>>
      %dma_start3A_264 = tpu.memref_slice %arg14[%select_n3A_261] : memref<2x!tpu.dma_semaphore, #tpu.memory_space<semaphore_mem>> -> memref<1x!tpu.dma_semaphore, #tpu.memory_space<semaphore_mem>>
      %dma_start3A_265 = tpu.memref_squeeze %dma_start3A_264 : memref<1x!tpu.dma_semaphore, #tpu.memory_space<semaphore_mem>> -> memref<!tpu.dma_semaphore, #tpu.memory_space<semaphore_mem>>
      %dma_start3A_266 = tpu.memref_slice %arg4[%mul3A_245] : memref<6400000xf32, #tpu.memory_space<hbm>> -> memref<2560xf32, #tpu.memory_space<hbm>>
      %dma_start3A_267 = tpu.memref_slice %arg9[%mul3A_240] : memref<5120xf32, #tpu.memory_space<vmem>> -> memref<2560xf32, #tpu.memory_space<vmem>>
      tpu.enqueue_dma source(%dma_start3A_267 : memref<2560xf32, #tpu.memory_space<vmem>>) target(%dma_start3A_266 : memref<2560xf32, #tpu.memory_space<hbm>>) target_semaphore(%dma_start3A_265 : memref<!tpu.dma_semaphore, #tpu.memory_space<semaphore_mem>>)
      %jit3A_268 = arith.constant 2 : i32
      %eq3A_269 = arith.constant 0 : i32
      %eq3A_270 = arith.cmpi eq, %jit3A_268, %eq3A_269 : i32
      %jit3A_271 = arith.constant 1 : i32
      %select_n3A_272 = arith.select %eq3A_270, %jit3A_271, %jit3A_268 : i32
      %rem3A_273 = arith.remsi %while3A_104, %select_n3A_272 : i32
      %ne3A_274 = arith.constant 0 : i32
      %ne3A_275 = arith.cmpi ne, %rem3A_273, %ne3A_274 : i32
      %lt3A_276 = arith.constant 0 : i32
      %lt3A_277 = arith.cmpi slt, %rem3A_273, %lt3A_276 : i32
      %lt3A_278 = arith.constant 0 : i32
      %lt3A_279 = arith.cmpi slt, %select_n3A_272, %lt3A_278 : i32
      %ne3A_280 = arith.xori %lt3A_277, %lt3A_279 : i1
      %and3A_281 = arith.andi %ne3A_280, %ne3A_275 : i1
      %add3A_282 = arith.addi %rem3A_273, %select_n3A_272 : i32
      %select_n3A_283 = arith.select %and3A_281, %add3A_282, %rem3A_273 : i32
      %dma_start3A_284 = tpu.memref_slice %arg10[%mul3A_240] : memref<5120xf32, #tpu.memory_space<vmem>> -> memref<2560xf32, #tpu.memory_space<vmem>>
      %dma_start3A_285 = tpu.memref_slice %arg5[%mul3A_245] : memref<6400000xf32, #tpu.memory_space<hbm>> -> memref<2560xf32, #tpu.memory_space<hbm>>
      %dma_start3A_286 = tpu.memref_slice %arg14[%select_n3A_283] : memref<2x!tpu.dma_semaphore, #tpu.memory_space<semaphore_mem>> -> memref<1x!tpu.dma_semaphore, #tpu.memory_space<semaphore_mem>>
      %dma_start3A_287 = tpu.memref_squeeze %dma_start3A_286 : memref<1x!tpu.dma_semaphore, #tpu.memory_space<semaphore_mem>> -> memref<!tpu.dma_semaphore, #tpu.memory_space<semaphore_mem>>
      %dma_start3A_288 = tpu.memref_slice %arg5[%mul3A_245] : memref<6400000xf32, #tpu.memory_space<hbm>> -> memref<2560xf32, #tpu.memory_space<hbm>>
      %dma_start3A_289 = tpu.memref_slice %arg10[%mul3A_240] : memref<5120xf32, #tpu.memory_space<vmem>> -> memref<2560xf32, #tpu.memory_space<vmem>>
      tpu.enqueue_dma source(%dma_start3A_289 : memref<2560xf32, #tpu.memory_space<vmem>>) target(%dma_start3A_288 : memref<2560xf32, #tpu.memory_space<hbm>>) target_semaphore(%dma_start3A_287 : memref<!tpu.dma_semaphore, #tpu.memory_space<semaphore_mem>>)
      %jit3A_290 = arith.constant 2 : i32
      %eq3A_291 = arith.constant 0 : i32
      %eq3A_292 = arith.cmpi eq, %jit3A_290, %eq3A_291 : i32
      %jit3A_293 = arith.constant 1 : i32
      %select_n3A_294 = arith.select %eq3A_292, %jit3A_293, %jit3A_290 : i32
      %rem3A_295 = arith.remsi %while3A_104, %select_n3A_294 : i32
      %ne3A_296 = arith.constant 0 : i32
      %ne3A_297 = arith.cmpi ne, %rem3A_295, %ne3A_296 : i32
      %lt3A_298 = arith.constant 0 : i32
      %lt3A_299 = arith.cmpi slt, %rem3A_295, %lt3A_298 : i32
      %lt3A_300 = arith.constant 0 : i32
      %lt3A_301 = arith.cmpi slt, %select_n3A_294, %lt3A_300 : i32
      %ne3A_302 = arith.xori %lt3A_299, %lt3A_301 : i1
      %and3A_303 = arith.andi %ne3A_302, %ne3A_297 : i1
      %add3A_304 = arith.addi %rem3A_295, %select_n3A_294 : i32
      %select_n3A_305 = arith.select %and3A_303, %add3A_304, %rem3A_295 : i32
      %dma_start3A_306 = tpu.memref_slice %arg11[%mul3A_240] : memref<5120xf32, #tpu.memory_space<vmem>> -> memref<2560xf32, #tpu.memory_space<vmem>>
      %dma_start3A_307 = tpu.memref_slice %arg6[%mul3A_245] : memref<6400000xf32, #tpu.memory_space<hbm>> -> memref<2560xf32, #tpu.memory_space<hbm>>
      %dma_start3A_308 = tpu.memref_slice %arg14[%select_n3A_305] : memref<2x!tpu.dma_semaphore, #tpu.memory_space<semaphore_mem>> -> memref<1x!tpu.dma_semaphore, #tpu.memory_space<semaphore_mem>>
      %dma_start3A_309 = tpu.memref_squeeze %dma_start3A_308 : memref<1x!tpu.dma_semaphore, #tpu.memory_space<semaphore_mem>> -> memref<!tpu.dma_semaphore, #tpu.memory_space<semaphore_mem>>
      %dma_start3A_310 = tpu.memref_slice %arg6[%mul3A_245] : memref<6400000xf32, #tpu.memory_space<hbm>> -> memref<2560xf32, #tpu.memory_space<hbm>>
      %dma_start3A_311 = tpu.memref_slice %arg11[%mul3A_240] : memref<5120xf32, #tpu.memory_space<vmem>> -> memref<2560xf32, #tpu.memory_space<vmem>>
      tpu.enqueue_dma source(%dma_start3A_311 : memref<2560xf32, #tpu.memory_space<vmem>>) target(%dma_start3A_310 : memref<2560xf32, #tpu.memory_space<hbm>>) target_semaphore(%dma_start3A_309 : memref<!tpu.dma_semaphore, #tpu.memory_space<semaphore_mem>>)
    }
    %while3A_92 = arith.constant 1 : i32
    scf.for %while3A_104 = %while3A_90 to %while3A_86 step %while3A_92  : i32 {
      %jit3A_105 = arith.constant 2 : i32
      %eq3A = arith.constant 0 : i32
      %eq3A_106 = arith.cmpi eq, %jit3A_105, %eq3A : i32
      %jit3A_107 = arith.constant 1 : i32
      %select_n3A_108 = arith.select %eq3A_106, %jit3A_107, %jit3A_105 : i32
      %rem3A_109 = arith.remsi %while3A_104, %select_n3A_108 : i32
      %ne3A_110 = arith.constant 0 : i32
      %ne3A_111 = arith.cmpi ne, %rem3A_109, %ne3A_110 : i32
      %lt3A = arith.constant 0 : i32
      %lt3A_112 = arith.cmpi slt, %rem3A_109, %lt3A : i32
      %lt3A_113 = arith.constant 0 : i32
      %lt3A_114 = arith.cmpi slt, %select_n3A_108, %lt3A_113 : i32
      %ne3A_115 = arith.xori %lt3A_112, %lt3A_114 : i1
      %and3A_116 = arith.andi %ne3A_115, %ne3A_111 : i1
      %add3A_117 = arith.addi %rem3A_109, %select_n3A_108 : i32
      %select_n3A_118 = arith.select %and3A_116, %add3A_117, %rem3A_109 : i32
      %mul3A_119 = arith.constant 2560 : i32
      %mul3A_120 = arith.muli %select_n3A_118, %mul3A_119 : i32
      %mul3A_121 = arith.constant 2 : i32
      %mul3A_122 = arith.muli %mul3A_120, %mul3A_121 : i32
      %add3A_123 = arith.constant 1 : i32
      %add3A_124 = arith.addi %while3A_104, %add3A_123 : i32
      %lt3A_125 = arith.cmpi slt, %add3A_124, %select_n3A : i32
      %convert_element_type3A = arith.extui %lt3A_125 : i1 to i32
      %cond3A = arith.constant 0 : i32
      %cond3A_126 = arith.cmpi ne, %convert_element_type3A, %cond3A : i32
      scf.if %cond3A_126 {
        %add3A_312 = arith.constant 1 : i32
        %add3A_313 = arith.addi %while3A_104, %add3A_312 : i32
        %mul3A_314 = arith.constant 32 : i32
        %mul3A_315 = arith.muli %add3A_313, %mul3A_314 : i32
        %add3A_316 = arith.addi %add3A, %mul3A_315 : i32
        %mul3A_317 = arith.constant 2560 : i32
        %mul3A_318 = arith.muli %add3A_316, %mul3A_317 : i32
        %mul3A_319 = arith.constant 2 : i32
        %mul3A_320 = arith.muli %mul3A_318, %mul3A_319 : i32
        %jit3A_321 = arith.constant 2 : i32
        %eq3A_322 = arith.constant 0 : i32
        %eq3A_323 = arith.cmpi eq, %jit3A_321, %eq3A_322 : i32
        %jit3A_324 = arith.constant 1 : i32
        %select_n3A_325 = arith.select %eq3A_323, %jit3A_324, %jit3A_321 : i32
        %rem3A_326 = arith.remsi %add3A_313, %select_n3A_325 : i32
        %ne3A_327 = arith.constant 0 : i32
        %ne3A_328 = arith.cmpi ne, %rem3A_326, %ne3A_327 : i32
        %lt3A_329 = arith.constant 0 : i32
        %lt3A_330 = arith.cmpi slt, %rem3A_326, %lt3A_329 : i32
        %lt3A_331 = arith.constant 0 : i32
        %lt3A_332 = arith.cmpi slt, %select_n3A_325, %lt3A_331 : i32
        %ne3A_333 = arith.xori %lt3A_330, %lt3A_332 : i1
        %and3A_334 = arith.andi %ne3A_333, %ne3A_328 : i1
        %add3A_335 = arith.addi %rem3A_326, %select_n3A_325 : i32
        %select_n3A_336 = arith.select %and3A_334, %add3A_335, %rem3A_326 : i32
        %mul3A_337 = arith.constant 2560 : i32
        %mul3A_338 = arith.muli %select_n3A_336, %mul3A_337 : i32
        %mul3A_339 = arith.constant 2 : i32
        %mul3A_340 = arith.muli %mul3A_338, %mul3A_339 : i32
        %jit3A_341 = arith.constant 2 : i32
        %eq3A_342 = arith.constant 0 : i32
        %eq3A_343 = arith.cmpi eq, %jit3A_341, %eq3A_342 : i32
        %jit3A_344 = arith.constant 1 : i32
        %select_n3A_345 = arith.select %eq3A_343, %jit3A_344, %jit3A_341 : i32
        %rem3A_346 = arith.remsi %add3A_313, %select_n3A_345 : i32
        %ne3A_347 = arith.constant 0 : i32
        %ne3A_348 = arith.cmpi ne, %rem3A_346, %ne3A_347 : i32
        %lt3A_349 = arith.constant 0 : i32
        %lt3A_350 = arith.cmpi slt, %rem3A_346, %lt3A_349 : i32
        %lt3A_351 = arith.constant 0 : i32
        %lt3A_352 = arith.cmpi slt, %select_n3A_345, %lt3A_351 : i32
        %ne3A_353 = arith.xori %lt3A_350, %lt3A_352 : i1
        %and3A_354 = arith.andi %ne3A_353, %ne3A_348 : i1
        %add3A_355 = arith.addi %rem3A_346, %select_n3A_345 : i32
        %select_n3A_356 = arith.select %and3A_354, %add3A_355, %rem3A_346 : i32
        %dma_wait3A_357 = tpu.memref_slice %arg7[%mul3A_340] : memref<10240xi32, #tpu.memory_space<vmem>> -> memref<5120xi32, #tpu.memory_space<vmem>>
        %dma_wait3A_358 = tpu.memref_slice %arg3[%mul3A_320] : memref<12800000xi32, #tpu.memory_space<hbm>> -> memref<5120xi32, #tpu.memory_space<hbm>>
        %dma_wait3A_359 = tpu.memref_slice %arg12[%select_n3A_356] : memref<2x!tpu.dma_semaphore, #tpu.memory_space<semaphore_mem>> -> memref<1x!tpu.dma_semaphore, #tpu.memory_space<semaphore_mem>>
        %dma_wait3A_360 = tpu.memref_squeeze %dma_wait3A_359 : memref<1x!tpu.dma_semaphore, #tpu.memory_space<semaphore_mem>> -> memref<!tpu.dma_semaphore, #tpu.memory_space<semaphore_mem>>
        %dma_wait3A_361 = tpu.memref_slice %arg7[%mul3A_340] : memref<10240xi32, #tpu.memory_space<vmem>> -> memref<5120xi32, #tpu.memory_space<vmem>>
        %dma_wait3A_362 = tpu.memref_slice %arg3[%mul3A_320] : memref<12800000xi32, #tpu.memory_space<hbm>> -> memref<5120xi32, #tpu.memory_space<hbm>>
        tpu.wait_dma2 semaphore(%dma_wait3A_360 : memref<!tpu.dma_semaphore, #tpu.memory_space<semaphore_mem>>) src(%dma_wait3A_362 : memref<5120xi32, #tpu.memory_space<hbm>>) dst(%dma_wait3A_361 : memref<5120xi32, #tpu.memory_space<vmem>>)
        %add3A_363 = arith.constant 1 : i32
        %add3A_364 = arith.addi %while3A_104, %add3A_363 : i32
        %jit3A_365 = arith.constant 2 : i32
        %eq3A_366 = arith.constant 0 : i32
        %eq3A_367 = arith.cmpi eq, %jit3A_365, %eq3A_366 : i32
        %jit3A_368 = arith.constant 1 : i32
        %select_n3A_369 = arith.select %eq3A_367, %jit3A_368, %jit3A_365 : i32
        %rem3A_370 = arith.remsi %add3A_364, %select_n3A_369 : i32
        %ne3A_371 = arith.constant 0 : i32
        %ne3A_372 = arith.cmpi ne, %rem3A_370, %ne3A_371 : i32
        %lt3A_373 = arith.constant 0 : i32
        %lt3A_374 = arith.cmpi slt, %rem3A_370, %lt3A_373 : i32
        %lt3A_375 = arith.constant 0 : i32
        %lt3A_376 = arith.cmpi slt, %select_n3A_369, %lt3A_375 : i32
        %ne3A_377 = arith.xori %lt3A_374, %lt3A_376 : i1
        %and3A_378 = arith.andi %ne3A_377, %ne3A_372 : i1
        %add3A_379 = arith.addi %rem3A_370, %select_n3A_369 : i32
        %select_n3A_380 = arith.select %and3A_378, %add3A_379, %rem3A_370 : i32
        %mul3A_381 = arith.constant 2560 : i32
        %mul3A_382 = arith.muli %select_n3A_380, %mul3A_381 : i32
        %mul3A_383 = arith.constant 2 : i32
        %mul3A_384 = arith.muli %mul3A_382, %mul3A_383 : i32
        %jit3A_385 = arith.constant 2 : i32
        %eq3A_386 = arith.constant 0 : i32
        %eq3A_387 = arith.cmpi eq, %jit3A_385, %eq3A_386 : i32
        %jit3A_388 = arith.constant 1 : i32
        %select_n3A_389 = arith.select %eq3A_387, %jit3A_388, %jit3A_385 : i32
        %rem3A_390 = arith.remsi %add3A_364, %select_n3A_389 : i32
        %ne3A_391 = arith.constant 0 : i32
        %ne3A_392 = arith.cmpi ne, %rem3A_390, %ne3A_391 : i32
        %lt3A_393 = arith.constant 0 : i32
        %lt3A_394 = arith.cmpi slt, %rem3A_390, %lt3A_393 : i32
        %lt3A_395 = arith.constant 0 : i32
        %lt3A_396 = arith.cmpi slt, %select_n3A_389, %lt3A_395 : i32
        %ne3A_397 = arith.xori %lt3A_394, %lt3A_396 : i1
        %and3A_398 = arith.andi %ne3A_397, %ne3A_392 : i1
        %add3A_399 = arith.addi %rem3A_390, %select_n3A_389 : i32
        %select_n3A_400 = arith.select %and3A_398, %add3A_399, %rem3A_390 : i32
        %mul3A_401 = arith.constant 2560 : i32
        %mul3A_402 = arith.muli %select_n3A_400, %mul3A_401 : i32
        %mul3A_403 = arith.constant 2 : i32
        %mul3A_404 = arith.muli %mul3A_402, %mul3A_403 : i32
        %jit3A_405 = arith.constant 2 : i32
        %eq3A_406 = arith.constant 0 : i32
        %eq3A_407 = arith.cmpi eq, %jit3A_405, %eq3A_406 : i32
        %jit3A_408 = arith.constant 1 : i32
        %select_n3A_409 = arith.select %eq3A_407, %jit3A_408, %jit3A_405 : i32
        %rem3A_410 = arith.remsi %add3A_364, %select_n3A_409 : i32
        %ne3A_411 = arith.constant 0 : i32
        %ne3A_412 = arith.cmpi ne, %rem3A_410, %ne3A_411 : i32
        %lt3A_413 = arith.constant 0 : i32
        %lt3A_414 = arith.cmpi slt, %rem3A_410, %lt3A_413 : i32
        %lt3A_415 = arith.constant 0 : i32
        %lt3A_416 = arith.cmpi slt, %select_n3A_409, %lt3A_415 : i32
        %ne3A_417 = arith.xori %lt3A_414, %lt3A_416 : i1
        %and3A_418 = arith.andi %ne3A_417, %ne3A_412 : i1
        %add3A_419 = arith.addi %rem3A_410, %select_n3A_409 : i32
        %select_n3A_420 = arith.select %and3A_418, %add3A_419, %rem3A_410 : i32
        %dma_start3A_421 = arith.constant 0 : i32
        %dma_start3A_422 = tpu.memref_slice %arg8[%mul3A_404, %dma_start3A_421] : memref<10240x8xf32, #tpu.memory_space<vmem>> -> memref<5120x8xf32, #tpu.memory_space<vmem>>
        %dma_start3A_423 = tpu.memref_slice %arg7[%mul3A_384] : memref<10240xi32, #tpu.memory_space<vmem>> -> memref<5120xi32, #tpu.memory_space<vmem>>
        %dma_start3A_424 = arith.constant 0 : i32
        %dma_start3A_425 = arith.constant 0 : i32
        %dma_start3A_426 = tpu.memref_slice %arg2[%dma_start3A_424, %dma_start3A_425] : memref<100000x8xf32, #tpu.memory_space<hbm>> -> memref<100000x8xf32, #tpu.memory_space<hbm>>
        %dma_start3A_427 = tpu.memref_slice %arg13[%select_n3A_420] : memref<2x!tpu.dma_semaphore, #tpu.memory_space<semaphore_mem>> -> memref<1x!tpu.dma_semaphore, #tpu.memory_space<semaphore_mem>>
        %dma_start3A_428 = tpu.memref_squeeze %dma_start3A_427 : memref<1x!tpu.dma_semaphore, #tpu.memory_space<semaphore_mem>> -> memref<!tpu.dma_semaphore, #tpu.memory_space<semaphore_mem>>
        tpu.enqueue_indirect_dma source(%dma_start3A_426 : memref<100000x8xf32, #tpu.memory_space<hbm>>) target(%dma_start3A_422 : memref<5120x8xf32, #tpu.memory_space<vmem>>) offsets(%dma_start3A_423 : memref<5120xi32, #tpu.memory_space<vmem>>) semaphore(%dma_start3A_428 : memref<!tpu.dma_semaphore, #tpu.memory_space<semaphore_mem>>)
      } else {
      }
      %jit3A_127 = arith.constant 2 : i32
      %eq3A_128 = arith.constant 0 : i32
      %eq3A_129 = arith.cmpi eq, %jit3A_127, %eq3A_128 : i32
      %jit3A_130 = arith.constant 1 : i32
      %select_n3A_131 = arith.select %eq3A_129, %jit3A_130, %jit3A_127 : i32
      %rem3A_132 = arith.remsi %while3A_104, %select_n3A_131 : i32
      %ne3A_133 = arith.constant 0 : i32
      %ne3A_134 = arith.cmpi ne, %rem3A_132, %ne3A_133 : i32
      %lt3A_135 = arith.constant 0 : i32
      %lt3A_136 = arith.cmpi slt, %rem3A_132, %lt3A_135 : i32
      %lt3A_137 = arith.constant 0 : i32
      %lt3A_138 = arith.cmpi slt, %select_n3A_131, %lt3A_137 : i32
      %ne3A_139 = arith.xori %lt3A_136, %lt3A_138 : i1
      %and3A_140 = arith.andi %ne3A_139, %ne3A_134 : i1
      %add3A_141 = arith.addi %rem3A_132, %select_n3A_131 : i32
      %select_n3A_142 = arith.select %and3A_140, %add3A_141, %rem3A_132 : i32
      %mul3A_143 = arith.constant 2560 : i32
      %mul3A_144 = arith.muli %select_n3A_142, %mul3A_143 : i32
      %mul3A_145 = arith.constant 2 : i32
      %mul3A_146 = arith.muli %mul3A_144, %mul3A_145 : i32
      %jit3A_147 = arith.constant 2 : i32
      %eq3A_148 = arith.constant 0 : i32
      %eq3A_149 = arith.cmpi eq, %jit3A_147, %eq3A_148 : i32
      %jit3A_150 = arith.constant 1 : i32
      %select_n3A_151 = arith.select %eq3A_149, %jit3A_150, %jit3A_147 : i32
      %rem3A_152 = arith.remsi %while3A_104, %select_n3A_151 : i32
      %ne3A_153 = arith.constant 0 : i32
      %ne3A_154 = arith.cmpi ne, %rem3A_152, %ne3A_153 : i32
      %lt3A_155 = arith.constant 0 : i32
      %lt3A_156 = arith.cmpi slt, %rem3A_152, %lt3A_155 : i32
      %lt3A_157 = arith.constant 0 : i32
      %lt3A_158 = arith.cmpi slt, %select_n3A_151, %lt3A_157 : i32
      %ne3A_159 = arith.xori %lt3A_156, %lt3A_158 : i1
      %and3A_160 = arith.andi %ne3A_159, %ne3A_154 : i1
      %add3A_161 = arith.addi %rem3A_152, %select_n3A_151 : i32
      %select_n3A_162 = arith.select %and3A_160, %add3A_161, %rem3A_152 : i32
      %mul3A_163 = arith.constant 2560 : i32
      %mul3A_164 = arith.muli %select_n3A_162, %mul3A_163 : i32
      %mul3A_165 = arith.constant 2 : i32
      %mul3A_166 = arith.muli %mul3A_164, %mul3A_165 : i32
      %jit3A_167 = arith.constant 2 : i32
      %eq3A_168 = arith.constant 0 : i32
      %eq3A_169 = arith.cmpi eq, %jit3A_167, %eq3A_168 : i32
      %jit3A_170 = arith.constant 1 : i32
      %select_n3A_171 = arith.select %eq3A_169, %jit3A_170, %jit3A_167 : i32
      %rem3A_172 = arith.remsi %while3A_104, %select_n3A_171 : i32
      %ne3A_173 = arith.constant 0 : i32
      %ne3A_174 = arith.cmpi ne, %rem3A_172, %ne3A_173 : i32
      %lt3A_175 = arith.constant 0 : i32
      %lt3A_176 = arith.cmpi slt, %rem3A_172, %lt3A_175 : i32
      %lt3A_177 = arith.constant 0 : i32
      %lt3A_178 = arith.cmpi slt, %select_n3A_171, %lt3A_177 : i32
      %ne3A_179 = arith.xori %lt3A_176, %lt3A_178 : i1
      %and3A_180 = arith.andi %ne3A_179, %ne3A_174 : i1
      %add3A_181 = arith.addi %rem3A_172, %select_n3A_171 : i32
      %select_n3A_182 = arith.select %and3A_180, %add3A_181, %rem3A_172 : i32
      %dma_wait3A_183 = arith.constant 0 : i32
      %dma_wait3A_184 = tpu.memref_slice %arg8[%mul3A_166, %dma_wait3A_183] : memref<10240x8xf32, #tpu.memory_space<vmem>> -> memref<5120x8xf32, #tpu.memory_space<vmem>>
      %dma_wait3A_185 = tpu.memref_slice %arg7[%mul3A_146] : memref<10240xi32, #tpu.memory_space<vmem>> -> memref<5120xi32, #tpu.memory_space<vmem>>
      %dma_wait3A_186 = arith.constant 0 : i32
      %dma_wait3A_187 = arith.constant 0 : i32
      %dma_wait3A_188 = tpu.memref_slice %arg2[%dma_wait3A_186, %dma_wait3A_187] : memref<100000x8xf32, #tpu.memory_space<hbm>> -> memref<100000x8xf32, #tpu.memory_space<hbm>>
      %dma_wait3A_189 = tpu.memref_slice %arg13[%select_n3A_182] : memref<2x!tpu.dma_semaphore, #tpu.memory_space<semaphore_mem>> -> memref<1x!tpu.dma_semaphore, #tpu.memory_space<semaphore_mem>>
      %dma_wait3A_190 = tpu.memref_squeeze %dma_wait3A_189 : memref<1x!tpu.dma_semaphore, #tpu.memory_space<semaphore_mem>> -> memref<!tpu.dma_semaphore, #tpu.memory_space<semaphore_mem>>
      tpu.wait_indirect_dma semaphore(%dma_wait3A_190 : memref<!tpu.dma_semaphore, #tpu.memory_space<semaphore_mem>>) src(%dma_wait3A_188 : memref<100000x8xf32, #tpu.memory_space<hbm>>) dst(%dma_wait3A_184 : memref<5120x8xf32, #tpu.memory_space<vmem>>)
      %add3A_191 = arith.constant 2 : i32
      %add3A_192 = arith.addi %while3A_104, %add3A_191 : i32
      %lt3A_193 = arith.cmpi slt, %add3A_192, %select_n3A : i32
      %convert_element_type3A_194 = arith.extui %lt3A_193 : i1 to i32
      %cond3A_195 = arith.constant 0 : i32
      %cond3A_196 = arith.cmpi ne, %convert_element_type3A_194, %cond3A_195 : i32
      scf.if %cond3A_196 {
        %add3A_312 = arith.constant 2 : i32
        %add3A_313 = arith.addi %while3A_104, %add3A_312 : i32
        %mul3A_314 = arith.constant 32 : i32
        %mul3A_315 = arith.muli %add3A_313, %mul3A_314 : i32
        %add3A_316 = arith.addi %add3A, %mul3A_315 : i32
        %mul3A_317 = arith.constant 2560 : i32
        %mul3A_318 = arith.muli %add3A_316, %mul3A_317 : i32
        %mul3A_319 = arith.constant 2 : i32
        %mul3A_320 = arith.muli %mul3A_318, %mul3A_319 : i32
        %jit3A_321 = arith.constant 2 : i32
        %eq3A_322 = arith.constant 0 : i32
        %eq3A_323 = arith.cmpi eq, %jit3A_321, %eq3A_322 : i32
        %jit3A_324 = arith.constant 1 : i32
        %select_n3A_325 = arith.select %eq3A_323, %jit3A_324, %jit3A_321 : i32
        %rem3A_326 = arith.remsi %add3A_313, %select_n3A_325 : i32
        %ne3A_327 = arith.constant 0 : i32
        %ne3A_328 = arith.cmpi ne, %rem3A_326, %ne3A_327 : i32
        %lt3A_329 = arith.constant 0 : i32
        %lt3A_330 = arith.cmpi slt, %rem3A_326, %lt3A_329 : i32
        %lt3A_331 = arith.constant 0 : i32
        %lt3A_332 = arith.cmpi slt, %select_n3A_325, %lt3A_331 : i32
        %ne3A_333 = arith.xori %lt3A_330, %lt3A_332 : i1
        %and3A_334 = arith.andi %ne3A_333, %ne3A_328 : i1
        %add3A_335 = arith.addi %rem3A_326, %select_n3A_325 : i32
        %select_n3A_336 = arith.select %and3A_334, %add3A_335, %rem3A_326 : i32
        %mul3A_337 = arith.constant 2560 : i32
        %mul3A_338 = arith.muli %select_n3A_336, %mul3A_337 : i32
        %mul3A_339 = arith.constant 2 : i32
        %mul3A_340 = arith.muli %mul3A_338, %mul3A_339 : i32
        %jit3A_341 = arith.constant 2 : i32
        %eq3A_342 = arith.constant 0 : i32
        %eq3A_343 = arith.cmpi eq, %jit3A_341, %eq3A_342 : i32
        %jit3A_344 = arith.constant 1 : i32
        %select_n3A_345 = arith.select %eq3A_343, %jit3A_344, %jit3A_341 : i32
        %rem3A_346 = arith.remsi %add3A_313, %select_n3A_345 : i32
        %ne3A_347 = arith.constant 0 : i32
        %ne3A_348 = arith.cmpi ne, %rem3A_346, %ne3A_347 : i32
        %lt3A_349 = arith.constant 0 : i32
        %lt3A_350 = arith.cmpi slt, %rem3A_346, %lt3A_349 : i32
        %lt3A_351 = arith.constant 0 : i32
        %lt3A_352 = arith.cmpi slt, %select_n3A_345, %lt3A_351 : i32
        %ne3A_353 = arith.xori %lt3A_350, %lt3A_352 : i1
        %and3A_354 = arith.andi %ne3A_353, %ne3A_348 : i1
        %add3A_355 = arith.addi %rem3A_346, %select_n3A_345 : i32
        %select_n3A_356 = arith.select %and3A_354, %add3A_355, %rem3A_346 : i32
        %dma_start3A_357 = tpu.memref_slice %arg7[%mul3A_340] : memref<10240xi32, #tpu.memory_space<vmem>> -> memref<5120xi32, #tpu.memory_space<vmem>>
        %dma_start3A_358 = tpu.memref_slice %arg3[%mul3A_320] : memref<12800000xi32, #tpu.memory_space<hbm>> -> memref<5120xi32, #tpu.memory_space<hbm>>
        %dma_start3A_359 = tpu.memref_slice %arg12[%select_n3A_356] : memref<2x!tpu.dma_semaphore, #tpu.memory_space<semaphore_mem>> -> memref<1x!tpu.dma_semaphore, #tpu.memory_space<semaphore_mem>>
        %dma_start3A_360 = tpu.memref_squeeze %dma_start3A_359 : memref<1x!tpu.dma_semaphore, #tpu.memory_space<semaphore_mem>> -> memref<!tpu.dma_semaphore, #tpu.memory_space<semaphore_mem>>
        %dma_start3A_361 = tpu.memref_slice %arg7[%mul3A_340] : memref<10240xi32, #tpu.memory_space<vmem>> -> memref<5120xi32, #tpu.memory_space<vmem>>
        %dma_start3A_362 = tpu.memref_slice %arg3[%mul3A_320] : memref<12800000xi32, #tpu.memory_space<hbm>> -> memref<5120xi32, #tpu.memory_space<hbm>>
        tpu.enqueue_dma source(%dma_start3A_362 : memref<5120xi32, #tpu.memory_space<hbm>>) target(%dma_start3A_361 : memref<5120xi32, #tpu.memory_space<vmem>>) target_semaphore(%dma_start3A_360 : memref<!tpu.dma_semaphore, #tpu.memory_space<semaphore_mem>>)
      } else {
      }
      %ge3A = arith.constant 2 : i32
      %ge3A_197 = arith.cmpi sge, %while3A_104, %ge3A : i32
      %convert_element_type3A_198 = arith.extui %ge3A_197 : i1 to i32
      %cond3A_199 = arith.constant 0 : i32
      %cond3A_200 = arith.cmpi ne, %convert_element_type3A_198, %cond3A_199 : i32
      scf.if %cond3A_200 {
        %sub3A_312 = arith.constant 2 : i32
        %sub3A_313 = arith.subi %while3A_104, %sub3A_312 : i32
        %jit3A_314 = arith.constant 2 : i32
        %eq3A_315 = arith.constant 0 : i32
        %eq3A_316 = arith.cmpi eq, %jit3A_314, %eq3A_315 : i32
        %jit3A_317 = arith.constant 1 : i32
        %select_n3A_318 = arith.select %eq3A_316, %jit3A_317, %jit3A_314 : i32
        %rem3A_319 = arith.remsi %sub3A_313, %select_n3A_318 : i32
        %ne3A_320 = arith.constant 0 : i32
        %ne3A_321 = arith.cmpi ne, %rem3A_319, %ne3A_320 : i32
        %lt3A_322 = arith.constant 0 : i32
        %lt3A_323 = arith.cmpi slt, %rem3A_319, %lt3A_322 : i32
        %lt3A_324 = arith.constant 0 : i32
        %lt3A_325 = arith.cmpi slt, %select_n3A_318, %lt3A_324 : i32
        %ne3A_326 = arith.xori %lt3A_323, %lt3A_325 : i1
        %and3A_327 = arith.andi %ne3A_326, %ne3A_321 : i1
        %add3A_328 = arith.addi %rem3A_319, %select_n3A_318 : i32
        %select_n3A_329 = arith.select %and3A_327, %add3A_328, %rem3A_319 : i32
        %mul3A_330 = arith.constant 2560 : i32
        %mul3A_331 = arith.muli %select_n3A_329, %mul3A_330 : i32
        %mul3A_332 = arith.constant 32 : i32
        %mul3A_333 = arith.muli %sub3A_313, %mul3A_332 : i32
        %add3A_334 = arith.addi %add3A, %mul3A_333 : i32
        %mul3A_335 = arith.constant 2560 : i32
        %mul3A_336 = arith.muli %add3A_334, %mul3A_335 : i32
        %jit3A_337 = arith.constant 2 : i32
        %eq3A_338 = arith.constant 0 : i32
        %eq3A_339 = arith.cmpi eq, %jit3A_337, %eq3A_338 : i32
        %jit3A_340 = arith.constant 1 : i32
        %select_n3A_341 = arith.select %eq3A_339, %jit3A_340, %jit3A_337 : i32
        %rem3A_342 = arith.remsi %while3A_104, %select_n3A_341 : i32
        %ne3A_343 = arith.constant 0 : i32
        %ne3A_344 = arith.cmpi ne, %rem3A_342, %ne3A_343 : i32
        %lt3A_345 = arith.constant 0 : i32
        %lt3A_346 = arith.cmpi slt, %rem3A_342, %lt3A_345 : i32
        %lt3A_347 = arith.constant 0 : i32
        %lt3A_348 = arith.cmpi slt, %select_n3A_341, %lt3A_347 : i32
        %ne3A_349 = arith.xori %lt3A_346, %lt3A_348 : i1
        %and3A_350 = arith.andi %ne3A_349, %ne3A_344 : i1
        %add3A_351 = arith.addi %rem3A_342, %select_n3A_341 : i32
        %select_n3A_352 = arith.select %and3A_350, %add3A_351, %rem3A_342 : i32
        %dma_wait3A_353 = tpu.memref_slice %arg9[%mul3A_331] : memref<5120xf32, #tpu.memory_space<vmem>> -> memref<2560xf32, #tpu.memory_space<vmem>>
        %dma_wait3A_354 = tpu.memref_slice %arg4[%mul3A_336] : memref<6400000xf32, #tpu.memory_space<hbm>> -> memref<2560xf32, #tpu.memory_space<hbm>>
        %dma_wait3A_355 = tpu.memref_slice %arg14[%select_n3A_352] : memref<2x!tpu.dma_semaphore, #tpu.memory_space<semaphore_mem>> -> memref<1x!tpu.dma_semaphore, #tpu.memory_space<semaphore_mem>>
        %dma_wait3A_356 = tpu.memref_squeeze %dma_wait3A_355 : memref<1x!tpu.dma_semaphore, #tpu.memory_space<semaphore_mem>> -> memref<!tpu.dma_semaphore, #tpu.memory_space<semaphore_mem>>
        %dma_wait3A_357 = tpu.memref_slice %arg4[%mul3A_336] : memref<6400000xf32, #tpu.memory_space<hbm>> -> memref<2560xf32, #tpu.memory_space<hbm>>
        %dma_wait3A_358 = tpu.memref_slice %arg9[%mul3A_331] : memref<5120xf32, #tpu.memory_space<vmem>> -> memref<2560xf32, #tpu.memory_space<vmem>>
        tpu.wait_dma2 semaphore(%dma_wait3A_356 : memref<!tpu.dma_semaphore, #tpu.memory_space<semaphore_mem>>) src(%dma_wait3A_358 : memref<2560xf32, #tpu.memory_space<vmem>>) dst(%dma_wait3A_357 : memref<2560xf32, #tpu.memory_space<hbm>>)
        %jit3A_359 = arith.constant 2 : i32
        %eq3A_360 = arith.constant 0 : i32
        %eq3A_361 = arith.cmpi eq, %jit3A_359, %eq3A_360 : i32
        %jit3A_362 = arith.constant 1 : i32
        %select_n3A_363 = arith.select %eq3A_361, %jit3A_362, %jit3A_359 : i32
        %rem3A_364 = arith.remsi %while3A_104, %select_n3A_363 : i32
        %ne3A_365 = arith.constant 0 : i32
        %ne3A_366 = arith.cmpi ne, %rem3A_364, %ne3A_365 : i32
        %lt3A_367 = arith.constant 0 : i32
        %lt3A_368 = arith.cmpi slt, %rem3A_364, %lt3A_367 : i32
        %lt3A_369 = arith.constant 0 : i32
        %lt3A_370 = arith.cmpi slt, %select_n3A_363, %lt3A_369 : i32
        %ne3A_371 = arith.xori %lt3A_368, %lt3A_370 : i1
        %and3A_372 = arith.andi %ne3A_371, %ne3A_366 : i1
        %add3A_373 = arith.addi %rem3A_364, %select_n3A_363 : i32
        %select_n3A_374 = arith.select %and3A_372, %add3A_373, %rem3A_364 : i32
        %dma_wait3A_375 = tpu.memref_slice %arg10[%mul3A_331] : memref<5120xf32, #tpu.memory_space<vmem>> -> memref<2560xf32, #tpu.memory_space<vmem>>
        %dma_wait3A_376 = tpu.memref_slice %arg5[%mul3A_336] : memref<6400000xf32, #tpu.memory_space<hbm>> -> memref<2560xf32, #tpu.memory_space<hbm>>
        %dma_wait3A_377 = tpu.memref_slice %arg14[%select_n3A_374] : memref<2x!tpu.dma_semaphore, #tpu.memory_space<semaphore_mem>> -> memref<1x!tpu.dma_semaphore, #tpu.memory_space<semaphore_mem>>
        %dma_wait3A_378 = tpu.memref_squeeze %dma_wait3A_377 : memref<1x!tpu.dma_semaphore, #tpu.memory_space<semaphore_mem>> -> memref<!tpu.dma_semaphore, #tpu.memory_space<semaphore_mem>>
        %dma_wait3A_379 = tpu.memref_slice %arg5[%mul3A_336] : memref<6400000xf32, #tpu.memory_space<hbm>> -> memref<2560xf32, #tpu.memory_space<hbm>>
        %dma_wait3A_380 = tpu.memref_slice %arg10[%mul3A_331] : memref<5120xf32, #tpu.memory_space<vmem>> -> memref<2560xf32, #tpu.memory_space<vmem>>
        tpu.wait_dma2 semaphore(%dma_wait3A_378 : memref<!tpu.dma_semaphore, #tpu.memory_space<semaphore_mem>>) src(%dma_wait3A_380 : memref<2560xf32, #tpu.memory_space<vmem>>) dst(%dma_wait3A_379 : memref<2560xf32, #tpu.memory_space<hbm>>)
        %jit3A_381 = arith.constant 2 : i32
        %eq3A_382 = arith.constant 0 : i32
        %eq3A_383 = arith.cmpi eq, %jit3A_381, %eq3A_382 : i32
        %jit3A_384 = arith.constant 1 : i32
        %select_n3A_385 = arith.select %eq3A_383, %jit3A_384, %jit3A_381 : i32
        %rem3A_386 = arith.remsi %while3A_104, %select_n3A_385 : i32
        %ne3A_387 = arith.constant 0 : i32
        %ne3A_388 = arith.cmpi ne, %rem3A_386, %ne3A_387 : i32
        %lt3A_389 = arith.constant 0 : i32
        %lt3A_390 = arith.cmpi slt, %rem3A_386, %lt3A_389 : i32
        %lt3A_391 = arith.constant 0 : i32
        %lt3A_392 = arith.cmpi slt, %select_n3A_385, %lt3A_391 : i32
        %ne3A_393 = arith.xori %lt3A_390, %lt3A_392 : i1
        %and3A_394 = arith.andi %ne3A_393, %ne3A_388 : i1
        %add3A_395 = arith.addi %rem3A_386, %select_n3A_385 : i32
        %select_n3A_396 = arith.select %and3A_394, %add3A_395, %rem3A_386 : i32
        %dma_wait3A_397 = tpu.memref_slice %arg11[%mul3A_331] : memref<5120xf32, #tpu.memory_space<vmem>> -> memref<2560xf32, #tpu.memory_space<vmem>>
        %dma_wait3A_398 = tpu.memref_slice %arg6[%mul3A_336] : memref<6400000xf32, #tpu.memory_space<hbm>> -> memref<2560xf32, #tpu.memory_space<hbm>>
        %dma_wait3A_399 = tpu.memref_slice %arg14[%select_n3A_396] : memref<2x!tpu.dma_semaphore, #tpu.memory_space<semaphore_mem>> -> memref<1x!tpu.dma_semaphore, #tpu.memory_space<semaphore_mem>>
        %dma_wait3A_400 = tpu.memref_squeeze %dma_wait3A_399 : memref<1x!tpu.dma_semaphore, #tpu.memory_space<semaphore_mem>> -> memref<!tpu.dma_semaphore, #tpu.memory_space<semaphore_mem>>
        %dma_wait3A_401 = tpu.memref_slice %arg6[%mul3A_336] : memref<6400000xf32, #tpu.memory_space<hbm>> -> memref<2560xf32, #tpu.memory_space<hbm>>
        %dma_wait3A_402 = tpu.memref_slice %arg11[%mul3A_331] : memref<5120xf32, #tpu.memory_space<vmem>> -> memref<2560xf32, #tpu.memory_space<vmem>>
        tpu.wait_dma2 semaphore(%dma_wait3A_400 : memref<!tpu.dma_semaphore, #tpu.memory_space<semaphore_mem>>) src(%dma_wait3A_402 : memref<2560xf32, #tpu.memory_space<vmem>>) dst(%dma_wait3A_401 : memref<2560xf32, #tpu.memory_space<hbm>>)
      } else {
      }
      %jit3A_201 = arith.constant 2 : i32
      %eq3A_202 = arith.constant 0 : i32
      %eq3A_203 = arith.cmpi eq, %jit3A_201, %eq3A_202 : i32
      %jit3A_204 = arith.constant 1 : i32
      %select_n3A_205 = arith.select %eq3A_203, %jit3A_204, %jit3A_201 : i32
      %rem3A_206 = arith.remsi %while3A_104, %select_n3A_205 : i32
      %ne3A_207 = arith.constant 0 : i32
      %ne3A_208 = arith.cmpi ne, %rem3A_206, %ne3A_207 : i32
      %lt3A_209 = arith.constant 0 : i32
      %lt3A_210 = arith.cmpi slt, %rem3A_206, %lt3A_209 : i32
      %lt3A_211 = arith.constant 0 : i32
      %lt3A_212 = arith.cmpi slt, %select_n3A_205, %lt3A_211 : i32
      %ne3A_213 = arith.xori %lt3A_210, %lt3A_212 : i1
      %and3A_214 = arith.andi %ne3A_213, %ne3A_208 : i1
      %add3A_215 = arith.addi %rem3A_206, %select_n3A_205 : i32
      %select_n3A_216 = arith.select %and3A_214, %add3A_215, %rem3A_206 : i32
      %mul3A_217 = arith.constant 2560 : i32
      %mul3A_218 = arith.muli %select_n3A_216, %mul3A_217 : i32
      %scan3A = arith.constant 0 : i32
      %scan3A_219 = arith.constant 20 : i32
      %scan3A_220 = arith.addi %scan3A, %scan3A_219 : i32
      %scan3A_221 = arith.constant 1 : i32
      scf.for %scan3A_312 = %scan3A to %scan3A_220 step %scan3A_221  : i32 {
        %mul3A_313 = arith.constant 256 : i32
        %mul3A_314 = arith.muli %scan3A_312, %mul3A_313 : i32
        %add3A_315 = arith.addi %mul3A_122, %mul3A_314 : i32
        %mul3A_316 = arith.constant 128 : i32
        %mul3A_317 = arith.muli %scan3A_312, %mul3A_316 : i32
        %add3A_318 = arith.addi %mul3A_218, %mul3A_317 : i32
        %add3A_319 = arith.constant 0 : i32
        %add3A_320 = arith.addi %add3A_315, %add3A_319 : i32
        %add3A_321 = vector.broadcast %add3A_320 : i32 to vector<16xi32>
        %add3A_322 = arith.addi %iota3A, %add3A_321 : vector<16xi32>
        %add3A_323 = arith.constant 128 : i32
        %add3A_324 = vector.broadcast %add3A_323 : i32 to vector<16xi32>
        %add3A_325 = arith.addi %add3A_322, %add3A_324 : vector<16xi32>
        %gather3A = tpu.vector_load_idx %arg8[%add3A_322, %broadcast_in_dim3A_23] : memref<10240x8xf32, #tpu.memory_space<vmem>>[vector<16xi32>, vector<16xi32>], vector<16xf32>,
        %gather3A_326 = tpu.vector_load_idx %arg8[%add3A_322, %broadcast_in_dim3A_25] : memref<10240x8xf32, #tpu.memory_space<vmem>>[vector<16xi32>, vector<16xi32>], vector<16xf32>,
        %gather3A_327 = tpu.vector_load_idx %arg8[%add3A_322, %broadcast_in_dim3A_27] : memref<10240x8xf32, #tpu.memory_space<vmem>>[vector<16xi32>, vector<16xi32>], vector<16xf32>,
        %gather3A_328 = tpu.vector_load_idx %arg8[%add3A_325, %broadcast_in_dim3A_23] : memref<10240x8xf32, #tpu.memory_space<vmem>>[vector<16xi32>, vector<16xi32>], vector<16xf32>,
        %gather3A_329 = tpu.vector_load_idx %arg8[%add3A_325, %broadcast_in_dim3A_25] : memref<10240x8xf32, #tpu.memory_space<vmem>>[vector<16xi32>, vector<16xi32>], vector<16xf32>,
        %gather3A_330 = tpu.vector_load_idx %arg8[%add3A_325, %broadcast_in_dim3A_27] : memref<10240x8xf32, #tpu.memory_space<vmem>>[vector<16xi32>, vector<16xi32>], vector<16xf32>,
        %add3A_331 = arith.constant 0 : i32
        %add3A_332 = arith.addi %add3A_318, %add3A_331 : i32
        %sub3A_333 = arith.subf %gather3A_328, %gather3A : vector<16xf32>
        %sub3A_334 = arith.subf %gather3A_329, %gather3A_326 : vector<16xf32>
        %sub3A_335 = arith.subf %gather3A_330, %gather3A_327 : vector<16xf32>
        %mul3A_336 = arith.mulf %sub3A_333, %sub3A_333 : vector<16xf32>
        %mul3A_337 = arith.mulf %sub3A_334, %sub3A_334 : vector<16xf32>
        %add3A_338 = arith.addf %mul3A_336, %mul3A_337 : vector<16xf32>
        %mul3A_339 = arith.mulf %sub3A_335, %sub3A_335 : vector<16xf32>
        %add3A_340 = arith.addf %add3A_338, %mul3A_339 : vector<16xf32>
        %bitcast_convert_type3A = tpu.bitcast %add3A_340 : vector<16xf32> -> vector<16xi32>
        %shift_right_arithmetic3A = arith.constant 1 : i32
        %shift_right_arithmetic3A_341 = vector.broadcast %shift_right_arithmetic3A : i32 to vector<16xi32>
        %shift_right_arithmetic3A_342 = arith.shrsi %bitcast_convert_type3A, %shift_right_arithmetic3A_341 : vector<16xi32>
        %sub3A_343 = vector.broadcast %while3A : i32 to vector<16xi32>
        %sub3A_344 = arith.subi %sub3A_343, %shift_right_arithmetic3A_342 : vector<16xi32>
        %bitcast_convert_type3A_345 = tpu.bitcast %sub3A_344 : vector<16xi32> -> vector<16xf32>
        %mul3A_346 = vector.broadcast %while3A_82 : f32 to vector<16xf32>
        %mul3A_347 = arith.mulf %add3A_340, %mul3A_346 : vector<16xf32>
        %mul3A_348 = arith.mulf %mul3A_347, %bitcast_convert_type3A_345 : vector<16xf32>
        %mul3A_349 = arith.mulf %mul3A_348, %bitcast_convert_type3A_345 : vector<16xf32>
        %sub3A_350 = vector.broadcast %while3A_83 : f32 to vector<16xf32>
        %sub3A_351 = arith.subf %sub3A_350, %mul3A_349 : vector<16xf32>
        %mul3A_352 = arith.mulf %bitcast_convert_type3A_345, %sub3A_351 : vector<16xf32>
        %mul3A_353 = arith.mulf %mul3A_347, %mul3A_352 : vector<16xf32>
        %mul3A_354 = arith.mulf %mul3A_353, %mul3A_352 : vector<16xf32>
        %sub3A_355 = vector.broadcast %while3A_83 : f32 to vector<16xf32>
        %sub3A_356 = arith.subf %sub3A_355, %mul3A_354 : vector<16xf32>
        %mul3A_357 = arith.mulf %mul3A_352, %sub3A_356 : vector<16xf32>
        %mul3A_358 = vector.broadcast %while3A_82 : f32 to vector<16xf32>
        %mul3A_359 = arith.mulf %mul3A_357, %mul3A_358 : vector<16xf32>
        %mul3A_360 = arith.mulf %sub3A_333, %mul3A_359 : vector<16xf32>
        %add3A_361 = vector.broadcast %while3A_82 : f32 to vector<16xf32>
        %add3A_362 = arith.addf %mul3A_360, %add3A_361 : vector<16xf32>
        %swap3A = arith.index_cast %add3A_332 : i32 to index
        %swap3A_363 = tpu.vector_load %arg9[%swap3A] {strides = array<i32>} : memref<5120xf32, #tpu.memory_space<vmem>>, vector<16xf32>,
        tpu.vector_store %arg9[%swap3A], %add3A_362 {strides = array<i32>} : memref<5120xf32, #tpu.memory_space<vmem>>, vector<16xf32>,
        %mul3A_364 = arith.mulf %sub3A_334, %mul3A_359 : vector<16xf32>
        %add3A_365 = vector.broadcast %while3A_82 : f32 to vector<16xf32>
        %add3A_366 = arith.addf %mul3A_364, %add3A_365 : vector<16xf32>
        %swap3A_367 = arith.index_cast %add3A_332 : i32 to index
        %swap3A_368 = tpu.vector_load %arg10[%swap3A_367] {strides = array<i32>} : memref<5120xf32, #tpu.memory_space<vmem>>, vector<16xf32>,
        tpu.vector_store %arg10[%swap3A_367], %add3A_366 {strides = array<i32>} : memref<5120xf32, #tpu.memory_space<vmem>>, vector<16xf32>,
        %mul3A_369 = arith.mulf %sub3A_335, %mul3A_359 : vector<16xf32>
        %add3A_370 = vector.broadcast %while3A_82 : f32 to vector<16xf32>
        %add3A_371 = arith.addf %mul3A_369, %add3A_370 : vector<16xf32>
        %swap3A_372 = arith.index_cast %add3A_332 : i32 to index
        %swap3A_373 = tpu.vector_load %arg11[%swap3A_372] {strides = array<i32>} : memref<5120xf32, #tpu.memory_space<vmem>>, vector<16xf32>,
        tpu.vector_store %arg11[%swap3A_372], %add3A_371 {strides = array<i32>} : memref<5120xf32, #tpu.memory_space<vmem>>, vector<16xf32>,
        %add3A_374 = arith.constant 16 : i32
        %add3A_375 = arith.addi %add3A_315, %add3A_374 : i32
        %add3A_376 = vector.broadcast %add3A_375 : i32 to vector<16xi32>
        %add3A_377 = arith.addi %iota3A, %add3A_376 : vector<16xi32>
        %add3A_378 = arith.constant 128 : i32
        %add3A_379 = vector.broadcast %add3A_378 : i32 to vector<16xi32>
        %add3A_380 = arith.addi %add3A_377, %add3A_379 : vector<16xi32>
        %gather3A_381 = tpu.vector_load_idx %arg8[%add3A_377, %broadcast_in_dim3A_23] : memref<10240x8xf32, #tpu.memory_space<vmem>>[vector<16xi32>, vector<16xi32>], vector<16xf32>,
        %gather3A_382 = tpu.vector_load_idx %arg8[%add3A_377, %broadcast_in_dim3A_25] : memref<10240x8xf32, #tpu.memory_space<vmem>>[vector<16xi32>, vector<16xi32>], vector<16xf32>,
        %gather3A_383 = tpu.vector_load_idx %arg8[%add3A_377, %broadcast_in_dim3A_27] : memref<10240x8xf32, #tpu.memory_space<vmem>>[vector<16xi32>, vector<16xi32>], vector<16xf32>,
        %gather3A_384 = tpu.vector_load_idx %arg8[%add3A_380, %broadcast_in_dim3A_23] : memref<10240x8xf32, #tpu.memory_space<vmem>>[vector<16xi32>, vector<16xi32>], vector<16xf32>,
        %gather3A_385 = tpu.vector_load_idx %arg8[%add3A_380, %broadcast_in_dim3A_25] : memref<10240x8xf32, #tpu.memory_space<vmem>>[vector<16xi32>, vector<16xi32>], vector<16xf32>,
        %gather3A_386 = tpu.vector_load_idx %arg8[%add3A_380, %broadcast_in_dim3A_27] : memref<10240x8xf32, #tpu.memory_space<vmem>>[vector<16xi32>, vector<16xi32>], vector<16xf32>,
        %add3A_387 = arith.constant 16 : i32
        %add3A_388 = arith.addi %add3A_318, %add3A_387 : i32
        %sub3A_389 = arith.subf %gather3A_384, %gather3A_381 : vector<16xf32>
        %sub3A_390 = arith.subf %gather3A_385, %gather3A_382 : vector<16xf32>
        %sub3A_391 = arith.subf %gather3A_386, %gather3A_383 : vector<16xf32>
        %mul3A_392 = arith.mulf %sub3A_389, %sub3A_389 : vector<16xf32>
        %mul3A_393 = arith.mulf %sub3A_390, %sub3A_390 : vector<16xf32>
        %add3A_394 = arith.addf %mul3A_392, %mul3A_393 : vector<16xf32>
        %mul3A_395 = arith.mulf %sub3A_391, %sub3A_391 : vector<16xf32>
        %add3A_396 = arith.addf %add3A_394, %mul3A_395 : vector<16xf32>
        %bitcast_convert_type3A_397 = tpu.bitcast %add3A_396 : vector<16xf32> -> vector<16xi32>
        %shift_right_arithmetic3A_398 = arith.constant 1 : i32
        %shift_right_arithmetic3A_399 = vector.broadcast %shift_right_arithmetic3A_398 : i32 to vector<16xi32>
        %shift_right_arithmetic3A_400 = arith.shrsi %bitcast_convert_type3A_397, %shift_right_arithmetic3A_399 : vector<16xi32>
        %sub3A_401 = vector.broadcast %while3A : i32 to vector<16xi32>
        %sub3A_402 = arith.subi %sub3A_401, %shift_right_arithmetic3A_400 : vector<16xi32>
        %bitcast_convert_type3A_403 = tpu.bitcast %sub3A_402 : vector<16xi32> -> vector<16xf32>
        %mul3A_404 = vector.broadcast %while3A_82 : f32 to vector<16xf32>
        %mul3A_405 = arith.mulf %add3A_396, %mul3A_404 : vector<16xf32>
        %mul3A_406 = arith.mulf %mul3A_405, %bitcast_convert_type3A_403 : vector<16xf32>
        %mul3A_407 = arith.mulf %mul3A_406, %bitcast_convert_type3A_403 : vector<16xf32>
        %sub3A_408 = vector.broadcast %while3A_83 : f32 to vector<16xf32>
        %sub3A_409 = arith.subf %sub3A_408, %mul3A_407 : vector<16xf32>
        %mul3A_410 = arith.mulf %bitcast_convert_type3A_403, %sub3A_409 : vector<16xf32>
        %mul3A_411 = arith.mulf %mul3A_405, %mul3A_410 : vector<16xf32>
        %mul3A_412 = arith.mulf %mul3A_411, %mul3A_410 : vector<16xf32>
        %sub3A_413 = vector.broadcast %while3A_83 : f32 to vector<16xf32>
        %sub3A_414 = arith.subf %sub3A_413, %mul3A_412 : vector<16xf32>
        %mul3A_415 = arith.mulf %mul3A_410, %sub3A_414 : vector<16xf32>
        %mul3A_416 = vector.broadcast %while3A_82 : f32 to vector<16xf32>
        %mul3A_417 = arith.mulf %mul3A_415, %mul3A_416 : vector<16xf32>
        %mul3A_418 = arith.mulf %sub3A_389, %mul3A_417 : vector<16xf32>
        %add3A_419 = vector.broadcast %while3A_82 : f32 to vector<16xf32>
        %add3A_420 = arith.addf %mul3A_418, %add3A_419 : vector<16xf32>
        %swap3A_421 = arith.index_cast %add3A_388 : i32 to index
        %swap3A_422 = tpu.vector_load %arg9[%swap3A_421] {strides = array<i32>} : memref<5120xf32, #tpu.memory_space<vmem>>, vector<16xf32>,
        tpu.vector_store %arg9[%swap3A_421], %add3A_420 {strides = array<i32>} : memref<5120xf32, #tpu.memory_space<vmem>>, vector<16xf32>,
        %mul3A_423 = arith.mulf %sub3A_390, %mul3A_417 : vector<16xf32>
        %add3A_424 = vector.broadcast %while3A_82 : f32 to vector<16xf32>
        %add3A_425 = arith.addf %mul3A_423, %add3A_424 : vector<16xf32>
        %swap3A_426 = arith.index_cast %add3A_388 : i32 to index
        %swap3A_427 = tpu.vector_load %arg10[%swap3A_426] {strides = array<i32>} : memref<5120xf32, #tpu.memory_space<vmem>>, vector<16xf32>,
        tpu.vector_store %arg10[%swap3A_426], %add3A_425 {strides = array<i32>} : memref<5120xf32, #tpu.memory_space<vmem>>, vector<16xf32>,
        %mul3A_428 = arith.mulf %sub3A_391, %mul3A_417 : vector<16xf32>
        %add3A_429 = vector.broadcast %while3A_82 : f32 to vector<16xf32>
        %add3A_430 = arith.addf %mul3A_428, %add3A_429 : vector<16xf32>
        %swap3A_431 = arith.index_cast %add3A_388 : i32 to index
        %swap3A_432 = tpu.vector_load %arg11[%swap3A_431] {strides = array<i32>} : memref<5120xf32, #tpu.memory_space<vmem>>, vector<16xf32>,
        tpu.vector_store %arg11[%swap3A_431], %add3A_430 {strides = array<i32>} : memref<5120xf32, #tpu.memory_space<vmem>>, vector<16xf32>,
        %add3A_433 = arith.constant 32 : i32
        %add3A_434 = arith.addi %add3A_315, %add3A_433 : i32
        %add3A_435 = vector.broadcast %add3A_434 : i32 to vector<16xi32>
        %add3A_436 = arith.addi %iota3A, %add3A_435 : vector<16xi32>
        %add3A_437 = arith.constant 128 : i32
        %add3A_438 = vector.broadcast %add3A_437 : i32 to vector<16xi32>
        %add3A_439 = arith.addi %add3A_436, %add3A_438 : vector<16xi32>
        %gather3A_440 = tpu.vector_load_idx %arg8[%add3A_436, %broadcast_in_dim3A_23] : memref<10240x8xf32, #tpu.memory_space<vmem>>[vector<16xi32>, vector<16xi32>], vector<16xf32>,
        %gather3A_441 = tpu.vector_load_idx %arg8[%add3A_436, %broadcast_in_dim3A_25] : memref<10240x8xf32, #tpu.memory_space<vmem>>[vector<16xi32>, vector<16xi32>], vector<16xf32>,
        %gather3A_442 = tpu.vector_load_idx %arg8[%add3A_436, %broadcast_in_dim3A_27] : memref<10240x8xf32, #tpu.memory_space<vmem>>[vector<16xi32>, vector<16xi32>], vector<16xf32>,
        %gather3A_443 = tpu.vector_load_idx %arg8[%add3A_439, %broadcast_in_dim3A_23] : memref<10240x8xf32, #tpu.memory_space<vmem>>[vector<16xi32>, vector<16xi32>], vector<16xf32>,
        %gather3A_444 = tpu.vector_load_idx %arg8[%add3A_439, %broadcast_in_dim3A_25] : memref<10240x8xf32, #tpu.memory_space<vmem>>[vector<16xi32>, vector<16xi32>], vector<16xf32>,
        %gather3A_445 = tpu.vector_load_idx %arg8[%add3A_439, %broadcast_in_dim3A_27] : memref<10240x8xf32, #tpu.memory_space<vmem>>[vector<16xi32>, vector<16xi32>], vector<16xf32>,
        %add3A_446 = arith.constant 32 : i32
        %add3A_447 = arith.addi %add3A_318, %add3A_446 : i32
        %sub3A_448 = arith.subf %gather3A_443, %gather3A_440 : vector<16xf32>
        %sub3A_449 = arith.subf %gather3A_444, %gather3A_441 : vector<16xf32>
        %sub3A_450 = arith.subf %gather3A_445, %gather3A_442 : vector<16xf32>
        %mul3A_451 = arith.mulf %sub3A_448, %sub3A_448 : vector<16xf32>
        %mul3A_452 = arith.mulf %sub3A_449, %sub3A_449 : vector<16xf32>
        %add3A_453 = arith.addf %mul3A_451, %mul3A_452 : vector<16xf32>
        %mul3A_454 = arith.mulf %sub3A_450, %sub3A_450 : vector<16xf32>
        %add3A_455 = arith.addf %add3A_453, %mul3A_454 : vector<16xf32>
        %bitcast_convert_type3A_456 = tpu.bitcast %add3A_455 : vector<16xf32> -> vector<16xi32>
        %shift_right_arithmetic3A_457 = arith.constant 1 : i32
        %shift_right_arithmetic3A_458 = vector.broadcast %shift_right_arithmetic3A_457 : i32 to vector<16xi32>
        %shift_right_arithmetic3A_459 = arith.shrsi %bitcast_convert_type3A_456, %shift_right_arithmetic3A_458 : vector<16xi32>
        %sub3A_460 = vector.broadcast %while3A : i32 to vector<16xi32>
        %sub3A_461 = arith.subi %sub3A_460, %shift_right_arithmetic3A_459 : vector<16xi32>
        %bitcast_convert_type3A_462 = tpu.bitcast %sub3A_461 : vector<16xi32> -> vector<16xf32>
        %mul3A_463 = vector.broadcast %while3A_82 : f32 to vector<16xf32>
        %mul3A_464 = arith.mulf %add3A_455, %mul3A_463 : vector<16xf32>
        %mul3A_465 = arith.mulf %mul3A_464, %bitcast_convert_type3A_462 : vector<16xf32>
        %mul3A_466 = arith.mulf %mul3A_465, %bitcast_convert_type3A_462 : vector<16xf32>
        %sub3A_467 = vector.broadcast %while3A_83 : f32 to vector<16xf32>
        %sub3A_468 = arith.subf %sub3A_467, %mul3A_466 : vector<16xf32>
        %mul3A_469 = arith.mulf %bitcast_convert_type3A_462, %sub3A_468 : vector<16xf32>
        %mul3A_470 = arith.mulf %mul3A_464, %mul3A_469 : vector<16xf32>
        %mul3A_471 = arith.mulf %mul3A_470, %mul3A_469 : vector<16xf32>
        %sub3A_472 = vector.broadcast %while3A_83 : f32 to vector<16xf32>
        %sub3A_473 = arith.subf %sub3A_472, %mul3A_471 : vector<16xf32>
        %mul3A_474 = arith.mulf %mul3A_469, %sub3A_473 : vector<16xf32>
        %mul3A_475 = vector.broadcast %while3A_82 : f32 to vector<16xf32>
        %mul3A_476 = arith.mulf %mul3A_474, %mul3A_475 : vector<16xf32>
        %mul3A_477 = arith.mulf %sub3A_448, %mul3A_476 : vector<16xf32>
        %add3A_478 = vector.broadcast %while3A_82 : f32 to vector<16xf32>
        %add3A_479 = arith.addf %mul3A_477, %add3A_478 : vector<16xf32>
        %swap3A_480 = arith.index_cast %add3A_447 : i32 to index
        %swap3A_481 = tpu.vector_load %arg9[%swap3A_480] {strides = array<i32>} : memref<5120xf32, #tpu.memory_space<vmem>>, vector<16xf32>,
        tpu.vector_store %arg9[%swap3A_480], %add3A_479 {strides = array<i32>} : memref<5120xf32, #tpu.memory_space<vmem>>, vector<16xf32>,
        %mul3A_482 = arith.mulf %sub3A_449, %mul3A_476 : vector<16xf32>
        %add3A_483 = vector.broadcast %while3A_82 : f32 to vector<16xf32>
        %add3A_484 = arith.addf %mul3A_482, %add3A_483 : vector<16xf32>
        %swap3A_485 = arith.index_cast %add3A_447 : i32 to index
        %swap3A_486 = tpu.vector_load %arg10[%swap3A_485] {strides = array<i32>} : memref<5120xf32, #tpu.memory_space<vmem>>, vector<16xf32>,
        tpu.vector_store %arg10[%swap3A_485], %add3A_484 {strides = array<i32>} : memref<5120xf32, #tpu.memory_space<vmem>>, vector<16xf32>,
        %mul3A_487 = arith.mulf %sub3A_450, %mul3A_476 : vector<16xf32>
        %add3A_488 = vector.broadcast %while3A_82 : f32 to vector<16xf32>
        %add3A_489 = arith.addf %mul3A_487, %add3A_488 : vector<16xf32>
        %swap3A_490 = arith.index_cast %add3A_447 : i32 to index
        %swap3A_491 = tpu.vector_load %arg11[%swap3A_490] {strides = array<i32>} : memref<5120xf32, #tpu.memory_space<vmem>>, vector<16xf32>,
        tpu.vector_store %arg11[%swap3A_490], %add3A_489 {strides = array<i32>} : memref<5120xf32, #tpu.memory_space<vmem>>, vector<16xf32>,
        %add3A_492 = arith.constant 48 : i32
        %add3A_493 = arith.addi %add3A_315, %add3A_492 : i32
        %add3A_494 = vector.broadcast %add3A_493 : i32 to vector<16xi32>
        %add3A_495 = arith.addi %iota3A, %add3A_494 : vector<16xi32>
        %add3A_496 = arith.constant 128 : i32
        %add3A_497 = vector.broadcast %add3A_496 : i32 to vector<16xi32>
        %add3A_498 = arith.addi %add3A_495, %add3A_497 : vector<16xi32>
        %gather3A_499 = tpu.vector_load_idx %arg8[%add3A_495, %broadcast_in_dim3A_23] : memref<10240x8xf32, #tpu.memory_space<vmem>>[vector<16xi32>, vector<16xi32>], vector<16xf32>,
        %gather3A_500 = tpu.vector_load_idx %arg8[%add3A_495, %broadcast_in_dim3A_25] : memref<10240x8xf32, #tpu.memory_space<vmem>>[vector<16xi32>, vector<16xi32>], vector<16xf32>,
        %gather3A_501 = tpu.vector_load_idx %arg8[%add3A_495, %broadcast_in_dim3A_27] : memref<10240x8xf32, #tpu.memory_space<vmem>>[vector<16xi32>, vector<16xi32>], vector<16xf32>,
        %gather3A_502 = tpu.vector_load_idx %arg8[%add3A_498, %broadcast_in_dim3A_23] : memref<10240x8xf32, #tpu.memory_space<vmem>>[vector<16xi32>, vector<16xi32>], vector<16xf32>,
        %gather3A_503 = tpu.vector_load_idx %arg8[%add3A_498, %broadcast_in_dim3A_25] : memref<10240x8xf32, #tpu.memory_space<vmem>>[vector<16xi32>, vector<16xi32>], vector<16xf32>,
        %gather3A_504 = tpu.vector_load_idx %arg8[%add3A_498, %broadcast_in_dim3A_27] : memref<10240x8xf32, #tpu.memory_space<vmem>>[vector<16xi32>, vector<16xi32>], vector<16xf32>,
        %add3A_505 = arith.constant 48 : i32
        %add3A_506 = arith.addi %add3A_318, %add3A_505 : i32
        %sub3A_507 = arith.subf %gather3A_502, %gather3A_499 : vector<16xf32>
        %sub3A_508 = arith.subf %gather3A_503, %gather3A_500 : vector<16xf32>
        %sub3A_509 = arith.subf %gather3A_504, %gather3A_501 : vector<16xf32>
        %mul3A_510 = arith.mulf %sub3A_507, %sub3A_507 : vector<16xf32>
        %mul3A_511 = arith.mulf %sub3A_508, %sub3A_508 : vector<16xf32>
        %add3A_512 = arith.addf %mul3A_510, %mul3A_511 : vector<16xf32>
        %mul3A_513 = arith.mulf %sub3A_509, %sub3A_509 : vector<16xf32>
        %add3A_514 = arith.addf %add3A_512, %mul3A_513 : vector<16xf32>
        %bitcast_convert_type3A_515 = tpu.bitcast %add3A_514 : vector<16xf32> -> vector<16xi32>
        %shift_right_arithmetic3A_516 = arith.constant 1 : i32
        %shift_right_arithmetic3A_517 = vector.broadcast %shift_right_arithmetic3A_516 : i32 to vector<16xi32>
        %shift_right_arithmetic3A_518 = arith.shrsi %bitcast_convert_type3A_515, %shift_right_arithmetic3A_517 : vector<16xi32>
        %sub3A_519 = vector.broadcast %while3A : i32 to vector<16xi32>
        %sub3A_520 = arith.subi %sub3A_519, %shift_right_arithmetic3A_518 : vector<16xi32>
        %bitcast_convert_type3A_521 = tpu.bitcast %sub3A_520 : vector<16xi32> -> vector<16xf32>
        %mul3A_522 = vector.broadcast %while3A_82 : f32 to vector<16xf32>
        %mul3A_523 = arith.mulf %add3A_514, %mul3A_522 : vector<16xf32>
        %mul3A_524 = arith.mulf %mul3A_523, %bitcast_convert_type3A_521 : vector<16xf32>
        %mul3A_525 = arith.mulf %mul3A_524, %bitcast_convert_type3A_521 : vector<16xf32>
        %sub3A_526 = vector.broadcast %while3A_83 : f32 to vector<16xf32>
        %sub3A_527 = arith.subf %sub3A_526, %mul3A_525 : vector<16xf32>
        %mul3A_528 = arith.mulf %bitcast_convert_type3A_521, %sub3A_527 : vector<16xf32>
        %mul3A_529 = arith.mulf %mul3A_523, %mul3A_528 : vector<16xf32>
        %mul3A_530 = arith.mulf %mul3A_529, %mul3A_528 : vector<16xf32>
        %sub3A_531 = vector.broadcast %while3A_83 : f32 to vector<16xf32>
        %sub3A_532 = arith.subf %sub3A_531, %mul3A_530 : vector<16xf32>
        %mul3A_533 = arith.mulf %mul3A_528, %sub3A_532 : vector<16xf32>
        %mul3A_534 = vector.broadcast %while3A_82 : f32 to vector<16xf32>
        %mul3A_535 = arith.mulf %mul3A_533, %mul3A_534 : vector<16xf32>
        %mul3A_536 = arith.mulf %sub3A_507, %mul3A_535 : vector<16xf32>
        %add3A_537 = vector.broadcast %while3A_82 : f32 to vector<16xf32>
        %add3A_538 = arith.addf %mul3A_536, %add3A_537 : vector<16xf32>
        %swap3A_539 = arith.index_cast %add3A_506 : i32 to index
        %swap3A_540 = tpu.vector_load %arg9[%swap3A_539] {strides = array<i32>} : memref<5120xf32, #tpu.memory_space<vmem>>, vector<16xf32>,
        tpu.vector_store %arg9[%swap3A_539], %add3A_538 {strides = array<i32>} : memref<5120xf32, #tpu.memory_space<vmem>>, vector<16xf32>,
        %mul3A_541 = arith.mulf %sub3A_508, %mul3A_535 : vector<16xf32>
        %add3A_542 = vector.broadcast %while3A_82 : f32 to vector<16xf32>
        %add3A_543 = arith.addf %mul3A_541, %add3A_542 : vector<16xf32>
        %swap3A_544 = arith.index_cast %add3A_506 : i32 to index
        %swap3A_545 = tpu.vector_load %arg10[%swap3A_544] {strides = array<i32>} : memref<5120xf32, #tpu.memory_space<vmem>>, vector<16xf32>,
        tpu.vector_store %arg10[%swap3A_544], %add3A_543 {strides = array<i32>} : memref<5120xf32, #tpu.memory_space<vmem>>, vector<16xf32>,
        %mul3A_546 = arith.mulf %sub3A_509, %mul3A_535 : vector<16xf32>
        %add3A_547 = vector.broadcast %while3A_82 : f32 to vector<16xf32>
        %add3A_548 = arith.addf %mul3A_546, %add3A_547 : vector<16xf32>
        %swap3A_549 = arith.index_cast %add3A_506 : i32 to index
        %swap3A_550 = tpu.vector_load %arg11[%swap3A_549] {strides = array<i32>} : memref<5120xf32, #tpu.memory_space<vmem>>, vector<16xf32>,
        tpu.vector_store %arg11[%swap3A_549], %add3A_548 {strides = array<i32>} : memref<5120xf32, #tpu.memory_space<vmem>>, vector<16xf32>,
        %add3A_551 = arith.constant 64 : i32
        %add3A_552 = arith.addi %add3A_315, %add3A_551 : i32
        %add3A_553 = vector.broadcast %add3A_552 : i32 to vector<16xi32>
        %add3A_554 = arith.addi %iota3A, %add3A_553 : vector<16xi32>
        %add3A_555 = arith.constant 128 : i32
        %add3A_556 = vector.broadcast %add3A_555 : i32 to vector<16xi32>
        %add3A_557 = arith.addi %add3A_554, %add3A_556 : vector<16xi32>
        %gather3A_558 = tpu.vector_load_idx %arg8[%add3A_554, %broadcast_in_dim3A_23] : memref<10240x8xf32, #tpu.memory_space<vmem>>[vector<16xi32>, vector<16xi32>], vector<16xf32>,
        %gather3A_559 = tpu.vector_load_idx %arg8[%add3A_554, %broadcast_in_dim3A_25] : memref<10240x8xf32, #tpu.memory_space<vmem>>[vector<16xi32>, vector<16xi32>], vector<16xf32>,
        %gather3A_560 = tpu.vector_load_idx %arg8[%add3A_554, %broadcast_in_dim3A_27] : memref<10240x8xf32, #tpu.memory_space<vmem>>[vector<16xi32>, vector<16xi32>], vector<16xf32>,
        %gather3A_561 = tpu.vector_load_idx %arg8[%add3A_557, %broadcast_in_dim3A_23] : memref<10240x8xf32, #tpu.memory_space<vmem>>[vector<16xi32>, vector<16xi32>], vector<16xf32>,
        %gather3A_562 = tpu.vector_load_idx %arg8[%add3A_557, %broadcast_in_dim3A_25] : memref<10240x8xf32, #tpu.memory_space<vmem>>[vector<16xi32>, vector<16xi32>], vector<16xf32>,
        %gather3A_563 = tpu.vector_load_idx %arg8[%add3A_557, %broadcast_in_dim3A_27] : memref<10240x8xf32, #tpu.memory_space<vmem>>[vector<16xi32>, vector<16xi32>], vector<16xf32>,
        %add3A_564 = arith.constant 64 : i32
        %add3A_565 = arith.addi %add3A_318, %add3A_564 : i32
        %sub3A_566 = arith.subf %gather3A_561, %gather3A_558 : vector<16xf32>
        %sub3A_567 = arith.subf %gather3A_562, %gather3A_559 : vector<16xf32>
        %sub3A_568 = arith.subf %gather3A_563, %gather3A_560 : vector<16xf32>
        %mul3A_569 = arith.mulf %sub3A_566, %sub3A_566 : vector<16xf32>
        %mul3A_570 = arith.mulf %sub3A_567, %sub3A_567 : vector<16xf32>
        %add3A_571 = arith.addf %mul3A_569, %mul3A_570 : vector<16xf32>
        %mul3A_572 = arith.mulf %sub3A_568, %sub3A_568 : vector<16xf32>
        %add3A_573 = arith.addf %add3A_571, %mul3A_572 : vector<16xf32>
        %bitcast_convert_type3A_574 = tpu.bitcast %add3A_573 : vector<16xf32> -> vector<16xi32>
        %shift_right_arithmetic3A_575 = arith.constant 1 : i32
        %shift_right_arithmetic3A_576 = vector.broadcast %shift_right_arithmetic3A_575 : i32 to vector<16xi32>
        %shift_right_arithmetic3A_577 = arith.shrsi %bitcast_convert_type3A_574, %shift_right_arithmetic3A_576 : vector<16xi32>
        %sub3A_578 = vector.broadcast %while3A : i32 to vector<16xi32>
        %sub3A_579 = arith.subi %sub3A_578, %shift_right_arithmetic3A_577 : vector<16xi32>
        %bitcast_convert_type3A_580 = tpu.bitcast %sub3A_579 : vector<16xi32> -> vector<16xf32>
        %mul3A_581 = vector.broadcast %while3A_82 : f32 to vector<16xf32>
        %mul3A_582 = arith.mulf %add3A_573, %mul3A_581 : vector<16xf32>
        %mul3A_583 = arith.mulf %mul3A_582, %bitcast_convert_type3A_580 : vector<16xf32>
        %mul3A_584 = arith.mulf %mul3A_583, %bitcast_convert_type3A_580 : vector<16xf32>
        %sub3A_585 = vector.broadcast %while3A_83 : f32 to vector<16xf32>
        %sub3A_586 = arith.subf %sub3A_585, %mul3A_584 : vector<16xf32>
        %mul3A_587 = arith.mulf %bitcast_convert_type3A_580, %sub3A_586 : vector<16xf32>
        %mul3A_588 = arith.mulf %mul3A_582, %mul3A_587 : vector<16xf32>
        %mul3A_589 = arith.mulf %mul3A_588, %mul3A_587 : vector<16xf32>
        %sub3A_590 = vector.broadcast %while3A_83 : f32 to vector<16xf32>
        %sub3A_591 = arith.subf %sub3A_590, %mul3A_589 : vector<16xf32>
        %mul3A_592 = arith.mulf %mul3A_587, %sub3A_591 : vector<16xf32>
        %mul3A_593 = vector.broadcast %while3A_82 : f32 to vector<16xf32>
        %mul3A_594 = arith.mulf %mul3A_592, %mul3A_593 : vector<16xf32>
        %mul3A_595 = arith.mulf %sub3A_566, %mul3A_594 : vector<16xf32>
        %add3A_596 = vector.broadcast %while3A_82 : f32 to vector<16xf32>
        %add3A_597 = arith.addf %mul3A_595, %add3A_596 : vector<16xf32>
        %swap3A_598 = arith.index_cast %add3A_565 : i32 to index
        %swap3A_599 = tpu.vector_load %arg9[%swap3A_598] {strides = array<i32>} : memref<5120xf32, #tpu.memory_space<vmem>>, vector<16xf32>,
        tpu.vector_store %arg9[%swap3A_598], %add3A_597 {strides = array<i32>} : memref<5120xf32, #tpu.memory_space<vmem>>, vector<16xf32>,
        %mul3A_600 = arith.mulf %sub3A_567, %mul3A_594 : vector<16xf32>
        %add3A_601 = vector.broadcast %while3A_82 : f32 to vector<16xf32>
        %add3A_602 = arith.addf %mul3A_600, %add3A_601 : vector<16xf32>
        %swap3A_603 = arith.index_cast %add3A_565 : i32 to index
        %swap3A_604 = tpu.vector_load %arg10[%swap3A_603] {strides = array<i32>} : memref<5120xf32, #tpu.memory_space<vmem>>, vector<16xf32>,
        tpu.vector_store %arg10[%swap3A_603], %add3A_602 {strides = array<i32>} : memref<5120xf32, #tpu.memory_space<vmem>>, vector<16xf32>,
        %mul3A_605 = arith.mulf %sub3A_568, %mul3A_594 : vector<16xf32>
        %add3A_606 = vector.broadcast %while3A_82 : f32 to vector<16xf32>
        %add3A_607 = arith.addf %mul3A_605, %add3A_606 : vector<16xf32>
        %swap3A_608 = arith.index_cast %add3A_565 : i32 to index
        %swap3A_609 = tpu.vector_load %arg11[%swap3A_608] {strides = array<i32>} : memref<5120xf32, #tpu.memory_space<vmem>>, vector<16xf32>,
        tpu.vector_store %arg11[%swap3A_608], %add3A_607 {strides = array<i32>} : memref<5120xf32, #tpu.memory_space<vmem>>, vector<16xf32>,
        %add3A_610 = arith.constant 80 : i32
        %add3A_611 = arith.addi %add3A_315, %add3A_610 : i32
        %add3A_612 = vector.broadcast %add3A_611 : i32 to vector<16xi32>
        %add3A_613 = arith.addi %iota3A, %add3A_612 : vector<16xi32>
        %add3A_614 = arith.constant 128 : i32
        %add3A_615 = vector.broadcast %add3A_614 : i32 to vector<16xi32>
        %add3A_616 = arith.addi %add3A_613, %add3A_615 : vector<16xi32>
        %gather3A_617 = tpu.vector_load_idx %arg8[%add3A_613, %broadcast_in_dim3A_23] : memref<10240x8xf32, #tpu.memory_space<vmem>>[vector<16xi32>, vector<16xi32>], vector<16xf32>,
        %gather3A_618 = tpu.vector_load_idx %arg8[%add3A_613, %broadcast_in_dim3A_25] : memref<10240x8xf32, #tpu.memory_space<vmem>>[vector<16xi32>, vector<16xi32>], vector<16xf32>,
        %gather3A_619 = tpu.vector_load_idx %arg8[%add3A_613, %broadcast_in_dim3A_27] : memref<10240x8xf32, #tpu.memory_space<vmem>>[vector<16xi32>, vector<16xi32>], vector<16xf32>,
        %gather3A_620 = tpu.vector_load_idx %arg8[%add3A_616, %broadcast_in_dim3A_23] : memref<10240x8xf32, #tpu.memory_space<vmem>>[vector<16xi32>, vector<16xi32>], vector<16xf32>,
        %gather3A_621 = tpu.vector_load_idx %arg8[%add3A_616, %broadcast_in_dim3A_25] : memref<10240x8xf32, #tpu.memory_space<vmem>>[vector<16xi32>, vector<16xi32>], vector<16xf32>,
        %gather3A_622 = tpu.vector_load_idx %arg8[%add3A_616, %broadcast_in_dim3A_27] : memref<10240x8xf32, #tpu.memory_space<vmem>>[vector<16xi32>, vector<16xi32>], vector<16xf32>,
        %add3A_623 = arith.constant 80 : i32
        %add3A_624 = arith.addi %add3A_318, %add3A_623 : i32
        %sub3A_625 = arith.subf %gather3A_620, %gather3A_617 : vector<16xf32>
        %sub3A_626 = arith.subf %gather3A_621, %gather3A_618 : vector<16xf32>
        %sub3A_627 = arith.subf %gather3A_622, %gather3A_619 : vector<16xf32>
        %mul3A_628 = arith.mulf %sub3A_625, %sub3A_625 : vector<16xf32>
        %mul3A_629 = arith.mulf %sub3A_626, %sub3A_626 : vector<16xf32>
        %add3A_630 = arith.addf %mul3A_628, %mul3A_629 : vector<16xf32>
        %mul3A_631 = arith.mulf %sub3A_627, %sub3A_627 : vector<16xf32>
        %add3A_632 = arith.addf %add3A_630, %mul3A_631 : vector<16xf32>
        %bitcast_convert_type3A_633 = tpu.bitcast %add3A_632 : vector<16xf32> -> vector<16xi32>
        %shift_right_arithmetic3A_634 = arith.constant 1 : i32
        %shift_right_arithmetic3A_635 = vector.broadcast %shift_right_arithmetic3A_634 : i32 to vector<16xi32>
        %shift_right_arithmetic3A_636 = arith.shrsi %bitcast_convert_type3A_633, %shift_right_arithmetic3A_635 : vector<16xi32>
        %sub3A_637 = vector.broadcast %while3A : i32 to vector<16xi32>
        %sub3A_638 = arith.subi %sub3A_637, %shift_right_arithmetic3A_636 : vector<16xi32>
        %bitcast_convert_type3A_639 = tpu.bitcast %sub3A_638 : vector<16xi32> -> vector<16xf32>
        %mul3A_640 = vector.broadcast %while3A_82 : f32 to vector<16xf32>
        %mul3A_641 = arith.mulf %add3A_632, %mul3A_640 : vector<16xf32>
        %mul3A_642 = arith.mulf %mul3A_641, %bitcast_convert_type3A_639 : vector<16xf32>
        %mul3A_643 = arith.mulf %mul3A_642, %bitcast_convert_type3A_639 : vector<16xf32>
        %sub3A_644 = vector.broadcast %while3A_83 : f32 to vector<16xf32>
        %sub3A_645 = arith.subf %sub3A_644, %mul3A_643 : vector<16xf32>
        %mul3A_646 = arith.mulf %bitcast_convert_type3A_639, %sub3A_645 : vector<16xf32>
        %mul3A_647 = arith.mulf %mul3A_641, %mul3A_646 : vector<16xf32>
        %mul3A_648 = arith.mulf %mul3A_647, %mul3A_646 : vector<16xf32>
        %sub3A_649 = vector.broadcast %while3A_83 : f32 to vector<16xf32>
        %sub3A_650 = arith.subf %sub3A_649, %mul3A_648 : vector<16xf32>
        %mul3A_651 = arith.mulf %mul3A_646, %sub3A_650 : vector<16xf32>
        %mul3A_652 = vector.broadcast %while3A_82 : f32 to vector<16xf32>
        %mul3A_653 = arith.mulf %mul3A_651, %mul3A_652 : vector<16xf32>
        %mul3A_654 = arith.mulf %sub3A_625, %mul3A_653 : vector<16xf32>
        %add3A_655 = vector.broadcast %while3A_82 : f32 to vector<16xf32>
        %add3A_656 = arith.addf %mul3A_654, %add3A_655 : vector<16xf32>
        %swap3A_657 = arith.index_cast %add3A_624 : i32 to index
        %swap3A_658 = tpu.vector_load %arg9[%swap3A_657] {strides = array<i32>} : memref<5120xf32, #tpu.memory_space<vmem>>, vector<16xf32>,
        tpu.vector_store %arg9[%swap3A_657], %add3A_656 {strides = array<i32>} : memref<5120xf32, #tpu.memory_space<vmem>>, vector<16xf32>,
        %mul3A_659 = arith.mulf %sub3A_626, %mul3A_653 : vector<16xf32>
        %add3A_660 = vector.broadcast %while3A_82 : f32 to vector<16xf32>
        %add3A_661 = arith.addf %mul3A_659, %add3A_660 : vector<16xf32>
        %swap3A_662 = arith.index_cast %add3A_624 : i32 to index
        %swap3A_663 = tpu.vector_load %arg10[%swap3A_662] {strides = array<i32>} : memref<5120xf32, #tpu.memory_space<vmem>>, vector<16xf32>,
        tpu.vector_store %arg10[%swap3A_662], %add3A_661 {strides = array<i32>} : memref<5120xf32, #tpu.memory_space<vmem>>, vector<16xf32>,
        %mul3A_664 = arith.mulf %sub3A_627, %mul3A_653 : vector<16xf32>
        %add3A_665 = vector.broadcast %while3A_82 : f32 to vector<16xf32>
        %add3A_666 = arith.addf %mul3A_664, %add3A_665 : vector<16xf32>
        %swap3A_667 = arith.index_cast %add3A_624 : i32 to index
        %swap3A_668 = tpu.vector_load %arg11[%swap3A_667] {strides = array<i32>} : memref<5120xf32, #tpu.memory_space<vmem>>, vector<16xf32>,
        tpu.vector_store %arg11[%swap3A_667], %add3A_666 {strides = array<i32>} : memref<5120xf32, #tpu.memory_space<vmem>>, vector<16xf32>,
        %add3A_669 = arith.constant 96 : i32
        %add3A_670 = arith.addi %add3A_315, %add3A_669 : i32
        %add3A_671 = vector.broadcast %add3A_670 : i32 to vector<16xi32>
        %add3A_672 = arith.addi %iota3A, %add3A_671 : vector<16xi32>
        %add3A_673 = arith.constant 128 : i32
        %add3A_674 = vector.broadcast %add3A_673 : i32 to vector<16xi32>
        %add3A_675 = arith.addi %add3A_672, %add3A_674 : vector<16xi32>
        %gather3A_676 = tpu.vector_load_idx %arg8[%add3A_672, %broadcast_in_dim3A_23] : memref<10240x8xf32, #tpu.memory_space<vmem>>[vector<16xi32>, vector<16xi32>], vector<16xf32>,
        %gather3A_677 = tpu.vector_load_idx %arg8[%add3A_672, %broadcast_in_dim3A_25] : memref<10240x8xf32, #tpu.memory_space<vmem>>[vector<16xi32>, vector<16xi32>], vector<16xf32>,
        %gather3A_678 = tpu.vector_load_idx %arg8[%add3A_672, %broadcast_in_dim3A_27] : memref<10240x8xf32, #tpu.memory_space<vmem>>[vector<16xi32>, vector<16xi32>], vector<16xf32>,
        %gather3A_679 = tpu.vector_load_idx %arg8[%add3A_675, %broadcast_in_dim3A_23] : memref<10240x8xf32, #tpu.memory_space<vmem>>[vector<16xi32>, vector<16xi32>], vector<16xf32>,
        %gather3A_680 = tpu.vector_load_idx %arg8[%add3A_675, %broadcast_in_dim3A_25] : memref<10240x8xf32, #tpu.memory_space<vmem>>[vector<16xi32>, vector<16xi32>], vector<16xf32>,
        %gather3A_681 = tpu.vector_load_idx %arg8[%add3A_675, %broadcast_in_dim3A_27] : memref<10240x8xf32, #tpu.memory_space<vmem>>[vector<16xi32>, vector<16xi32>], vector<16xf32>,
        %add3A_682 = arith.constant 96 : i32
        %add3A_683 = arith.addi %add3A_318, %add3A_682 : i32
        %sub3A_684 = arith.subf %gather3A_679, %gather3A_676 : vector<16xf32>
        %sub3A_685 = arith.subf %gather3A_680, %gather3A_677 : vector<16xf32>
        %sub3A_686 = arith.subf %gather3A_681, %gather3A_678 : vector<16xf32>
        %mul3A_687 = arith.mulf %sub3A_684, %sub3A_684 : vector<16xf32>
        %mul3A_688 = arith.mulf %sub3A_685, %sub3A_685 : vector<16xf32>
        %add3A_689 = arith.addf %mul3A_687, %mul3A_688 : vector<16xf32>
        %mul3A_690 = arith.mulf %sub3A_686, %sub3A_686 : vector<16xf32>
        %add3A_691 = arith.addf %add3A_689, %mul3A_690 : vector<16xf32>
        %bitcast_convert_type3A_692 = tpu.bitcast %add3A_691 : vector<16xf32> -> vector<16xi32>
        %shift_right_arithmetic3A_693 = arith.constant 1 : i32
        %shift_right_arithmetic3A_694 = vector.broadcast %shift_right_arithmetic3A_693 : i32 to vector<16xi32>
        %shift_right_arithmetic3A_695 = arith.shrsi %bitcast_convert_type3A_692, %shift_right_arithmetic3A_694 : vector<16xi32>
        %sub3A_696 = vector.broadcast %while3A : i32 to vector<16xi32>
        %sub3A_697 = arith.subi %sub3A_696, %shift_right_arithmetic3A_695 : vector<16xi32>
        %bitcast_convert_type3A_698 = tpu.bitcast %sub3A_697 : vector<16xi32> -> vector<16xf32>
        %mul3A_699 = vector.broadcast %while3A_82 : f32 to vector<16xf32>
        %mul3A_700 = arith.mulf %add3A_691, %mul3A_699 : vector<16xf32>
        %mul3A_701 = arith.mulf %mul3A_700, %bitcast_convert_type3A_698 : vector<16xf32>
        %mul3A_702 = arith.mulf %mul3A_701, %bitcast_convert_type3A_698 : vector<16xf32>
        %sub3A_703 = vector.broadcast %while3A_83 : f32 to vector<16xf32>
        %sub3A_704 = arith.subf %sub3A_703, %mul3A_702 : vector<16xf32>
        %mul3A_705 = arith.mulf %bitcast_convert_type3A_698, %sub3A_704 : vector<16xf32>
        %mul3A_706 = arith.mulf %mul3A_700, %mul3A_705 : vector<16xf32>
        %mul3A_707 = arith.mulf %mul3A_706, %mul3A_705 : vector<16xf32>
        %sub3A_708 = vector.broadcast %while3A_83 : f32 to vector<16xf32>
        %sub3A_709 = arith.subf %sub3A_708, %mul3A_707 : vector<16xf32>
        %mul3A_710 = arith.mulf %mul3A_705, %sub3A_709 : vector<16xf32>
        %mul3A_711 = vector.broadcast %while3A_82 : f32 to vector<16xf32>
        %mul3A_712 = arith.mulf %mul3A_710, %mul3A_711 : vector<16xf32>
        %mul3A_713 = arith.mulf %sub3A_684, %mul3A_712 : vector<16xf32>
        %add3A_714 = vector.broadcast %while3A_82 : f32 to vector<16xf32>
        %add3A_715 = arith.addf %mul3A_713, %add3A_714 : vector<16xf32>
        %swap3A_716 = arith.index_cast %add3A_683 : i32 to index
        %swap3A_717 = tpu.vector_load %arg9[%swap3A_716] {strides = array<i32>} : memref<5120xf32, #tpu.memory_space<vmem>>, vector<16xf32>,
        tpu.vector_store %arg9[%swap3A_716], %add3A_715 {strides = array<i32>} : memref<5120xf32, #tpu.memory_space<vmem>>, vector<16xf32>,
        %mul3A_718 = arith.mulf %sub3A_685, %mul3A_712 : vector<16xf32>
        %add3A_719 = vector.broadcast %while3A_82 : f32 to vector<16xf32>
        %add3A_720 = arith.addf %mul3A_718, %add3A_719 : vector<16xf32>
        %swap3A_721 = arith.index_cast %add3A_683 : i32 to index
        %swap3A_722 = tpu.vector_load %arg10[%swap3A_721] {strides = array<i32>} : memref<5120xf32, #tpu.memory_space<vmem>>, vector<16xf32>,
        tpu.vector_store %arg10[%swap3A_721], %add3A_720 {strides = array<i32>} : memref<5120xf32, #tpu.memory_space<vmem>>, vector<16xf32>,
        %mul3A_723 = arith.mulf %sub3A_686, %mul3A_712 : vector<16xf32>
        %add3A_724 = vector.broadcast %while3A_82 : f32 to vector<16xf32>
        %add3A_725 = arith.addf %mul3A_723, %add3A_724 : vector<16xf32>
        %swap3A_726 = arith.index_cast %add3A_683 : i32 to index
        %swap3A_727 = tpu.vector_load %arg11[%swap3A_726] {strides = array<i32>} : memref<5120xf32, #tpu.memory_space<vmem>>, vector<16xf32>,
        tpu.vector_store %arg11[%swap3A_726], %add3A_725 {strides = array<i32>} : memref<5120xf32, #tpu.memory_space<vmem>>, vector<16xf32>,
        %add3A_728 = arith.constant 112 : i32
        %add3A_729 = arith.addi %add3A_315, %add3A_728 : i32
        %add3A_730 = vector.broadcast %add3A_729 : i32 to vector<16xi32>
        %add3A_731 = arith.addi %iota3A, %add3A_730 : vector<16xi32>
        %add3A_732 = arith.constant 128 : i32
        %add3A_733 = vector.broadcast %add3A_732 : i32 to vector<16xi32>
        %add3A_734 = arith.addi %add3A_731, %add3A_733 : vector<16xi32>
        %gather3A_735 = tpu.vector_load_idx %arg8[%add3A_731, %broadcast_in_dim3A_23] : memref<10240x8xf32, #tpu.memory_space<vmem>>[vector<16xi32>, vector<16xi32>], vector<16xf32>,
        %gather3A_736 = tpu.vector_load_idx %arg8[%add3A_731, %broadcast_in_dim3A_25] : memref<10240x8xf32, #tpu.memory_space<vmem>>[vector<16xi32>, vector<16xi32>], vector<16xf32>,
        %gather3A_737 = tpu.vector_load_idx %arg8[%add3A_731, %broadcast_in_dim3A_27] : memref<10240x8xf32, #tpu.memory_space<vmem>>[vector<16xi32>, vector<16xi32>], vector<16xf32>,
        %gather3A_738 = tpu.vector_load_idx %arg8[%add3A_734, %broadcast_in_dim3A_23] : memref<10240x8xf32, #tpu.memory_space<vmem>>[vector<16xi32>, vector<16xi32>], vector<16xf32>,
        %gather3A_739 = tpu.vector_load_idx %arg8[%add3A_734, %broadcast_in_dim3A_25] : memref<10240x8xf32, #tpu.memory_space<vmem>>[vector<16xi32>, vector<16xi32>], vector<16xf32>,
        %gather3A_740 = tpu.vector_load_idx %arg8[%add3A_734, %broadcast_in_dim3A_27] : memref<10240x8xf32, #tpu.memory_space<vmem>>[vector<16xi32>, vector<16xi32>], vector<16xf32>,
        %add3A_741 = arith.constant 112 : i32
        %add3A_742 = arith.addi %add3A_318, %add3A_741 : i32
        %sub3A_743 = arith.subf %gather3A_738, %gather3A_735 : vector<16xf32>
        %sub3A_744 = arith.subf %gather3A_739, %gather3A_736 : vector<16xf32>
        %sub3A_745 = arith.subf %gather3A_740, %gather3A_737 : vector<16xf32>
        %mul3A_746 = arith.mulf %sub3A_743, %sub3A_743 : vector<16xf32>
        %mul3A_747 = arith.mulf %sub3A_744, %sub3A_744 : vector<16xf32>
        %add3A_748 = arith.addf %mul3A_746, %mul3A_747 : vector<16xf32>
        %mul3A_749 = arith.mulf %sub3A_745, %sub3A_745 : vector<16xf32>
        %add3A_750 = arith.addf %add3A_748, %mul3A_749 : vector<16xf32>
        %bitcast_convert_type3A_751 = tpu.bitcast %add3A_750 : vector<16xf32> -> vector<16xi32>
        %shift_right_arithmetic3A_752 = arith.constant 1 : i32
        %shift_right_arithmetic3A_753 = vector.broadcast %shift_right_arithmetic3A_752 : i32 to vector<16xi32>
        %shift_right_arithmetic3A_754 = arith.shrsi %bitcast_convert_type3A_751, %shift_right_arithmetic3A_753 : vector<16xi32>
        %sub3A_755 = vector.broadcast %while3A : i32 to vector<16xi32>
        %sub3A_756 = arith.subi %sub3A_755, %shift_right_arithmetic3A_754 : vector<16xi32>
        %bitcast_convert_type3A_757 = tpu.bitcast %sub3A_756 : vector<16xi32> -> vector<16xf32>
        %mul3A_758 = vector.broadcast %while3A_82 : f32 to vector<16xf32>
        %mul3A_759 = arith.mulf %add3A_750, %mul3A_758 : vector<16xf32>
        %mul3A_760 = arith.mulf %mul3A_759, %bitcast_convert_type3A_757 : vector<16xf32>
        %mul3A_761 = arith.mulf %mul3A_760, %bitcast_convert_type3A_757 : vector<16xf32>
        %sub3A_762 = vector.broadcast %while3A_83 : f32 to vector<16xf32>
        %sub3A_763 = arith.subf %sub3A_762, %mul3A_761 : vector<16xf32>
        %mul3A_764 = arith.mulf %bitcast_convert_type3A_757, %sub3A_763 : vector<16xf32>
        %mul3A_765 = arith.mulf %mul3A_759, %mul3A_764 : vector<16xf32>
        %mul3A_766 = arith.mulf %mul3A_765, %mul3A_764 : vector<16xf32>
        %sub3A_767 = vector.broadcast %while3A_83 : f32 to vector<16xf32>
        %sub3A_768 = arith.subf %sub3A_767, %mul3A_766 : vector<16xf32>
        %mul3A_769 = arith.mulf %mul3A_764, %sub3A_768 : vector<16xf32>
        %mul3A_770 = vector.broadcast %while3A_82 : f32 to vector<16xf32>
        %mul3A_771 = arith.mulf %mul3A_769, %mul3A_770 : vector<16xf32>
        %mul3A_772 = arith.mulf %sub3A_743, %mul3A_771 : vector<16xf32>
        %add3A_773 = vector.broadcast %while3A_82 : f32 to vector<16xf32>
        %add3A_774 = arith.addf %mul3A_772, %add3A_773 : vector<16xf32>
        %swap3A_775 = arith.index_cast %add3A_742 : i32 to index
        %swap3A_776 = tpu.vector_load %arg9[%swap3A_775] {strides = array<i32>} : memref<5120xf32, #tpu.memory_space<vmem>>, vector<16xf32>,
        tpu.vector_store %arg9[%swap3A_775], %add3A_774 {strides = array<i32>} : memref<5120xf32, #tpu.memory_space<vmem>>, vector<16xf32>,
        %mul3A_777 = arith.mulf %sub3A_744, %mul3A_771 : vector<16xf32>
        %add3A_778 = vector.broadcast %while3A_82 : f32 to vector<16xf32>
        %add3A_779 = arith.addf %mul3A_777, %add3A_778 : vector<16xf32>
        %swap3A_780 = arith.index_cast %add3A_742 : i32 to index
        %swap3A_781 = tpu.vector_load %arg10[%swap3A_780] {strides = array<i32>} : memref<5120xf32, #tpu.memory_space<vmem>>, vector<16xf32>,
        tpu.vector_store %arg10[%swap3A_780], %add3A_779 {strides = array<i32>} : memref<5120xf32, #tpu.memory_space<vmem>>, vector<16xf32>,
        %mul3A_782 = arith.mulf %sub3A_745, %mul3A_771 : vector<16xf32>
        %add3A_783 = vector.broadcast %while3A_82 : f32 to vector<16xf32>
        %add3A_784 = arith.addf %mul3A_782, %add3A_783 : vector<16xf32>
        %swap3A_785 = arith.index_cast %add3A_742 : i32 to index
        %swap3A_786 = tpu.vector_load %arg11[%swap3A_785] {strides = array<i32>} : memref<5120xf32, #tpu.memory_space<vmem>>, vector<16xf32>,
        tpu.vector_store %arg11[%swap3A_785], %add3A_784 {strides = array<i32>} : memref<5120xf32, #tpu.memory_space<vmem>>, vector<16xf32>,
      }
      %scan3A_222 = arith.constant 20 : i32
      %jit3A_223 = arith.constant 2 : i32
      %eq3A_224 = arith.constant 0 : i32
      %eq3A_225 = arith.cmpi eq, %jit3A_223, %eq3A_224 : i32
      %jit3A_226 = arith.constant 1 : i32
      %select_n3A_227 = arith.select %eq3A_225, %jit3A_226, %jit3A_223 : i32
      %rem3A_228 = arith.remsi %while3A_104, %select_n3A_227 : i32
      %ne3A_229 = arith.constant 0 : i32
      %ne3A_230 = arith.cmpi ne, %rem3A_228, %ne3A_229 : i32
      %lt3A_231 = arith.constant 0 : i32
      %lt3A_232 = arith.cmpi slt, %rem3A_228, %lt3A_231 : i32
      %lt3A_233 = arith.constant 0 : i32
      %lt3A_234 = arith.cmpi slt, %select_n3A_227, %lt3A_233 : i32
      %ne3A_235 = arith.xori %lt3A_232, %lt3A_234 : i1
      %and3A_236 = arith.andi %ne3A_235, %ne3A_230 : i1
      %add3A_237 = arith.addi %rem3A_228, %select_n3A_227 : i32
      %select_n3A_238 = arith.select %and3A_236, %add3A_237, %rem3A_228 : i32
      %mul3A_239 = arith.constant 2560 : i32
      %mul3A_240 = arith.muli %select_n3A_238, %mul3A_239 : i32
      %mul3A_241 = arith.constant 32 : i32
      %mul3A_242 = arith.muli %while3A_104, %mul3A_241 : i32
      %add3A_243 = arith.addi %add3A, %mul3A_242 : i32
      %mul3A_244 = arith.constant 2560 : i32
      %mul3A_245 = arith.muli %add3A_243, %mul3A_244 : i32
      %jit3A_246 = arith.constant 2 : i32
      %eq3A_247 = arith.constant 0 : i32
      %eq3A_248 = arith.cmpi eq, %jit3A_246, %eq3A_247 : i32
      %jit3A_249 = arith.constant 1 : i32
      %select_n3A_250 = arith.select %eq3A_248, %jit3A_249, %jit3A_246 : i32
      %rem3A_251 = arith.remsi %while3A_104, %select_n3A_250 : i32
      %ne3A_252 = arith.constant 0 : i32
      %ne3A_253 = arith.cmpi ne, %rem3A_251, %ne3A_252 : i32
      %lt3A_254 = arith.constant 0 : i32
      %lt3A_255 = arith.cmpi slt, %rem3A_251, %lt3A_254 : i32
      %lt3A_256 = arith.constant 0 : i32
      %lt3A_257 = arith.cmpi slt, %select_n3A_250, %lt3A_256 : i32
      %ne3A_258 = arith.xori %lt3A_255, %lt3A_257 : i1
      %and3A_259 = arith.andi %ne3A_258, %ne3A_253 : i1
      %add3A_260 = arith.addi %rem3A_251, %select_n3A_250 : i32
      %select_n3A_261 = arith.select %and3A_259, %add3A_260, %rem3A_251 : i32
      %dma_start3A_262 = tpu.memref_slice %arg9[%mul3A_240] : memref<5120xf32, #tpu.memory_space<vmem>> -> memref<2560xf32, #tpu.memory_space<vmem>>
      %dma_start3A_263 = tpu.memref_slice %arg4[%mul3A_245] : memref<6400000xf32, #tpu.memory_space<hbm>> -> memref<2560xf32, #tpu.memory_space<hbm>>
      %dma_start3A_264 = tpu.memref_slice %arg14[%select_n3A_261] : memref<2x!tpu.dma_semaphore, #tpu.memory_space<semaphore_mem>> -> memref<1x!tpu.dma_semaphore, #tpu.memory_space<semaphore_mem>>
      %dma_start3A_265 = tpu.memref_squeeze %dma_start3A_264 : memref<1x!tpu.dma_semaphore, #tpu.memory_space<semaphore_mem>> -> memref<!tpu.dma_semaphore, #tpu.memory_space<semaphore_mem>>
      %dma_start3A_266 = tpu.memref_slice %arg4[%mul3A_245] : memref<6400000xf32, #tpu.memory_space<hbm>> -> memref<2560xf32, #tpu.memory_space<hbm>>
      %dma_start3A_267 = tpu.memref_slice %arg9[%mul3A_240] : memref<5120xf32, #tpu.memory_space<vmem>> -> memref<2560xf32, #tpu.memory_space<vmem>>
      tpu.enqueue_dma source(%dma_start3A_267 : memref<2560xf32, #tpu.memory_space<vmem>>) target(%dma_start3A_266 : memref<2560xf32, #tpu.memory_space<hbm>>) target_semaphore(%dma_start3A_265 : memref<!tpu.dma_semaphore, #tpu.memory_space<semaphore_mem>>)
      %jit3A_268 = arith.constant 2 : i32
      %eq3A_269 = arith.constant 0 : i32
      %eq3A_270 = arith.cmpi eq, %jit3A_268, %eq3A_269 : i32
      %jit3A_271 = arith.constant 1 : i32
      %select_n3A_272 = arith.select %eq3A_270, %jit3A_271, %jit3A_268 : i32
      %rem3A_273 = arith.remsi %while3A_104, %select_n3A_272 : i32
      %ne3A_274 = arith.constant 0 : i32
      %ne3A_275 = arith.cmpi ne, %rem3A_273, %ne3A_274 : i32
      %lt3A_276 = arith.constant 0 : i32
      %lt3A_277 = arith.cmpi slt, %rem3A_273, %lt3A_276 : i32
      %lt3A_278 = arith.constant 0 : i32
      %lt3A_279 = arith.cmpi slt, %select_n3A_272, %lt3A_278 : i32
      %ne3A_280 = arith.xori %lt3A_277, %lt3A_279 : i1
      %and3A_281 = arith.andi %ne3A_280, %ne3A_275 : i1
      %add3A_282 = arith.addi %rem3A_273, %select_n3A_272 : i32
      %select_n3A_283 = arith.select %and3A_281, %add3A_282, %rem3A_273 : i32
      %dma_start3A_284 = tpu.memref_slice %arg10[%mul3A_240] : memref<5120xf32, #tpu.memory_space<vmem>> -> memref<2560xf32, #tpu.memory_space<vmem>>
      %dma_start3A_285 = tpu.memref_slice %arg5[%mul3A_245] : memref<6400000xf32, #tpu.memory_space<hbm>> -> memref<2560xf32, #tpu.memory_space<hbm>>
      %dma_start3A_286 = tpu.memref_slice %arg14[%select_n3A_283] : memref<2x!tpu.dma_semaphore, #tpu.memory_space<semaphore_mem>> -> memref<1x!tpu.dma_semaphore, #tpu.memory_space<semaphore_mem>>
      %dma_start3A_287 = tpu.memref_squeeze %dma_start3A_286 : memref<1x!tpu.dma_semaphore, #tpu.memory_space<semaphore_mem>> -> memref<!tpu.dma_semaphore, #tpu.memory_space<semaphore_mem>>
      %dma_start3A_288 = tpu.memref_slice %arg5[%mul3A_245] : memref<6400000xf32, #tpu.memory_space<hbm>> -> memref<2560xf32, #tpu.memory_space<hbm>>
      %dma_start3A_289 = tpu.memref_slice %arg10[%mul3A_240] : memref<5120xf32, #tpu.memory_space<vmem>> -> memref<2560xf32, #tpu.memory_space<vmem>>
      tpu.enqueue_dma source(%dma_start3A_289 : memref<2560xf32, #tpu.memory_space<vmem>>) target(%dma_start3A_288 : memref<2560xf32, #tpu.memory_space<hbm>>) target_semaphore(%dma_start3A_287 : memref<!tpu.dma_semaphore, #tpu.memory_space<semaphore_mem>>)
      %jit3A_290 = arith.constant 2 : i32
      %eq3A_291 = arith.constant 0 : i32
      %eq3A_292 = arith.cmpi eq, %jit3A_290, %eq3A_291 : i32
      %jit3A_293 = arith.constant 1 : i32
      %select_n3A_294 = arith.select %eq3A_292, %jit3A_293, %jit3A_290 : i32
      %rem3A_295 = arith.remsi %while3A_104, %select_n3A_294 : i32
      %ne3A_296 = arith.constant 0 : i32
      %ne3A_297 = arith.cmpi ne, %rem3A_295, %ne3A_296 : i32
      %lt3A_298 = arith.constant 0 : i32
      %lt3A_299 = arith.cmpi slt, %rem3A_295, %lt3A_298 : i32
      %lt3A_300 = arith.constant 0 : i32
      %lt3A_301 = arith.cmpi slt, %select_n3A_294, %lt3A_300 : i32
      %ne3A_302 = arith.xori %lt3A_299, %lt3A_301 : i1
      %and3A_303 = arith.andi %ne3A_302, %ne3A_297 : i1
      %add3A_304 = arith.addi %rem3A_295, %select_n3A_294 : i32
      %select_n3A_305 = arith.select %and3A_303, %add3A_304, %rem3A_295 : i32
      %dma_start3A_306 = tpu.memref_slice %arg11[%mul3A_240] : memref<5120xf32, #tpu.memory_space<vmem>> -> memref<2560xf32, #tpu.memory_space<vmem>>
      %dma_start3A_307 = tpu.memref_slice %arg6[%mul3A_245] : memref<6400000xf32, #tpu.memory_space<hbm>> -> memref<2560xf32, #tpu.memory_space<hbm>>
      %dma_start3A_308 = tpu.memref_slice %arg14[%select_n3A_305] : memref<2x!tpu.dma_semaphore, #tpu.memory_space<semaphore_mem>> -> memref<1x!tpu.dma_semaphore, #tpu.memory_space<semaphore_mem>>
      %dma_start3A_309 = tpu.memref_squeeze %dma_start3A_308 : memref<1x!tpu.dma_semaphore, #tpu.memory_space<semaphore_mem>> -> memref<!tpu.dma_semaphore, #tpu.memory_space<semaphore_mem>>
      %dma_start3A_310 = tpu.memref_slice %arg6[%mul3A_245] : memref<6400000xf32, #tpu.memory_space<hbm>> -> memref<2560xf32, #tpu.memory_space<hbm>>
      %dma_start3A_311 = tpu.memref_slice %arg11[%mul3A_240] : memref<5120xf32, #tpu.memory_space<vmem>> -> memref<2560xf32, #tpu.memory_space<vmem>>
      tpu.enqueue_dma source(%dma_start3A_311 : memref<2560xf32, #tpu.memory_space<vmem>>) target(%dma_start3A_310 : memref<2560xf32, #tpu.memory_space<hbm>>) target_semaphore(%dma_start3A_309 : memref<!tpu.dma_semaphore, #tpu.memory_space<semaphore_mem>>)
    }
    %sub3A_93 = arith.constant 2 : i32
    %sub3A_94 = arith.subi %select_n3A, %sub3A_93 : i32
    %max3A = arith.constant 0 : i32
    %max3A_95 = arith.maxsi %sub3A_94, %max3A : i32
    %while3A_96 = arith.subi %select_n3A, %max3A_95 : i32
    %while3A_97 = arith.addi %max3A_95, %while3A_96 : i32
    %while3A_98 = arith.constant 1 : i32
    %while3A_99 = arith.divsi %while3A_96, %while3A_98 : i32
    %while3A_100 = arith.muli %while3A_99, %while3A_98 : i32
    %while3A_101 = arith.addi %max3A_95, %while3A_100 : i32
    %while3A_102 = arith.constant 1 : i32
    scf.for %while3A_104 = %max3A_95 to %while3A_101 step %while3A_102  : i32 {
      %sub3A_105 = arith.constant 2 : i32
      %sub3A_106 = arith.subi %select_n3A, %sub3A_105 : i32
      %max3A_107 = arith.constant 0 : i32
      %max3A_108 = arith.maxsi %sub3A_106, %max3A_107 : i32
      %ge3A = arith.cmpi sge, %while3A_104, %max3A_108 : i32
      %convert_element_type3A = arith.extui %ge3A : i1 to i32
      %cond3A = arith.constant 0 : i32
      %cond3A_109 = arith.cmpi ne, %convert_element_type3A, %cond3A : i32
      scf.if %cond3A_109 {
        %jit3A_110 = arith.constant 2 : i32
        %eq3A = arith.constant 0 : i32
        %eq3A_111 = arith.cmpi eq, %jit3A_110, %eq3A : i32
        %jit3A_112 = arith.constant 1 : i32
        %select_n3A_113 = arith.select %eq3A_111, %jit3A_112, %jit3A_110 : i32
        %rem3A_114 = arith.remsi %while3A_104, %select_n3A_113 : i32
        %ne3A_115 = arith.constant 0 : i32
        %ne3A_116 = arith.cmpi ne, %rem3A_114, %ne3A_115 : i32
        %lt3A = arith.constant 0 : i32
        %lt3A_117 = arith.cmpi slt, %rem3A_114, %lt3A : i32
        %lt3A_118 = arith.constant 0 : i32
        %lt3A_119 = arith.cmpi slt, %select_n3A_113, %lt3A_118 : i32
        %ne3A_120 = arith.xori %lt3A_117, %lt3A_119 : i1
        %and3A_121 = arith.andi %ne3A_120, %ne3A_116 : i1
        %add3A_122 = arith.addi %rem3A_114, %select_n3A_113 : i32
        %select_n3A_123 = arith.select %and3A_121, %add3A_122, %rem3A_114 : i32
        %mul3A_124 = arith.constant 2560 : i32
        %mul3A_125 = arith.muli %select_n3A_123, %mul3A_124 : i32
        %mul3A_126 = arith.constant 32 : i32
        %mul3A_127 = arith.muli %while3A_104, %mul3A_126 : i32
        %add3A_128 = arith.addi %add3A, %mul3A_127 : i32
        %mul3A_129 = arith.constant 2560 : i32
        %mul3A_130 = arith.muli %add3A_128, %mul3A_129 : i32
        %jit3A_131 = arith.constant 2 : i32
        %eq3A_132 = arith.constant 0 : i32
        %eq3A_133 = arith.cmpi eq, %jit3A_131, %eq3A_132 : i32
        %jit3A_134 = arith.constant 1 : i32
        %select_n3A_135 = arith.select %eq3A_133, %jit3A_134, %jit3A_131 : i32
        %rem3A_136 = arith.remsi %while3A_104, %select_n3A_135 : i32
        %ne3A_137 = arith.constant 0 : i32
        %ne3A_138 = arith.cmpi ne, %rem3A_136, %ne3A_137 : i32
        %lt3A_139 = arith.constant 0 : i32
        %lt3A_140 = arith.cmpi slt, %rem3A_136, %lt3A_139 : i32
        %lt3A_141 = arith.constant 0 : i32
        %lt3A_142 = arith.cmpi slt, %select_n3A_135, %lt3A_141 : i32
        %ne3A_143 = arith.xori %lt3A_140, %lt3A_142 : i1
        %and3A_144 = arith.andi %ne3A_143, %ne3A_138 : i1
        %add3A_145 = arith.addi %rem3A_136, %select_n3A_135 : i32
        %select_n3A_146 = arith.select %and3A_144, %add3A_145, %rem3A_136 : i32
        %dma_wait3A_147 = tpu.memref_slice %arg9[%mul3A_125] : memref<5120xf32, #tpu.memory_space<vmem>> -> memref<2560xf32, #tpu.memory_space<vmem>>
        %dma_wait3A_148 = tpu.memref_slice %arg4[%mul3A_130] : memref<6400000xf32, #tpu.memory_space<hbm>> -> memref<2560xf32, #tpu.memory_space<hbm>>
        %dma_wait3A_149 = tpu.memref_slice %arg14[%select_n3A_146] : memref<2x!tpu.dma_semaphore, #tpu.memory_space<semaphore_mem>> -> memref<1x!tpu.dma_semaphore, #tpu.memory_space<semaphore_mem>>
        %dma_wait3A_150 = tpu.memref_squeeze %dma_wait3A_149 : memref<1x!tpu.dma_semaphore, #tpu.memory_space<semaphore_mem>> -> memref<!tpu.dma_semaphore, #tpu.memory_space<semaphore_mem>>
        %dma_wait3A_151 = tpu.memref_slice %arg4[%mul3A_130] : memref<6400000xf32, #tpu.memory_space<hbm>> -> memref<2560xf32, #tpu.memory_space<hbm>>
        %dma_wait3A_152 = tpu.memref_slice %arg9[%mul3A_125] : memref<5120xf32, #tpu.memory_space<vmem>> -> memref<2560xf32, #tpu.memory_space<vmem>>
        tpu.wait_dma2 semaphore(%dma_wait3A_150 : memref<!tpu.dma_semaphore, #tpu.memory_space<semaphore_mem>>) src(%dma_wait3A_152 : memref<2560xf32, #tpu.memory_space<vmem>>) dst(%dma_wait3A_151 : memref<2560xf32, #tpu.memory_space<hbm>>)
        %jit3A_153 = arith.constant 2 : i32
        %eq3A_154 = arith.constant 0 : i32
        %eq3A_155 = arith.cmpi eq, %jit3A_153, %eq3A_154 : i32
        %jit3A_156 = arith.constant 1 : i32
        %select_n3A_157 = arith.select %eq3A_155, %jit3A_156, %jit3A_153 : i32
        %rem3A_158 = arith.remsi %while3A_104, %select_n3A_157 : i32
        %ne3A_159 = arith.constant 0 : i32
        %ne3A_160 = arith.cmpi ne, %rem3A_158, %ne3A_159 : i32
        %lt3A_161 = arith.constant 0 : i32
        %lt3A_162 = arith.cmpi slt, %rem3A_158, %lt3A_161 : i32
        %lt3A_163 = arith.constant 0 : i32
        %lt3A_164 = arith.cmpi slt, %select_n3A_157, %lt3A_163 : i32
        %ne3A_165 = arith.xori %lt3A_162, %lt3A_164 : i1
        %and3A_166 = arith.andi %ne3A_165, %ne3A_160 : i1
        %add3A_167 = arith.addi %rem3A_158, %select_n3A_157 : i32
        %select_n3A_168 = arith.select %and3A_166, %add3A_167, %rem3A_158 : i32
        %dma_wait3A_169 = tpu.memref_slice %arg10[%mul3A_125] : memref<5120xf32, #tpu.memory_space<vmem>> -> memref<2560xf32, #tpu.memory_space<vmem>>
        %dma_wait3A_170 = tpu.memref_slice %arg5[%mul3A_130] : memref<6400000xf32, #tpu.memory_space<hbm>> -> memref<2560xf32, #tpu.memory_space<hbm>>
        %dma_wait3A_171 = tpu.memref_slice %arg14[%select_n3A_168] : memref<2x!tpu.dma_semaphore, #tpu.memory_space<semaphore_mem>> -> memref<1x!tpu.dma_semaphore, #tpu.memory_space<semaphore_mem>>
        %dma_wait3A_172 = tpu.memref_squeeze %dma_wait3A_171 : memref<1x!tpu.dma_semaphore, #tpu.memory_space<semaphore_mem>> -> memref<!tpu.dma_semaphore, #tpu.memory_space<semaphore_mem>>
        %dma_wait3A_173 = tpu.memref_slice %arg5[%mul3A_130] : memref<6400000xf32, #tpu.memory_space<hbm>> -> memref<2560xf32, #tpu.memory_space<hbm>>
        %dma_wait3A_174 = tpu.memref_slice %arg10[%mul3A_125] : memref<5120xf32, #tpu.memory_space<vmem>> -> memref<2560xf32, #tpu.memory_space<vmem>>
        tpu.wait_dma2 semaphore(%dma_wait3A_172 : memref<!tpu.dma_semaphore, #tpu.memory_space<semaphore_mem>>) src(%dma_wait3A_174 : memref<2560xf32, #tpu.memory_space<vmem>>) dst(%dma_wait3A_173 : memref<2560xf32, #tpu.memory_space<hbm>>)
        %jit3A_175 = arith.constant 2 : i32
        %eq3A_176 = arith.constant 0 : i32
        %eq3A_177 = arith.cmpi eq, %jit3A_175, %eq3A_176 : i32
        %jit3A_178 = arith.constant 1 : i32
        %select_n3A_179 = arith.select %eq3A_177, %jit3A_178, %jit3A_175 : i32
        %rem3A_180 = arith.remsi %while3A_104, %select_n3A_179 : i32
        %ne3A_181 = arith.constant 0 : i32
        %ne3A_182 = arith.cmpi ne, %rem3A_180, %ne3A_181 : i32
        %lt3A_183 = arith.constant 0 : i32
        %lt3A_184 = arith.cmpi slt, %rem3A_180, %lt3A_183 : i32
        %lt3A_185 = arith.constant 0 : i32
        %lt3A_186 = arith.cmpi slt, %select_n3A_179, %lt3A_185 : i32
        %ne3A_187 = arith.xori %lt3A_184, %lt3A_186 : i1
        %and3A_188 = arith.andi %ne3A_187, %ne3A_182 : i1
        %add3A_189 = arith.addi %rem3A_180, %select_n3A_179 : i32
        %select_n3A_190 = arith.select %and3A_188, %add3A_189, %rem3A_180 : i32
        %dma_wait3A_191 = tpu.memref_slice %arg11[%mul3A_125] : memref<5120xf32, #tpu.memory_space<vmem>> -> memref<2560xf32, #tpu.memory_space<vmem>>
        %dma_wait3A_192 = tpu.memref_slice %arg6[%mul3A_130] : memref<6400000xf32, #tpu.memory_space<hbm>> -> memref<2560xf32, #tpu.memory_space<hbm>>
        %dma_wait3A_193 = tpu.memref_slice %arg14[%select_n3A_190] : memref<2x!tpu.dma_semaphore, #tpu.memory_space<semaphore_mem>> -> memref<1x!tpu.dma_semaphore, #tpu.memory_space<semaphore_mem>>
        %dma_wait3A_194 = tpu.memref_squeeze %dma_wait3A_193 : memref<1x!tpu.dma_semaphore, #tpu.memory_space<semaphore_mem>> -> memref<!tpu.dma_semaphore, #tpu.memory_space<semaphore_mem>>
        %dma_wait3A_195 = tpu.memref_slice %arg6[%mul3A_130] : memref<6400000xf32, #tpu.memory_space<hbm>> -> memref<2560xf32, #tpu.memory_space<hbm>>
        %dma_wait3A_196 = tpu.memref_slice %arg11[%mul3A_125] : memref<5120xf32, #tpu.memory_space<vmem>> -> memref<2560xf32, #tpu.memory_space<vmem>>
        tpu.wait_dma2 semaphore(%dma_wait3A_194 : memref<!tpu.dma_semaphore, #tpu.memory_space<semaphore_mem>>) src(%dma_wait3A_196 : memref<2560xf32, #tpu.memory_space<vmem>>) dst(%dma_wait3A_195 : memref<2560xf32, #tpu.memory_space<hbm>>)
      } else {
      }
    }
    %while3A_103 = arith.constant 1 : i32
    scf.for %while3A_104 = %while3A_101 to %while3A_97 step %while3A_103  : i32 {
      %sub3A_105 = arith.constant 2 : i32
      %sub3A_106 = arith.subi %select_n3A, %sub3A_105 : i32
      %max3A_107 = arith.constant 0 : i32
      %max3A_108 = arith.maxsi %sub3A_106, %max3A_107 : i32
      %ge3A = arith.cmpi sge, %while3A_104, %max3A_108 : i32
      %convert_element_type3A = arith.extui %ge3A : i1 to i32
      %cond3A = arith.constant 0 : i32
      %cond3A_109 = arith.cmpi ne, %convert_element_type3A, %cond3A : i32
      scf.if %cond3A_109 {
        %jit3A_110 = arith.constant 2 : i32
        %eq3A = arith.constant 0 : i32
        %eq3A_111 = arith.cmpi eq, %jit3A_110, %eq3A : i32
        %jit3A_112 = arith.constant 1 : i32
        %select_n3A_113 = arith.select %eq3A_111, %jit3A_112, %jit3A_110 : i32
        %rem3A_114 = arith.remsi %while3A_104, %select_n3A_113 : i32
        %ne3A_115 = arith.constant 0 : i32
        %ne3A_116 = arith.cmpi ne, %rem3A_114, %ne3A_115 : i32
        %lt3A = arith.constant 0 : i32
        %lt3A_117 = arith.cmpi slt, %rem3A_114, %lt3A : i32
        %lt3A_118 = arith.constant 0 : i32
        %lt3A_119 = arith.cmpi slt, %select_n3A_113, %lt3A_118 : i32
        %ne3A_120 = arith.xori %lt3A_117, %lt3A_119 : i1
        %and3A_121 = arith.andi %ne3A_120, %ne3A_116 : i1
        %add3A_122 = arith.addi %rem3A_114, %select_n3A_113 : i32
        %select_n3A_123 = arith.select %and3A_121, %add3A_122, %rem3A_114 : i32
        %mul3A_124 = arith.constant 2560 : i32
        %mul3A_125 = arith.muli %select_n3A_123, %mul3A_124 : i32
        %mul3A_126 = arith.constant 32 : i32
        %mul3A_127 = arith.muli %while3A_104, %mul3A_126 : i32
        %add3A_128 = arith.addi %add3A, %mul3A_127 : i32
        %mul3A_129 = arith.constant 2560 : i32
        %mul3A_130 = arith.muli %add3A_128, %mul3A_129 : i32
        %jit3A_131 = arith.constant 2 : i32
        %eq3A_132 = arith.constant 0 : i32
        %eq3A_133 = arith.cmpi eq, %jit3A_131, %eq3A_132 : i32
        %jit3A_134 = arith.constant 1 : i32
        %select_n3A_135 = arith.select %eq3A_133, %jit3A_134, %jit3A_131 : i32
        %rem3A_136 = arith.remsi %while3A_104, %select_n3A_135 : i32
        %ne3A_137 = arith.constant 0 : i32
        %ne3A_138 = arith.cmpi ne, %rem3A_136, %ne3A_137 : i32
        %lt3A_139 = arith.constant 0 : i32
        %lt3A_140 = arith.cmpi slt, %rem3A_136, %lt3A_139 : i32
        %lt3A_141 = arith.constant 0 : i32
        %lt3A_142 = arith.cmpi slt, %select_n3A_135, %lt3A_141 : i32
        %ne3A_143 = arith.xori %lt3A_140, %lt3A_142 : i1
        %and3A_144 = arith.andi %ne3A_143, %ne3A_138 : i1
        %add3A_145 = arith.addi %rem3A_136, %select_n3A_135 : i32
        %select_n3A_146 = arith.select %and3A_144, %add3A_145, %rem3A_136 : i32
        %dma_wait3A_147 = tpu.memref_slice %arg9[%mul3A_125] : memref<5120xf32, #tpu.memory_space<vmem>> -> memref<2560xf32, #tpu.memory_space<vmem>>
        %dma_wait3A_148 = tpu.memref_slice %arg4[%mul3A_130] : memref<6400000xf32, #tpu.memory_space<hbm>> -> memref<2560xf32, #tpu.memory_space<hbm>>
        %dma_wait3A_149 = tpu.memref_slice %arg14[%select_n3A_146] : memref<2x!tpu.dma_semaphore, #tpu.memory_space<semaphore_mem>> -> memref<1x!tpu.dma_semaphore, #tpu.memory_space<semaphore_mem>>
        %dma_wait3A_150 = tpu.memref_squeeze %dma_wait3A_149 : memref<1x!tpu.dma_semaphore, #tpu.memory_space<semaphore_mem>> -> memref<!tpu.dma_semaphore, #tpu.memory_space<semaphore_mem>>
        %dma_wait3A_151 = tpu.memref_slice %arg4[%mul3A_130] : memref<6400000xf32, #tpu.memory_space<hbm>> -> memref<2560xf32, #tpu.memory_space<hbm>>
        %dma_wait3A_152 = tpu.memref_slice %arg9[%mul3A_125] : memref<5120xf32, #tpu.memory_space<vmem>> -> memref<2560xf32, #tpu.memory_space<vmem>>
        tpu.wait_dma2 semaphore(%dma_wait3A_150 : memref<!tpu.dma_semaphore, #tpu.memory_space<semaphore_mem>>) src(%dma_wait3A_152 : memref<2560xf32, #tpu.memory_space<vmem>>) dst(%dma_wait3A_151 : memref<2560xf32, #tpu.memory_space<hbm>>)
        %jit3A_153 = arith.constant 2 : i32
        %eq3A_154 = arith.constant 0 : i32
        %eq3A_155 = arith.cmpi eq, %jit3A_153, %eq3A_154 : i32
        %jit3A_156 = arith.constant 1 : i32
        %select_n3A_157 = arith.select %eq3A_155, %jit3A_156, %jit3A_153 : i32
        %rem3A_158 = arith.remsi %while3A_104, %select_n3A_157 : i32
        %ne3A_159 = arith.constant 0 : i32
        %ne3A_160 = arith.cmpi ne, %rem3A_158, %ne3A_159 : i32
        %lt3A_161 = arith.constant 0 : i32
        %lt3A_162 = arith.cmpi slt, %rem3A_158, %lt3A_161 : i32
        %lt3A_163 = arith.constant 0 : i32
        %lt3A_164 = arith.cmpi slt, %select_n3A_157, %lt3A_163 : i32
        %ne3A_165 = arith.xori %lt3A_162, %lt3A_164 : i1
        %and3A_166 = arith.andi %ne3A_165, %ne3A_160 : i1
        %add3A_167 = arith.addi %rem3A_158, %select_n3A_157 : i32
        %select_n3A_168 = arith.select %and3A_166, %add3A_167, %rem3A_158 : i32
        %dma_wait3A_169 = tpu.memref_slice %arg10[%mul3A_125] : memref<5120xf32, #tpu.memory_space<vmem>> -> memref<2560xf32, #tpu.memory_space<vmem>>
        %dma_wait3A_170 = tpu.memref_slice %arg5[%mul3A_130] : memref<6400000xf32, #tpu.memory_space<hbm>> -> memref<2560xf32, #tpu.memory_space<hbm>>
        %dma_wait3A_171 = tpu.memref_slice %arg14[%select_n3A_168] : memref<2x!tpu.dma_semaphore, #tpu.memory_space<semaphore_mem>> -> memref<1x!tpu.dma_semaphore, #tpu.memory_space<semaphore_mem>>
        %dma_wait3A_172 = tpu.memref_squeeze %dma_wait3A_171 : memref<1x!tpu.dma_semaphore, #tpu.memory_space<semaphore_mem>> -> memref<!tpu.dma_semaphore, #tpu.memory_space<semaphore_mem>>
        %dma_wait3A_173 = tpu.memref_slice %arg5[%mul3A_130] : memref<6400000xf32, #tpu.memory_space<hbm>> -> memref<2560xf32, #tpu.memory_space<hbm>>
        %dma_wait3A_174 = tpu.memref_slice %arg10[%mul3A_125] : memref<5120xf32, #tpu.memory_space<vmem>> -> memref<2560xf32, #tpu.memory_space<vmem>>
        tpu.wait_dma2 semaphore(%dma_wait3A_172 : memref<!tpu.dma_semaphore, #tpu.memory_space<semaphore_mem>>) src(%dma_wait3A_174 : memref<2560xf32, #tpu.memory_space<vmem>>) dst(%dma_wait3A_173 : memref<2560xf32, #tpu.memory_space<hbm>>)
        %jit3A_175 = arith.constant 2 : i32
        %eq3A_176 = arith.constant 0 : i32
        %eq3A_177 = arith.cmpi eq, %jit3A_175, %eq3A_176 : i32
        %jit3A_178 = arith.constant 1 : i32
        %select_n3A_179 = arith.select %eq3A_177, %jit3A_178, %jit3A_175 : i32
        %rem3A_180 = arith.remsi %while3A_104, %select_n3A_179 : i32
        %ne3A_181 = arith.constant 0 : i32
        %ne3A_182 = arith.cmpi ne, %rem3A_180, %ne3A_181 : i32
        %lt3A_183 = arith.constant 0 : i32
        %lt3A_184 = arith.cmpi slt, %rem3A_180, %lt3A_183 : i32
        %lt3A_185 = arith.constant 0 : i32
        %lt3A_186 = arith.cmpi slt, %select_n3A_179, %lt3A_185 : i32
        %ne3A_187 = arith.xori %lt3A_184, %lt3A_186 : i1
        %and3A_188 = arith.andi %ne3A_187, %ne3A_182 : i1
        %add3A_189 = arith.addi %rem3A_180, %select_n3A_179 : i32
        %select_n3A_190 = arith.select %and3A_188, %add3A_189, %rem3A_180 : i32
        %dma_wait3A_191 = tpu.memref_slice %arg11[%mul3A_125] : memref<5120xf32, #tpu.memory_space<vmem>> -> memref<2560xf32, #tpu.memory_space<vmem>>
        %dma_wait3A_192 = tpu.memref_slice %arg6[%mul3A_130] : memref<6400000xf32, #tpu.memory_space<hbm>> -> memref<2560xf32, #tpu.memory_space<hbm>>
        %dma_wait3A_193 = tpu.memref_slice %arg14[%select_n3A_190] : memref<2x!tpu.dma_semaphore, #tpu.memory_space<semaphore_mem>> -> memref<1x!tpu.dma_semaphore, #tpu.memory_space<semaphore_mem>>
        %dma_wait3A_194 = tpu.memref_squeeze %dma_wait3A_193 : memref<1x!tpu.dma_semaphore, #tpu.memory_space<semaphore_mem>> -> memref<!tpu.dma_semaphore, #tpu.memory_space<semaphore_mem>>
        %dma_wait3A_195 = tpu.memref_slice %arg6[%mul3A_130] : memref<6400000xf32, #tpu.memory_space<hbm>> -> memref<2560xf32, #tpu.memory_space<hbm>>
        %dma_wait3A_196 = tpu.memref_slice %arg11[%mul3A_125] : memref<5120xf32, #tpu.memory_space<vmem>> -> memref<2560xf32, #tpu.memory_space<vmem>>
        tpu.wait_dma2 semaphore(%dma_wait3A_194 : memref<!tpu.dma_semaphore, #tpu.memory_space<semaphore_mem>>) src(%dma_wait3A_196 : memref<2560xf32, #tpu.memory_space<vmem>>) dst(%dma_wait3A_195 : memref<2560xf32, #tpu.memory_space<hbm>>)
      } else {
      }
    }
    return
  }
}

</mosaic_0001>

<sc_bundles>
// kernel: kernel.3.cloned.1.call-start
scs
__scs_entry_jumppad:
0x0: {  	(pc) =	sbr.rel $0x88, $3  }
0x1: {  	(tag) =	ssettag $0x0;
	lr =	simm.s32 $0x1  }
0x2: {  	[smem:$0x3F9E] =	sst lr;
	_ =	strace $0xD0000000  }
0x3: {  	_ = 	snop  }
0x4: {  	_ = 	snop  }
0x5: {  	_ = 	snop  }
0x6: {  	_ = 	snop  }
0x7: {  	_ = 	snop  }
__scs_overlays_trampoline_lowered:
0x8: {  	[smem:$0x3FAD] =	sst s0  }
0x9: {  	[smem:$0x3FAE] =	sst s1  }
0xa: {  	[smem:$0x3FAF] =	sst s2  }
0xb: {  	[smem:$0x3FB0] =	sst s3  }
0xc: {  	[smem:$0x3FB1] =	sst s4  }
0xd: {  	[smem:$0x3FB2] =	sst s5  }
0xe: {  	[smem:$0x3FB3] =	sst s6  }
0xf: {  	[smem:$0x3FB4] =	sst s7  }
0x10: {  	[smem:$0x3FB5] =	sst s8  }
0x11: {  	[smem:$0x3FB6] =	sst s9;
	s0 =	simm.s32 @!p0 $0x0  }
0x12: {  	s1 =	sld [smem:$0x3F9C];
	s0 =	simm.s32 @p0 $0x1  }
0x13: {  	[smem:$0x3FB7] =	sst s0;
	s0 =	simm.s32 @!p1 $0x0  }
0x14: {  	s2 =	sld [smem:$0x3F9B];
	s0 =	simm.s32 @p1 $0x1  }
0x15: {  	[smem:$0x3FB8] =	sst s0;
	s0 =	simm.s32 @!p2 $0x0  }
0x16: {  	s3 =	sld [smem:$0x3FDB];
	s0 =	simm.s32 @p2 $0x1  }
0x17: {  	s4 =	simm.s32 $0x1BF5;
	[smem:$0x3FBA] =	sst s0  }
0x18: {  	s0 =	sld [smem:$0x3F9D];
	_ =	swait.ge [sflag:s4], $0x0  }
0x19: {  	s7 =	sld [smem:$0x3F9E]  }
0x1a: {  	s8 =	sadd.s32 $0xFFFFE003, lr  }
0x1b: {  	s9 =	sadd.s32 $0xFFFFFEF7, lr;
	s5 =	simm.s32 $0xFFFFFFFF;
	p2 =	slt.u32 s8, $0xFFFFF086  }
0x1c: {  	p1 =	slt.u32 s9, $0xF7A;
	s5 =	simm.s32 @!p2 $0x0  }
0x1d: {  	s5 =	simm.s32 @p1 $0x1;
	p0 =	seq.s32 s7, s2  }
0x1e: {  	s7 =	smul.u32 @!p0 $0xF7A, s2;
	p2 =	seq.s32 @!p0 s5, $0x0  }
0x1f: {  	s9 =	smul.u32 $0xF7A, s1;
	s8 =	simm.s32 @!p0 $0x1BF5;
	p2 =	por !p2, p0  }
0x20: {  	[sflag:s8] =	ssyncset.s32 @!p0 $0xFFFFF086;
	s6 =	sadd.s32 @!p0 s3, s7;
	s7 =	simm.s32 @!p0 $0x108  }
0x21: {  	s3 =	sadd.s32 s3, s9;
	s6 =	sadd.s32 @!p0 $0x88, s6;
	s7 =	simm.s32 @p2 $0x1082  }
0x22: {  	[simem:s7], [sflag:s8] =	dma.local @!p0 [hbm:s6], $0xF7A  }
0x23: {  	s9 =	sor.u32 $0xD0000000, s2;
	s6 =	simm.s32 $0x108;
	_ =	swait.ge @!p0 [sflag:s8], $0x0  }
0x24: {  	s3 =	sadd.s32 $0x88, s3;
	s6 =	simm.s32 @!p1 $0x1082;
	[sflag:s4] =	ssyncset.s32 $0xFFFFF086  }
0x25: {  	[simem:s6], [sflag:s4] =	dma.local [hbm:s3], $0xF7A  }
0x26: {  	[smem:$0x3F9E] =	sst s1;
	(tag) =	ssettag s2;
	_ =	strace s9  }
0x27: {  	s1 =	sld [smem:$0x3FAE]  }
0x28: {  	s2 =	sld [smem:$0x3FAF]  }
0x29: {  	s4 =	sld [smem:$0x3FB1]  }
0x2a: {  	p0 =	seq.s32 s5, $0x0;
	s5 =	sld [smem:$0x3FB2]  }
0x2b: {  	s6 =	sld [smem:$0x3FB3]  }
0x2c: {  	s7 =	sld [smem:$0x3FB4]  }
0x2d: {  	s3 =	simm.s32 $0x108;
	s8 =	sld [smem:$0x3FB5]  }
0x2e: {  	s3 =	simm.s32 @!p0 $0x1082;
	s9 =	sld [smem:$0x3FB6]  }
0x2f: {  	lr =	sadd.s32 s0, s3;
	s0 =	sld [smem:$0x3FAD]  }
0x30: {  	s3 =	sld [smem:$0x3FB0]  }
0x31: {  	[smem:$0x3FB9] =	sst s10  }
0x32: {  	s10 =	sld [smem:$0x3FB7];
	_ =	sdelay $0x3  }
0x33: {  	p0 =	seq.s32 s10, $0x1;
	s10 =	sld [smem:$0x3FB9];
	_ =	sdelay $0x3  }
0x34: {  	[smem:$0x3FB9] =	sst s10  }
0x35: {  	s10 =	sld [smem:$0x3FB8];
	_ =	sdelay $0x3  }
0x36: {  	p1 =	seq.s32 s10, $0x1;
	s10 =	sld [smem:$0x3FB9];
	_ =	sdelay $0x3  }
0x37: {  	[smem:$0x3FB9] =	sst s10  }
0x38: {  	s10 =	sld [smem:$0x3FBA]  }
0x39: {  	_ = 	snop;
	(pc) =	sbr.ind lr, $3  }
0x3a: {  	_ = 	snop  }
0x3b: {  	_ = 	snop  }
0x3c: {  	p2 =	seq.s32 s10, $0x1;
	s10 =	sld [smem:$0x3FB9]  }
0x3d: {  	_ =	shalt  }
0x3e: {  	_ =	shalt  }
0x3f: {  	_ =	shalt  }
0x40: {  	_ =	shalt  }
0x41: {  	_ =	shalt  }
0x42: {  	_ =	shalt  }
0x43: {  	_ =	shalt  }
0x44: {  	_ =	shalt  }
0x45: {  	_ =	shalt  }
0x46: {  	_ =	shalt  }
0x47: {  	_ =	shalt  }
0x48: {  	_ =	shalt  }
0x49: {  	_ =	shalt  }
0x4a: {  	_ =	shalt  }
0x4b: {  	_ =	shalt  }
0x4c: {  	_ =	shalt  }
0x4d: {  	_ =	shalt  }
0x4e: {  	_ =	shalt  }
0x4f: {  	_ =	shalt  }
0x50: {  	_ =	shalt  }
0x51: {  	_ =	shalt  }
0x52: {  	_ =	shalt  }
0x53: {  	_ =	shalt  }
0x54: {  	_ =	shalt  }
0x55: {  	_ =	shalt  }
0x56: {  	_ =	shalt  }
0x57: {  	_ =	shalt  }
0x58: {  	_ =	shalt  }
0x59: {  	_ =	shalt  }
0x5a: {  	_ =	shalt  }
0x5b: {  	_ =	shalt  }
0x5c: {  	_ =	shalt  }
0x5d: {  	_ =	shalt  }
0x5e: {  	_ =	shalt  }
0x5f: {  	_ =	shalt  }
0x60: {  	_ =	shalt  }
0x61: {  	_ =	shalt  }
0x62: {  	_ =	shalt  }
0x63: {  	_ =	shalt  }
0x64: {  	_ =	shalt  }
0x65: {  	_ =	shalt  }
0x66: {  	_ =	shalt  }
0x67: {  	_ =	shalt  }
0x68: {  	_ =	shalt  }
0x69: {  	_ =	shalt  }
0x6a: {  	_ =	shalt  }
0x6b: {  	_ =	shalt  }
0x6c: {  	_ =	shalt  }
0x6d: {  	_ =	shalt  }
0x6e: {  	_ =	shalt  }
0x6f: {  	_ =	shalt  }
0x70: {  	_ =	shalt  }
0x71: {  	_ =	shalt  }
0x72: {  	_ =	shalt  }
0x73: {  	_ =	shalt  }
0x74: {  	_ =	shalt  }
0x75: {  	_ =	shalt  }
0x76: {  	_ =	shalt  }
0x77: {  	_ =	shalt  }
0x78: {  	_ =	shalt  }
0x79: {  	_ =	shalt  }
0x7a: {  	_ =	shalt  }
0x7b: {  	_ =	shalt  }
0x7c: {  	_ =	shalt  }
0x7d: {  	_ =	shalt  }
0x7e: {  	_ =	shalt  }
0x7f: {  	_ =	shalt  }
0x80: {  	_ =	shalt  }
0x81: {  	_ =	shalt  }
0x82: {  	_ =	shalt  }
0x83: {  	_ =	shalt  }
0x84: {  	_ =	shalt  }
0x85: {  	_ =	shalt  }
0x86: {  	_ =	shalt  }
0x87: {  	_ =	shalt  }
.Lfunc_end0:
.L_simem_size_0:
called_computation_lowered:
.L_overlay_start_0:
0x88: {  	s2 =	sld [smem:$0x3FD9]  }
0x89: {  	s3 =	sld [smem:$0x3FFE];
	_ =	sdelay $0x1  }
0x8a: {  	s1 =	srdreg.scid  }
0x8b: {  	s0 =	sand.u32 $0x1, s1  }
0x8c: {  	s17 =	sshll.u32 s0, $0xA;
	s2 =	sadd.s32 s3, s2  }
0x8d: {  	s2 =	sadd.s32 s2, s17  }
0x8e: {  	[smem:$0x3FC5] =	sst s2  }
0x8f: {  	_ = 	snop  }
0x90: {  	s2 =	sld [smem:$0x3FC8]  }
0x91: {  	s18 =	sld [smem:$0x3FD0];
	(tm) =	ssettm $0x1  }
0x92: {  	s4 =	sld [smem:$0x3FFB];
	_ =	sdelay $0x3  }
0x93: {  	_ =	strace s4  }
0x94: {  	s4 =	sld [smem:$0x3FFC];
	_ =	sdelay $0x3  }
0x95: {  	_ =	strace s4  }
0x96: {  	s4 =	sld [smem:$0x3FFD];
	_ =	sdelay $0x3  }
0x97: {  	_ =	strace s4  }
0x98: {  	_ =	strace $0x8FFFFFFF  }
0x99: {  	s19 =	sld [smem:$0x3FDB];
	_ =	sdelay $0x1  }
0x9a: {  	s5 =	simm.s32 $_scs_section_size  }
0x9b: {  	s6 =	simm.s32 $_size__tile_overlayer_lowered;
	s7 =	simm.s32 $_tile_overlayer_lowered  }
0x9c: {  	s22 =	simm.s32 $0x1BFF;
	s21 =	sshll.u32 s7, $0x1;
	s4 =	sadd.s32 s5, s19  }
0x9d: {  	s8 =	simm.s32 $0x0;
	s20 =	sshll.u32 s6, $0x1;
	s6 =	sadd.s32 s21, s4  }
0x9e: {  	[timem:s8], [sflag:s22] =	dma.local [hbm:s6], s20  }
0x9f: {  	_ =	swait.ge [sflag:s22], s20  }
0xa0: {  	s5 =	ssub.s32 $0x0, s20;
	[sflag:s22] =	ssyncset.done $0x0  }
0xa1: {  	[sflag:s22] =	ssyncadd.s32 s5;
	_ =	sdelay $0x1  }
0xa2: {  	s23 =	simm.s32 $0x1B8B  }
0xa3: {  	_ =	swait.ge [sflag:s23], $0x1  }
0xa4: {  	[sflag:s23] =	ssyncset.done $0x0  }
0xa5: {  	s25 =	simm.s32 $0x1B8E;
	s24 =	sld [smem:$0x3FFE];
	[sflag:s23] =	ssyncadd.s32 $0xFFFFFFFF  }
0xa6: {  	s26 =	simm.s32 $execute0_lowered;
	[smem:$0x3FD2] =	sst s25  }
0xa7: {  	s6 =	sshll.u32 s26, $0x1;
	_ =	strace $0x80000046;
	[dreg:$0x1] =	wrdreg $0xFFFFFFFF  }
0xa8: {  	s28 =	simm.s32 $_size_execute0_lowered;
	s4 =	sadd.s32 s4, s6;
	[dreg:$0x0] =	wrdreg $0x0  }
0xa9: {  	s6 =	sshll.u32 s28, $0x1;
	[dreg:$0x2] =	wrdreg s4  }
0xaa: {  	[dreg:$0x3] =	wrdreg s6  }
0xab: {  	[dreg:$0x4] =	wrdreg $0xC0  }
0xac: {  	_ =	task [dreg:s8], $0x5FFFF  }
0xad: {  	[dreg:$0x1] =	wrdreg $0xFFFFFFFF  }
0xae: {  	[dreg:$0x0] =	wrdreg $0x60  }
0xaf: {  	[dreg:$0x2] =	wrdreg s18  }
0xb0: {  	[dreg:$0x3] =	wrdreg s2  }
0xb1: {  	[dreg:$0x4] =	wrdreg s24  }
0xb2: {  	[dreg:$0x5] =	wrdreg $0x9  }
0xb3: {  	_ =	task.clear_ibuf [dreg:s8], $0x6FFFF;
	_ =	strace $0x90000046  }
0xb4: {  	s29 =	simm.s32 $0x9;
	_ =	strace $0x80000048  }
0xb5: {  	_ =	swait.ge [sflag:s29], $0x1  }
0xb6: {  	[sflag:s29] =	ssyncadd.s32 $0xFFFFFFFF  }
0xb7: {  	_ =	strace $0x90000048  }
0xb8: {  	_ =	sfence  }
0xb9: {  	s30 =	sld [smem:$0x0];
	_ =	sdelay $0x2  }
0xba: {  	s31 =	sshll.u32 s1, $0xD;
	s1 =	sshrl.u32 s1, $0x2  }
0xbb: {  	s3 =	sand.u32 $0x4000, s31;
	s1 =	sadd.s32 s1, s30  }
0xbc: {  	s0 =	sor.u32 s3, s0;
	s1 =	sshll.u32 s1, $0x11  }
0xbd: {  	s0 =	sor.u32 s1, s0  }
0xbe: {  	s0 =	sadd.s32 $0x8F2B, s0  }
0xbf: {  	[sflag:s0] =	ssyncadd.remote.s32 $0x1  }
0xc0: {  	_ =	sfence.sel $0xFFFF  }
0xc1: {  	[dreg:$0x0] =	wrdreg $0xFFFFFFFF;
	(pc) =	sbr.abs _section_cstart, $3  }
0xc2: {  	[dreg:$0x1] =	wrdreg $0xFFFFFFFF  }
0xc3: {  	_ =	task.clear_ibuf [dreg:s8], $0x2FFFF;
	_ =	strace $0x9FFFFFFF  }
0xc4: {  	(tm) =	ssettm $0x7FFFFFFF  }
0xc5: {  	_ =	shalt  }
tec
execute0_lowered:
.L_overlay_start_1:
0x0: {  	(tag) =	ssettag $0x1  }
0x1: {  	s1 =	rddreg [dreg:$0x0]  }
0x2: {  	s2 =	rddreg [dreg:$0x1]  }
0x3: {  	s8 =	rddreg [dreg:$0x2]  }
0x4: {  	s0 =	rddreg [dreg:$0x3];
	s4 =	simm.s32 $0x0  }
0x5: {  	s5 =	srdreg.scid;
	s3 =	stileid.u32;
	s15 =	simm.s32 $0x1400  }
0x6: {  	s16 =	simm.s32 $0x1;
	s17 =	simm.s32 $0x2800;
	s18 =	simm.s32 $0x0  }
0x7: {  	[smem:$0x7FF] =	sst s4;
	s9 =	sand.u32 $0x1, s5;
	s7 =	sshll.u32 s3, $0x1  }
0x8: {  	s5 =	sadd.s32 $0x2400, s8;
	s6 =	sadd.s32 $0xC5A00, s8;
	s7 =	sor.u32 s9, s7  }
0x9: {  	s8 =	sadd.s32 $0x189000, s8;
	s9 =	ssub.s32 $0x2, s9;
	s10 =	smul.u32 $0x1400, s7  }
0xa: {  	s11 =	sshrl.u32 s9, $0x1;
	s12 =	ssub.s32 $0x9E3, s7;
	s13 =	smul.u32 $0x280, s7  }
0xb: {  	v0 =	vlaneseq.u32;
	_ =	strace $0x80000047;
	s14 =	ssub.s32 s9, s11;
	s9 =	sshrl.u32 s12, $0x5  }
0xc: {  	v0 =	vmul.u32 $0x8, v0;
	s29 =	sshrl.u32 s10, $0x3;
	s10 =	sadd.s32 s2, s13;
	s30 =	sand.u32 $0x1, s9  }
0xd: {  	s12 =	smax.u32 s14, $0x1;
	s11 =	sadd.s32 s2, s29;
	s31 =	sxor.u32 $0x1, s30  }
0xe: {  	v1 =	vor.u32 $0x400, v0;
	s13 =	sadd.s32 $0x5, s30;
	s11 =	sadd.s32 $0x5000, s11;
	s14 =	sadd.s32 $0x5, s31  }
.LBB2_1:
0xf: {  	[tilespmem:s4], [sflag:$0x1] =	stream.linear.gather [hbm4b:s10+s4], $0x1400, $0x38;
	[tilespmem:$0x1A400] =	vst v63  }
0x10: {  	_ = 	snop  }
0x11: {  	[tilespmem:s15], [sflag:$0x2] =	stream.linear.gather [hbm4b:s11+s4], $0x1400, $0x38;
	[tilespmem:$0x1A400] =	vst v63  }
0x12: {  	_ =	swait.ge [sflag:s16], $0x1400  }
0x13: {  	[sflag:s16] =	ssyncset.done $0x0  }
0x14: {  	p0 =	por $0x0, $0x0;
	s20 =	simm.s32 $0x0;
	[sflag:s16] =	ssyncadd.s32 $0xFFFFEC00  }
0x15: {  	[tilespmem:s17], [sflag:$0x3] =	stream.indirect.gather [hbm4b:s1+s15], $0x8, s4, s15, $0xb8;
	[tilespmem:$0x1A400] =	vst v63  }
.LBB2_2:
0x16: {  	s19 =	sadd.s32 $0x1, s20  }
0x17: {  	p1 =	sge.u32 s19, s9  }
0x18: {  	s21 =	sand.u32 @!p1 $0x1, s19  }
0x19: {  	s22 =	sadd.s32 @!p1 $0x1, s21  }
0x1a: {  	s24 =	smul.u32 @!p1 $0x28000, s21;
	_ =	swait.ge @!p1 [sflag:s22], $0x1400  }
0x1b: {  	s23 =	smul.u32 @!p1 $0x5000, s21;
	[sflag:s22] =	ssyncset.done @!p1 $0x0  }
0x1c: {  	s21 =	sadd.s32 @!p1 $0x3, s21;
	[sflag:s22] =	ssyncadd.s32 @!p1 $0xFFFFEC00;
	s22 =	sshrl.u32 @!p1 s24, $0x2  }
0x1d: {  	s23 =	sshrl.u32 @!p1 s23, $0x2;
	s24 =	simm.s32 @!p1 $0x1400;
	s22 =	sadd.s32 @!p1 $0x2800, s22  }
0x1e: {  	[tilespmem:s22], [sflag:s21] =	stream.indirect.gather @!p1 [hbm4b:s1+s24], $0x8, s23, s24, $0xb8;
	[tilespmem:$0x1A400] =	vst v63  }
0x1f: {  	s22 =	sadd.s32 $0x2, s20  }
0x20: {  	s21 =	sand.u32 $0x1, s20;
	p1 =	sge.u32 s22, s9  }
0x21: {  	s30 =	sadd.s32 $0x3, s21;
	s22 =	sshll.u32 @!p1 s22, $0x5  }
0x22: {  	_ =	swait.ge [sflag:s30], $0xA000;
	s24 =	smul.u32 @!p1 $0x5000, s21;
	s22 =	sor.u32 @!p1 s7, s22  }
0x23: {  	[sflag:s30] =	ssyncset.done $0x0;
	s22 =	smul.u32 @!p1 $0x280, s22  }
0x24: {  	s25 =	simm.s32 @!p1 $0x0;
	[sflag:s30] =	ssyncadd.s32 $0xFFFF6000  }
0x25: {  	s23 =	sshrl.u32 @!p1 s24, $0x2;
	s24 =	sadd.s32 @!p1 $0x1, s21;
	s22 =	sadd.s32 @!p1 s2, s22  }
0x26: {  	[tilespmem:s23], [sflag:s24] =	stream.linear.gather @!p1 [hbm4b:s22+s25], $0x1400, $0x38;
	[tilespmem:$0x1A400] =	vst v63  }
0x27: {  	p1 =	slt.u32 s20, $0x2  }
0x28: {  	s22 =	sadd.s32 @!p1 $0x5, s21  }
0x29: {  	_ =	swait.ge @!p1 [sflag:s22], $0xA00  }
0x2a: {  	[sflag:s22] =	ssyncset.done @!p1 $0x0  }
0x2b: {  	s23 =	simm.s32 $0x1;
	[sflag:s22] =	ssyncadd.s32 @!p1 $0xFFFFF600  }
0x2c: {  	s23 =	simm.s32 @!p0 $0x0;
	_ =	swait.ge @!p1 [sflag:s22], $0xA00  }
0x2d: {  	s31 =	smul.u32 $0x2800, s23;
	[sflag:s22] =	ssyncset.done @!p1 $0x0  }
0x2e: {  	s28 =	simm.s32 $0x0;
	[sflag:s22] =	ssyncadd.s32 @!p1 $0xFFFFF600  }
0x2f: {  	s23 =	smul.u32 $0x1400, s23;
	s26 =	sshrl.u32 s31, $0x2;
	_ =	swait.ge @!p1 [sflag:s22], $0xA00  }
0x30: {  	s24 =	sor.u32 $0x19040, s26;
	s25 =	sadd.s32 $0x16840, s26;
	[sflag:s22] =	ssyncset.done @!p1 $0x0  }
0x31: {  	s26 =	sadd.s32 $0x17C40, s26;
	[sflag:s22] =	ssyncadd.s32 @!p1 $0xFFFFF600;
	s22 =	smul.u32 $0xA00, s21  }
.LBB2_3:
0x32: {  	s29 =	sadd.s32 s28, s23  }
0x33: {  	v2 =	vmov s29  }
0x34: {  	v2 =	vshll.u32 v2, $0x3  }
0x35: {  	v3 =	vor.u32 v0, v2  }
0x36: {  	v2 =	vor.u32 v1, v2  }
0x37: {  	v4 =	vor.u32 $0x1, v3  }
0x38: {  	v5 =	vor.u32 $0x1, v2  }
0x39: {  	v6 =	vor.u32 $0x2, v3  }
0x3a: {  	v7 =	vor.u32 $0x2, v2;
	v3 =	vld.idx.msk [tilespmem:v3+s17+$0x0], $0xffff  }
0x3b: {  	v2 =	vld.idx.msk [tilespmem:v2+s17+$0x0], $0xffff  }
0x3c: {  	v4 =	vld.idx.msk [tilespmem:v4+s17+$0x0], $0xffff  }
0x3d: {  	v5 =	vld.idx.msk [tilespmem:v5+s17+$0x0], $0xffff  }
0x3e: {  	v6 =	vld.idx.msk [tilespmem:v6+s17+$0x0], $0xffff  }
0x3f: {  	v7 =	vld.idx.msk [tilespmem:v7+s17+$0x0], $0xffff;
	_ =	sdelay $0x2  }
0x40: {  	v2 =	vsub.f32 v2, v3;
	v3 =	vsub.f32 v5, v4;
	_ =	sdelay $0x1  }
0x41: {  	v10 =	vsub.f32 v7, v6;
	v11 =	vmul.f32 v2, v2;
	v12 =	vmul.f32 v3, v3;
	_ =	sdelay $0x1  }
0x42: {  	v13 =	vmul.f32 v10, v10;
	v5 =	vadd.f32 v12, v11;
	_ =	sdelay $0x1  }
0x43: {  	v5 =	vadd.f32 v13, v5;
	_ =	sdelay $0x1  }
0x44: {  	v6 =	vshra.s32 v5, $0x1;
	v5 =	vmul.f32 $5.000000000e-01, v5  }
0x45: {  	v6 =	vsub.s32 $0x5F3759DF, v6  }
0x46: {  	v14 =	vmul.f32 v6, v5;
	_ =	sdelay $0x1  }
0x47: {  	v7 =	vmul.f32 v6, v14;
	_ =	sdelay $0x1  }
0x48: {  	v7 =	vsub.f32 $1.500000000e+00, v7;
	_ =	sdelay $0x1  }
0x49: {  	v6 =	vmul.f32 v6, v7;
	_ =	sdelay $0x1  }
0x4a: {  	v5 =	vmul.f32 v6, v5;
	_ =	sdelay $0x1  }
0x4b: {  	v5 =	vmul.f32 v5, v6;
	_ =	sdelay $0x1  }
0x4c: {  	v5 =	vsub.f32 $1.500000000e+00, v5;
	_ =	sdelay $0x1  }
0x4d: {  	v5 =	vmul.f32 v5, v6;
	_ =	sdelay $0x1  }
0x4e: {  	v5 =	vmul.f32 $5.000000000e-01, v5  }
0x4f: {  	s30 =	sadd.s32 $0x10, s29  }
0x50: {  	v15 =	vmov s30;
	v2 =	vmul.f32 v5, v2  }
0x51: {  	v6 =	vshll.u32 v15, $0x3;
	v3 =	vmul.f32 v5, v3  }
0x52: {  	v16 =	vor.u32 v0, v6;
	v4 =	vmul.f32 v5, v10;
	v2 =	vadd.f32 $5.000000000e-01, v2  }
0x53: {  	v17 =	vor.u32 $0x1, v16;
	v3 =	vadd.f32 $5.000000000e-01, v3  }
0x54: {  	v18 =	vor.u32 v1, v6;
	[tilespmem:s25+$0xFFFFFFC0] =	vst v2;
	v2 =	vadd.f32 $5.000000000e-01, v4  }
0x55: {  	[tilespmem:s26+$0xFFFFFFC0] =	vst v3;
	v3 =	vor.u32 $0x1, v18  }
0x56: {  	v6 =	vor.u32 $0x2, v18;
	[tilespmem:s24+$0xFFFFFFC0] =	vst v2  }
0x57: {  	v2 =	vor.u32 $0x2, v16;
	v5 =	vld.idx.msk [tilespmem:v16+s17+$0x0], $0xffff  }
0x58: {  	v7 =	vld.idx.msk [tilespmem:v17+s17+$0x0], $0xffff  }
0x59: {  	v4 =	vld.idx.msk [tilespmem:v18+s17+$0x0], $0xffff  }
0x5a: {  	v3 =	vld.idx.msk [tilespmem:v3+s17+$0x0], $0xffff  }
0x5b: {  	v6 =	vld.idx.msk [tilespmem:v6+s17+$0x0], $0xffff  }
0x5c: {  	v2 =	vld.idx.msk [tilespmem:v2+s17+$0x0], $0xffff;
	_ =	sdelay $0x2  }
0x5d: {  	v4 =	vsub.f32 v4, v5;
	v3 =	vsub.f32 v3, v7;
	_ =	sdelay $0x1  }
0x5e: {  	v5 =	vmul.f32 v4, v4;
	v2 =	vsub.f32 v6, v2;
	v19 =	vmul.f32 v3, v3;
	_ =	sdelay $0x1  }
0x5f: {  	v20 =	vmul.f32 v2, v2;
	v5 =	vadd.f32 v19, v5;
	_ =	sdelay $0x1  }
0x60: {  	v5 =	vadd.f32 v20, v5;
	_ =	sdelay $0x1  }
0x61: {  	v6 =	vshra.s32 v5, $0x1;
	v5 =	vmul.f32 $5.000000000e-01, v5  }
0x62: {  	v6 =	vsub.s32 $0x5F3759DF, v6  }
0x63: {  	v21 =	vmul.f32 v6, v5;
	_ =	sdelay $0x1  }
0x64: {  	v7 =	vmul.f32 v6, v21;
	_ =	sdelay $0x1  }
0x65: {  	v7 =	vsub.f32 $1.500000000e+00, v7;
	_ =	sdelay $0x1  }
0x66: {  	v6 =	vmul.f32 v6, v7;
	_ =	sdelay $0x1  }
0x67: {  	v5 =	vmul.f32 v6, v5;
	_ =	sdelay $0x1  }
0x68: {  	v5 =	vmul.f32 v5, v6;
	_ =	sdelay $0x1  }
0x69: {  	v5 =	vsub.f32 $1.500000000e+00, v5;
	_ =	sdelay $0x1  }
0x6a: {  	v5 =	vmul.f32 v5, v6;
	_ =	sdelay $0x1  }
0x6b: {  	v5 =	vmul.f32 $5.000000000e-01, v5  }
0x6c: {  	s31 =	sadd.s32 $0x20, s29  }
0x6d: {  	v22 =	vmov s31;
	v4 =	vmul.f32 v5, v4  }
0x6e: {  	v6 =	vshll.u32 v22, $0x3;
	v3 =	vmul.f32 v5, v3  }
0x6f: {  	v23 =	vor.u32 v0, v6;
	v2 =	vmul.f32 v5, v2;
	v4 =	vadd.f32 $5.000000000e-01, v4  }
0x70: {  	v24 =	vor.u32 $0x1, v23;
	v3 =	vadd.f32 $5.000000000e-01, v3  }
0x71: {  	v25 =	vor.u32 v1, v6;
	v2 =	vadd.f32 $5.000000000e-01, v2;
	[tilespmem:s25+$0xFFFFFFD0] =	vst v4  }
0x72: {  	[tilespmem:s26+$0xFFFFFFD0] =	vst v3;
	v3 =	vor.u32 $0x1, v25  }
0x73: {  	v6 =	vor.u32 $0x2, v25;
	[tilespmem:s24+$0xFFFFFFD0] =	vst v2  }
0x74: {  	v2 =	vor.u32 $0x2, v23;
	v5 =	vld.idx.msk [tilespmem:v23+s17+$0x0], $0xffff  }
0x75: {  	v7 =	vld.idx.msk [tilespmem:v24+s17+$0x0], $0xffff  }
0x76: {  	v4 =	vld.idx.msk [tilespmem:v25+s17+$0x0], $0xffff  }
0x77: {  	v3 =	vld.idx.msk [tilespmem:v3+s17+$0x0], $0xffff  }
0x78: {  	v6 =	vld.idx.msk [tilespmem:v6+s17+$0x0], $0xffff  }
0x79: {  	v2 =	vld.idx.msk [tilespmem:v2+s17+$0x0], $0xffff;
	_ =	sdelay $0x2  }
0x7a: {  	v4 =	vsub.f32 v4, v5;
	v3 =	vsub.f32 v3, v7;
	_ =	sdelay $0x1  }
0x7b: {  	v5 =	vmul.f32 v4, v4;
	v2 =	vsub.f32 v6, v2;
	v26 =	vmul.f32 v3, v3;
	_ =	sdelay $0x1  }
0x7c: {  	v27 =	vmul.f32 v2, v2;
	v5 =	vadd.f32 v26, v5;
	_ =	sdelay $0x1  }
0x7d: {  	v5 =	vadd.f32 v27, v5;
	_ =	sdelay $0x1  }
0x7e: {  	v6 =	vshra.s32 v5, $0x1;
	v5 =	vmul.f32 $5.000000000e-01, v5  }
0x7f: {  	v6 =	vsub.s32 $0x5F3759DF, v6  }
0x80: {  	v28 =	vmul.f32 v6, v5;
	_ =	sdelay $0x1  }
0x81: {  	v7 =	vmul.f32 v6, v28;
	_ =	sdelay $0x1  }
0x82: {  	v7 =	vsub.f32 $1.500000000e+00, v7;
	_ =	sdelay $0x1  }
0x83: {  	v6 =	vmul.f32 v6, v7;
	_ =	sdelay $0x1  }
0x84: {  	v5 =	vmul.f32 v6, v5;
	_ =	sdelay $0x1  }
0x85: {  	v5 =	vmul.f32 v5, v6;
	_ =	sdelay $0x1  }
0x86: {  	v5 =	vsub.f32 $1.500000000e+00, v5;
	_ =	sdelay $0x1  }
0x87: {  	v5 =	vmul.f32 v5, v6;
	_ =	sdelay $0x1  }
0x88: {  	v5 =	vmul.f32 $5.000000000e-01, v5  }
0x89: {  	s31 =	sadd.s32 $0x30, s29  }
0x8a: {  	v29 =	vmov s31;
	v4 =	vmul.f32 v5, v4  }
0x8b: {  	v6 =	vshll.u32 v29, $0x3;
	v3 =	vmul.f32 v5, v3  }
0x8c: {  	v30 =	vor.u32 v0, v6;
	v2 =	vmul.f32 v5, v2;
	v4 =	vadd.f32 $5.000000000e-01, v4  }
0x8d: {  	v31 =	vor.u32 $0x1, v30;
	v3 =	vadd.f32 $5.000000000e-01, v3  }
0x8e: {  	v32 =	vor.u32 v1, v6;
	v2 =	vadd.f32 $5.000000000e-01, v2;
	[tilespmem:s25+$0xFFFFFFE0] =	vst v4  }
0x8f: {  	[tilespmem:s26+$0xFFFFFFE0] =	vst v3;
	v3 =	vor.u32 $0x1, v32  }
0x90: {  	v6 =	vor.u32 $0x2, v32;
	[tilespmem:s24+$0xFFFFFFE0] =	vst v2  }
0x91: {  	v2 =	vor.u32 $0x2, v30;
	v5 =	vld.idx.msk [tilespmem:v30+s17+$0x0], $0xffff  }
0x92: {  	v7 =	vld.idx.msk [tilespmem:v31+s17+$0x0], $0xffff  }
0x93: {  	v4 =	vld.idx.msk [tilespmem:v32+s17+$0x0], $0xffff  }
0x94: {  	v3 =	vld.idx.msk [tilespmem:v3+s17+$0x0], $0xffff  }
0x95: {  	v6 =	vld.idx.msk [tilespmem:v6+s17+$0x0], $0xffff  }
0x96: {  	v2 =	vld.idx.msk [tilespmem:v2+s17+$0x0], $0xffff;
	_ =	sdelay $0x2  }
0x97: {  	v4 =	vsub.f32 v4, v5;
	v3 =	vsub.f32 v3, v7;
	_ =	sdelay $0x1  }
0x98: {  	v5 =	vmul.f32 v4, v4;
	v2 =	vsub.f32 v6, v2;
	v33 =	vmul.f32 v3, v3;
	_ =	sdelay $0x1  }
0x99: {  	v34 =	vmul.f32 v2, v2;
	v5 =	vadd.f32 v33, v5;
	_ =	sdelay $0x1  }
0x9a: {  	v5 =	vadd.f32 v34, v5;
	_ =	sdelay $0x1  }
0x9b: {  	v6 =	vshra.s32 v5, $0x1;
	v5 =	vmul.f32 $5.000000000e-01, v5  }
0x9c: {  	v6 =	vsub.s32 $0x5F3759DF, v6  }
0x9d: {  	v35 =	vmul.f32 v6, v5;
	_ =	sdelay $0x1  }
0x9e: {  	v7 =	vmul.f32 v6, v35;
	_ =	sdelay $0x1  }
0x9f: {  	v7 =	vsub.f32 $1.500000000e+00, v7;
	_ =	sdelay $0x1  }
0xa0: {  	v6 =	vmul.f32 v6, v7;
	_ =	sdelay $0x1  }
0xa1: {  	v5 =	vmul.f32 v6, v5;
	_ =	sdelay $0x1  }
0xa2: {  	v5 =	vmul.f32 v5, v6;
	_ =	sdelay $0x1  }
0xa3: {  	v5 =	vsub.f32 $1.500000000e+00, v5;
	_ =	sdelay $0x1  }
0xa4: {  	v5 =	vmul.f32 v5, v6;
	_ =	sdelay $0x1  }
0xa5: {  	v5 =	vmul.f32 $5.000000000e-01, v5  }
0xa6: {  	s31 =	sadd.s32 $0x40, s29  }
0xa7: {  	v36 =	vmov s31;
	v4 =	vmul.f32 v5, v4  }
0xa8: {  	v6 =	vshll.u32 v36, $0x3;
	v3 =	vmul.f32 v5, v3  }
0xa9: {  	v37 =	vor.u32 v0, v6;
	v2 =	vmul.f32 v5, v2;
	v4 =	vadd.f32 $5.000000000e-01, v4  }
0xaa: {  	v38 =	vor.u32 $0x1, v37;
	v3 =	vadd.f32 $5.000000000e-01, v3  }
0xab: {  	v39 =	vor.u32 v1, v6;
	v2 =	vadd.f32 $5.000000000e-01, v2;
	[tilespmem:s25+$0xFFFFFFF0] =	vst v4  }
0xac: {  	[tilespmem:s26+$0xFFFFFFF0] =	vst v3;
	v3 =	vor.u32 $0x1, v39  }
0xad: {  	v6 =	vor.u32 $0x2, v39;
	[tilespmem:s24+$0xFFFFFFF0] =	vst v2  }
0xae: {  	v2 =	vor.u32 $0x2, v37;
	v5 =	vld.idx.msk [tilespmem:v37+s17+$0x0], $0xffff  }
0xaf: {  	v7 =	vld.idx.msk [tilespmem:v38+s17+$0x0], $0xffff  }
0xb0: {  	v4 =	vld.idx.msk [tilespmem:v39+s17+$0x0], $0xffff  }
0xb1: {  	v3 =	vld.idx.msk [tilespmem:v3+s17+$0x0], $0xffff  }
0xb2: {  	v6 =	vld.idx.msk [tilespmem:v6+s17+$0x0], $0xffff  }
0xb3: {  	v2 =	vld.idx.msk [tilespmem:v2+s17+$0x0], $0xffff;
	_ =	sdelay $0x2  }
0xb4: {  	v4 =	vsub.f32 v4, v5;
	v3 =	vsub.f32 v3, v7;
	_ =	sdelay $0x1  }
0xb5: {  	v5 =	vmul.f32 v4, v4;
	v2 =	vsub.f32 v6, v2;
	v40 =	vmul.f32 v3, v3;
	_ =	sdelay $0x1  }
0xb6: {  	v41 =	vmul.f32 v2, v2;
	v5 =	vadd.f32 v40, v5;
	_ =	sdelay $0x1  }
0xb7: {  	v5 =	vadd.f32 v41, v5;
	_ =	sdelay $0x1  }
0xb8: {  	v6 =	vshra.s32 v5, $0x1;
	v5 =	vmul.f32 $5.000000000e-01, v5  }
0xb9: {  	v6 =	vsub.s32 $0x5F3759DF, v6  }
0xba: {  	v42 =	vmul.f32 v6, v5;
	_ =	sdelay $0x1  }
0xbb: {  	v7 =	vmul.f32 v6, v42;
	_ =	sdelay $0x1  }
0xbc: {  	v7 =	vsub.f32 $1.500000000e+00, v7;
	_ =	sdelay $0x1  }
0xbd: {  	v6 =	vmul.f32 v6, v7;
	_ =	sdelay $0x1  }
0xbe: {  	v5 =	vmul.f32 v6, v5;
	_ =	sdelay $0x1  }
0xbf: {  	v5 =	vmul.f32 v5, v6;
	_ =	sdelay $0x1  }
0xc0: {  	v5 =	vsub.f32 $1.500000000e+00, v5;
	_ =	sdelay $0x1  }
0xc1: {  	v5 =	vmul.f32 v5, v6;
	_ =	sdelay $0x1  }
0xc2: {  	v5 =	vmul.f32 $5.000000000e-01, v5  }
0xc3: {  	s31 =	sadd.s32 $0x50, s29  }
0xc4: {  	v43 =	vmov s31;
	v4 =	vmul.f32 v5, v4  }
0xc5: {  	v6 =	vshll.u32 v43, $0x3;
	v3 =	vmul.f32 v5, v3  }
0xc6: {  	v44 =	vor.u32 v0, v6;
	v2 =	vmul.f32 v5, v2;
	v4 =	vadd.f32 $5.000000000e-01, v4  }
0xc7: {  	v45 =	vor.u32 $0x1, v44;
	v3 =	vadd.f32 $5.000000000e-01, v3  }
0xc8: {  	v46 =	vor.u32 v1, v6;
	v2 =	vadd.f32 $5.000000000e-01, v2;
	[tilespmem:s25+$0x0] =	vst v4  }
0xc9: {  	[tilespmem:s26+$0x0] =	vst v3;
	v3 =	vor.u32 $0x1, v46  }
0xca: {  	v6 =	vor.u32 $0x2, v46;
	[tilespmem:s24+$0x0] =	vst v2  }
0xcb: {  	v2 =	vor.u32 $0x2, v44;
	v5 =	vld.idx.msk [tilespmem:v44+s17+$0x0], $0xffff  }
0xcc: {  	v7 =	vld.idx.msk [tilespmem:v45+s17+$0x0], $0xffff  }
0xcd: {  	v4 =	vld.idx.msk [tilespmem:v46+s17+$0x0], $0xffff  }
0xce: {  	v3 =	vld.idx.msk [tilespmem:v3+s17+$0x0], $0xffff  }
0xcf: {  	v6 =	vld.idx.msk [tilespmem:v6+s17+$0x0], $0xffff  }
0xd0: {  	v2 =	vld.idx.msk [tilespmem:v2+s17+$0x0], $0xffff;
	_ =	sdelay $0x2  }
0xd1: {  	v4 =	vsub.f32 v4, v5;
	v3 =	vsub.f32 v3, v7;
	_ =	sdelay $0x1  }
0xd2: {  	v5 =	vmul.f32 v4, v4;
	v2 =	vsub.f32 v6, v2;
	v47 =	vmul.f32 v3, v3;
	_ =	sdelay $0x1  }
0xd3: {  	v48 =	vmul.f32 v2, v2;
	v5 =	vadd.f32 v47, v5;
	_ =	sdelay $0x1  }
0xd4: {  	v5 =	vadd.f32 v48, v5;
	_ =	sdelay $0x1  }
0xd5: {  	v6 =	vshra.s32 v5, $0x1;
	v5 =	vmul.f32 $5.000000000e-01, v5  }
0xd6: {  	v6 =	vsub.s32 $0x5F3759DF, v6  }
0xd7: {  	v49 =	vmul.f32 v6, v5;
	_ =	sdelay $0x1  }
0xd8: {  	v7 =	vmul.f32 v6, v49;
	_ =	sdelay $0x1  }
0xd9: {  	v7 =	vsub.f32 $1.500000000e+00, v7;
	_ =	sdelay $0x1  }
0xda: {  	v6 =	vmul.f32 v6, v7;
	_ =	sdelay $0x1  }
0xdb: {  	v5 =	vmul.f32 v6, v5;
	_ =	sdelay $0x1  }
0xdc: {  	v5 =	vmul.f32 v5, v6;
	_ =	sdelay $0x1  }
0xdd: {  	v5 =	vsub.f32 $1.500000000e+00, v5;
	_ =	sdelay $0x1  }
0xde: {  	v5 =	vmul.f32 v5, v6;
	_ =	sdelay $0x1  }
0xdf: {  	v5 =	vmul.f32 $5.000000000e-01, v5  }
0xe0: {  	s31 =	sadd.s32 $0x60, s29  }
0xe1: {  	v50 =	vmov s31;
	v4 =	vmul.f32 v5, v4  }
0xe2: {  	v6 =	vshll.u32 v50, $0x3;
	v3 =	vmul.f32 v5, v3  }
0xe3: {  	v51 =	vor.u32 v0, v6;
	v2 =	vmul.f32 v5, v2;
	v4 =	vadd.f32 $5.000000000e-01, v4  }
0xe4: {  	v52 =	vor.u32 $0x1, v51;
	v3 =	vadd.f32 $5.000000000e-01, v3  }
0xe5: {  	v53 =	vor.u32 v1, v6;
	v2 =	vadd.f32 $5.000000000e-01, v2;
	[tilespmem:s25+$0x10] =	vst v4  }
0xe6: {  	[tilespmem:s26+$0x10] =	vst v3;
	v3 =	vor.u32 $0x1, v53  }
0xe7: {  	v6 =	vor.u32 $0x2, v53;
	[tilespmem:s24+$0x10] =	vst v2  }
0xe8: {  	v2 =	vor.u32 $0x2, v51;
	v5 =	vld.idx.msk [tilespmem:v51+s17+$0x0], $0xffff  }
0xe9: {  	v7 =	vld.idx.msk [tilespmem:v52+s17+$0x0], $0xffff  }
0xea: {  	v4 =	vld.idx.msk [tilespmem:v53+s17+$0x0], $0xffff  }
0xeb: {  	v3 =	vld.idx.msk [tilespmem:v3+s17+$0x0], $0xffff  }
0xec: {  	v6 =	vld.idx.msk [tilespmem:v6+s17+$0x0], $0xffff  }
0xed: {  	v2 =	vld.idx.msk [tilespmem:v2+s17+$0x0], $0xffff;
	_ =	sdelay $0x2  }
0xee: {  	v4 =	vsub.f32 v4, v5;
	v3 =	vsub.f32 v3, v7;
	_ =	sdelay $0x1  }
0xef: {  	v5 =	vmul.f32 v4, v4;
	v2 =	vsub.f32 v6, v2;
	v54 =	vmul.f32 v3, v3;
	_ =	sdelay $0x1  }
0xf0: {  	v55 =	vmul.f32 v2, v2;
	v5 =	vadd.f32 v54, v5;
	_ =	sdelay $0x1  }
0xf1: {  	v5 =	vadd.f32 v55, v5;
	_ =	sdelay $0x1  }
0xf2: {  	v6 =	vshra.s32 v5, $0x1;
	v5 =	vmul.f32 $5.000000000e-01, v5  }
0xf3: {  	v6 =	vsub.s32 $0x5F3759DF, v6  }
0xf4: {  	v56 =	vmul.f32 v6, v5;
	_ =	sdelay $0x1  }
0xf5: {  	v7 =	vmul.f32 v6, v56;
	_ =	sdelay $0x1  }
0xf6: {  	v7 =	vsub.f32 $1.500000000e+00, v7;
	_ =	sdelay $0x1  }
0xf7: {  	v6 =	vmul.f32 v6, v7;
	_ =	sdelay $0x1  }
0xf8: {  	v5 =	vmul.f32 v6, v5;
	_ =	sdelay $0x1  }
0xf9: {  	v5 =	vmul.f32 v5, v6;
	_ =	sdelay $0x1  }
0xfa: {  	v5 =	vsub.f32 $1.500000000e+00, v5;
	_ =	sdelay $0x1  }
0xfb: {  	v5 =	vmul.f32 v5, v6;
	_ =	sdelay $0x1  }
0xfc: {  	v5 =	vmul.f32 $5.000000000e-01, v5  }
0xfd: {  	s29 =	sadd.s32 $0x70, s29  }
0xfe: {  	v57 =	vmov s29;
	v4 =	vmul.f32 v5, v4  }
0xff: {  	v6 =	vshll.u32 v57, $0x3;
	v3 =	vmul.f32 v5, v3  }
0x100: {  	v58 =	vor.u32 v0, v6;
	v2 =	vmul.f32 v5, v2;
	v4 =	vadd.f32 $5.000000000e-01, v4  }
0x101: {  	v59 =	vor.u32 $0x1, v58;
	v3 =	vadd.f32 $5.000000000e-01, v3  }
0x102: {  	v60 =	vor.u32 v1, v6;
	v2 =	vadd.f32 $5.000000000e-01, v2;
	[tilespmem:s25+$0x20] =	vst v4  }
0x103: {  	[tilespmem:s26+$0x20] =	vst v3;
	v3 =	vor.u32 $0x1, v60  }
0x104: {  	v6 =	vor.u32 $0x2, v60;
	[tilespmem:s24+$0x20] =	vst v2  }
0x105: {  	v2 =	vor.u32 $0x2, v58;
	v5 =	vld.idx.msk [tilespmem:v58+s17+$0x0], $0xffff  }
0x106: {  	v7 =	vld.idx.msk [tilespmem:v59+s17+$0x0], $0xffff  }
0x107: {  	v4 =	vld.idx.msk [tilespmem:v60+s17+$0x0], $0xffff  }
0x108: {  	v3 =	vld.idx.msk [tilespmem:v3+s17+$0x0], $0xffff  }
0x109: {  	v6 =	vld.idx.msk [tilespmem:v6+s17+$0x0], $0xffff  }
0x10a: {  	v2 =	vld.idx.msk [tilespmem:v2+s17+$0x0], $0xffff;
	_ =	sdelay $0x2  }
0x10b: {  	v4 =	vsub.f32 v4, v5;
	v3 =	vsub.f32 v3, v7;
	_ =	sdelay $0x1  }
0x10c: {  	v5 =	vmul.f32 v4, v4;
	v2 =	vsub.f32 v6, v2;
	v61 =	vmul.f32 v3, v3;
	_ =	sdelay $0x1  }
0x10d: {  	v62 =	vmul.f32 v2, v2;
	v5 =	vadd.f32 v61, v5;
	_ =	sdelay $0x1  }
0x10e: {  	v5 =	vadd.f32 v62, v5;
	_ =	sdelay $0x1  }
0x10f: {  	v6 =	vshra.s32 v5, $0x1;
	v5 =	vmul.f32 $5.000000000e-01, v5  }
0x110: {  	v6 =	vsub.s32 $0x5F3759DF, v6  }
0x111: {  	v63 =	vmul.f32 v6, v5;
	_ =	sdelay $0x1  }
0x112: {  	v7 =	vmul.f32 v6, v63;
	_ =	sdelay $0x1  }
0x113: {  	v7 =	vsub.f32 $1.500000000e+00, v7;
	_ =	sdelay $0x1  }
0x114: {  	v6 =	vmul.f32 v6, v7;
	_ =	sdelay $0x1  }
0x115: {  	v5 =	vmul.f32 v6, v5;
	_ =	sdelay $0x1  }
0x116: {  	v5 =	vmul.f32 v5, v6;
	_ =	sdelay $0x1  }
0x117: {  	v5 =	vsub.f32 $1.500000000e+00, v5;
	_ =	sdelay $0x1  }
0x118: {  	v5 =	vmul.f32 v5, v6;
	_ =	sdelay $0x1  }
0x119: {  	v5 =	vmul.f32 $5.000000000e-01, v5;
	_ =	sdelay $0x1  }
0x11a: {  	v4 =	vmul.f32 v5, v4  }
0x11b: {  	p1 =	sne.s32 s28, $0x1300;
	v3 =	vmul.f32 v5, v3  }
.Ltmp0:
0x11c: {  	v2 =	vmul.f32 v5, v2;
	v4 =	vadd.f32 $5.000000000e-01, v4;
	(pc) =	sbr.rel @p1 .LBB2_3-.Ltmp0, $4  }
0x11d: {  	v3 =	vadd.f32 $5.000000000e-01, v3  }
0x11e: {  	v2 =	vadd.f32 $5.000000000e-01, v2;
	[tilespmem:s25+$0x30] =	vst v4  }
0x11f: {  	s28 =	sadd.s32 $0x100, s28;
	[tilespmem:s26+$0x30] =	vst v3  }
0x120: {  	s25 =	sadd.s32 $0x80, s25;
	s26 =	sadd.s32 $0x80, s26;
	[tilespmem:s24+$0x30] =	vst v2;
	s24 =	sadd.s32 $0x80, s24  }
0x121: {  	s20 =	sshll.u32 s20, $0x5  }
0x122: {  	s20 =	sor.u32 s7, s20  }
0x123: {  	s20 =	smul.u32 $0xA00, s20;
	_ =	sdelay $0x1  }
0x124: {  	s21 =	sadd.s32 $0x5, s21;
	s20 =	sshrl.u32 s20, $0x3  }
0x125: {  	s24 =	sadd.s32 $0x16800, s22;
	p1 =	sne.s32 s19, s9;
	s23 =	sadd.s32 s5, s20  }
0x126: {  	[hbm4b:s23+s4] =	stream.linear.scatter [tilespmem:s24], [sflag:s21], $0xA00, $0x38;
	[tilespmem:$0x1A400] =	vst v63  }
.Ltmp1:
0x127: {  	s30 =	sadd.s32 $0x17C00, s22;
	s29 =	sadd.s32 s6, s20;
	(pc) =	sbr.rel @p1 .LBB2_2-.Ltmp1, $4  }
0x128: {  	[hbm4b:s29+s4] =	stream.linear.scatter [tilespmem:s30], [sflag:s21], $0xA00, $0x38;
	[tilespmem:$0x1A400] =	vst v63  }
0x129: {  	s31 =	sor.u32 $0x19000, s22;
	s20 =	sadd.s32 s8, s20  }
0x12a: {  	[hbm4b:s20+s4] =	stream.linear.scatter [tilespmem:s31], [sflag:s21], $0xA00, $0x38;
	[tilespmem:$0x1A400] =	vst v63  }
0x12b: {  	p0 =	por !p0, !p0;
	s20 =	smov.u32 s19  }
0x12c: {  	_ =	swait.ge [sflag:s13], $0xA00  }
0x12d: {  	[sflag:s13] =	ssyncset.done $0x0  }
0x12e: {  	[sflag:s13] =	ssyncadd.s32 $0xFFFFF600  }
0x12f: {  	_ =	swait.ge [sflag:s13], $0xA00  }
0x130: {  	[sflag:s13] =	ssyncset.done $0x0  }
0x131: {  	[sflag:s13] =	ssyncadd.s32 $0xFFFFF600  }
0x132: {  	_ =	swait.ge [sflag:s13], $0xA00  }
0x133: {  	[sflag:s13] =	ssyncset.done $0x0  }
0x134: {  	[sflag:s13] =	ssyncadd.s32 $0xFFFFF600  }
0x135: {  	_ =	swait.ge [sflag:s14], $0xA00  }
0x136: {  	[sflag:s14] =	ssyncset.done $0x0  }
0x137: {  	s18 =	sadd.s32 $0x1, s18;
	[sflag:s14] =	ssyncadd.s32 $0xFFFFF600  }
0x138: {  	p0 =	sne.s32 s18, s12;
	_ =	swait.ge [sflag:s14], $0xA00  }
.Ltmp2:
0x139: {  	[sflag:s14] =	ssyncset.done $0x0;
	(pc) =	sbr.rel @p0 .LBB2_1-.Ltmp2, $4  }
0x13a: {  	[sflag:s14] =	ssyncadd.s32 $0xFFFFF600  }
0x13b: {  	_ =	swait.ge [sflag:s14], $0xA00  }
0x13c: {  	[sflag:s14] =	ssyncset.done $0x0  }
0x13d: {  	[sflag:s14] =	ssyncadd.s32 $0xFFFFF600  }
0x13e: {  	_ =	sfence.sel $0x180000  }
0x13f: {  	[bflag:$0x0] =	sbarrier.arrive $0xFFFF  }
0x140: {  	p0 =	sne.s32 s3, $0x0;
	_ =	strace $0x90000047  }
0x141: {  	s0 =	sadd.s32 @!p0 $0x100000, s0;
	[bflag:$0x2] =	sbarrier.arrive $0xFFFF  }
0x142: {  	[sflag:s0] =	ssyncadd.tile.s32 @!p0 $0x1;
	_ =	shalt  }
.Lfunc_end2:
_tile_overlayer_lowered:
.L_overlay_start_2:
0x143: {  	(tag) =	ssettag $0x2  }
0x144: {  	s0 =	rddreg [dreg:$0x0];
	s2 =	stileid.u32  }
0x145: {  	s1 =	rddreg [dreg:$0x1];
	p0 =	sne.s32 s2, $0x0  }
0x146: {  	s3 =	rddreg [dreg:$0x2];
	[bflag:$0x3] =	sbarrier.arrive $0xFFFF;
	s2 =	simm.s32 @!p0 $0x1C07  }
0x147: {  	[timem:s3], [sflag:s2] =	dma.local @!p0 [hbm:s0], s1  }
0x148: {  	s0 =	simm.s32 @!p0 $0x7  }
0x149: {  	_ =	swait.ge @!p0 [sflag:s0], s1  }
0x14a: {  	s1 =	ssub.s32 @!p0 $0x0, s1;
	[sflag:s0] =	ssyncset.done @!p0 $0x0  }
0x14b: {  	[sflag:s0] =	ssyncadd.s32 @!p0 s1  }
0x14c: {  	[bflag:$0x3] =	sbarrier.arrive $0xFFFF  }
0x14d: {  	_ =	shalt  }

</sc_bundles>
